<compile_context>
chip_gen: v7x
topology: tpu7x:2x2x1
jax: 0.10.2.dev20260603
libtpu: 0.0.44.dev20260713+nightly
codegen_flags: <defaults>
</compile_context>

<pallas_src>
import functools

import jax
import jax.numpy as jnp
import numpy as np
from jax import lax
from jax.experimental import pallas as pl
from jax.experimental.pallas import tpu as pltpu
from jax.experimental.pallas import tpu_sc as plsc

_L = 16
_UNROLL = 8
_NBINS = 65536
_ROWS = _NBINS // 128
_PADW = 256
_BLK = 1024


def _quantile_index_weights(n: int):
    counts = np.float32(n)
    q = np.float32(0.5) * (counts - np.float32(1.0))
    low = np.floor(q)
    high = np.ceil(q)
    hw = np.float32(q - low)
    lw = np.float32(np.float32(1.0) - hw)
    k_lo = min(max(int(low), 0), n - 1)
    k_hi = min(max(int(high), 0), n - 1)
    return k_lo, k_hi, float(lw), float(hw)


def _pick_chunk(per_w: int) -> int:
    for c in (7168, 6144, 5120, 4096, 3584, 3072, 2048, 1024, 512, 256, 128, 64, 32, 16):
        if per_w % c == 0 and (per_w // c) % 2 == 0:
            return c
    raise ValueError(f"no chunking for per-worker size {per_w}")


def _absdiff_body(p_ref, t_ref, o_ref, *, w):
    d = jnp.abs(p_ref[...] - t_ref[...])
    pad = jnp.zeros((d.shape[0], _PADW - w), jnp.float32)
    o_ref[...] = jnp.concatenate([d, pad], axis=1)


@functools.lru_cache(maxsize=None)
def _make_sc_kernels(total_rows: int):
    mesh = plsc.VectorSubcoreMesh(core_axis_name="c", subcore_axis_name="s")
    nc, ns = mesh.num_cores, mesh.num_subcores
    nw = nc * ns
    assert total_rows % (nw * 8) == 0, total_rows
    rows_w = total_rows // nw
    rchunk = 32
    assert rows_w % rchunk == 0 and (rows_w // rchunk) % 2 == 0
    nchunk = rows_w // rchunk
    npair = nchunk // 2
    chunk = rchunk * _PADW
    nvec = chunk // _L
    vec_per_row = _PADW // _L

    def _start(d_hbm, buf, sem, base, g):
        off = base + g * rchunk
        pltpu.make_async_copy(d_hbm.at[pl.ds(off, rchunk), :], buf, sem).start()

    def _wait(d_hbm, buf, sem):
        pltpu.make_async_copy(d_hbm.at[pl.ds(0, rchunk), :], buf, sem).wait()

    def _zero_hist(hist):
        def zb(i, c):
            hist[pl.ds(i * _L, _L)] = jnp.zeros((_L,), jnp.int32)
            return c

        lax.fori_loop(0, _NBINS // _L, zb, 0)

    def _vec(dbuf, j):
        r = lax.shift_right_logical(j, 4)
        c = jnp.bitwise_and(j, jnp.int32(vec_per_row - 1)) * _L
        return dbuf[r, pl.ds(c, _L)]

    stream_scratch = [
        pltpu.VMEM((rchunk, _PADW), jnp.float32),
        pltpu.VMEM((rchunk, _PADW), jnp.float32),
        pltpu.VMEM((_NBINS,), jnp.int32),
    ]
    sc_params = pltpu.CompilerParams(
        needs_layout_passes=False, use_tc_tiling_on_sc=True
    )

    @functools.partial(
        pl.kernel,
        out_type=jax.ShapeDtypeStruct((nw, _NBINS), jnp.int32),
        mesh=mesh,
        compiler_params=sc_params,
        scratch_types=stream_scratch
        + [pltpu.SemaphoreType.DMA, pltpu.SemaphoreType.DMA],
    )
    def pass1(d_hbm, hist_out, d0, d1, hist, sem0, sem1):
        wid = lax.axis_index("s") * nc + lax.axis_index("c")
        base = wid * rows_w
        _start(d_hbm, d0, sem0, base, 0)
        _start(d_hbm, d1, sem1, base, 1)
        _zero_hist(hist)

        ones = jnp.ones((_L,), jnp.int32)

        def process(dbuf):
            @plsc.parallel_loop(0, nvec, unroll=_UNROLL)
            def _(j):
                d = _vec(dbuf, j)
                bits = plsc.bitcast(d, jnp.int32)
                bn = lax.shift_right_logical(bits, 16)
                plsc.addupdate_scatter(hist, [bn], ones)

        def pair(i, c):
            _wait(d_hbm, d0, sem0)
            process(d0)

            @pl.when(i + 1 < npair)
            def _():
                _start(d_hbm, d0, sem0, base, 2 * i + 2)

            _wait(d_hbm, d1, sem1)
            process(d1)

            @pl.when(i + 1 < npair)
            def _():
                _start(d_hbm, d1, sem1, base, 2 * i + 3)

            return c

        lax.fori_loop(0, npair, pair, 0)
        pltpu.sync_copy(hist, hist_out.at[wid])

    @functools.partial(
        pl.kernel,
        out_type=(
            jax.ShapeDtypeStruct((nw, _NBINS), jnp.int32),
            jax.ShapeDtypeStruct((nw, 2 * _L), jnp.float32),
        ),
        mesh=mesh,
        compiler_params=sc_params,
        scratch_types=stream_scratch
        + [
            pltpu.VMEM((_L,), jnp.int32),
            pltpu.VMEM((2 * _L,), jnp.float32),
            pltpu.SemaphoreType.DMA,
            pltpu.SemaphoreType.DMA,
        ],
    )
    def pass2(da_hbm, db_hbm, bv_hbm, hist_out, stats_out, d0, d1, hist, pv, sv, sem0, sem1):
        wid = lax.axis_index("s") * nc + lax.axis_index("c")
        base = wid * rows_w
        pltpu.sync_copy(bv_hbm, pv)
        bv = pv[...]
        _zero_hist(hist)

        ones = jnp.ones((_L,), jnp.int32)

        def process(dbuf, carry):
            def vb(j, c):
                sacc, macc = c
                d = _vec(dbuf, j)
                bits = plsc.bitcast(d, jnp.int32)
                bn = lax.shift_right_logical(bits, 16)
                low = jnp.bitwise_and(bits, jnp.int32(0xFFFF))
                is_b = bn == bv
                above = bn > bv
                plsc.addupdate_scatter(hist, [low], ones, mask=is_b)
                sacc = sacc + jnp.where(above, d, jnp.float32(0.0))
                macc = jnp.minimum(macc, jnp.where(above, d, jnp.float32(np.inf)))
                return sacc, macc

            return plsc.parallel_loop(0, nvec, unroll=_UNROLL, carry=carry)(vb)

        def half_loop(d_hbm, carry):
            _start(d_hbm, d0, sem0, base, 0)
            _start(d_hbm, d1, sem1, base, 1)

            def pair(i, carry):
                _wait(d_hbm, d0, sem0)
                carry = process(d0, carry)

                @pl.when(i + 1 < npair)
                def _():
                    _start(d_hbm, d0, sem0, base, 2 * i + 2)

                _wait(d_hbm, d1, sem1)
                carry = process(d1, carry)

                @pl.when(i + 1 < npair)
                def _():
                    _start(d_hbm, d1, sem1, base, 2 * i + 3)

                return carry

            return lax.fori_loop(0, npair, pair, carry)

        carry0 = (
            jnp.zeros((_L,), jnp.float32),
            jnp.full((_L,), np.inf, jnp.float32),
        )
        carry1 = half_loop(da_hbm, carry0)
        sacc, macc = half_loop(db_hbm, carry1)
        sv[pl.ds(0, _L)] = sacc
        sv[pl.ds(_L, _L)] = macc
        pltpu.sync_copy(hist, hist_out.at[wid])
        pltpu.sync_copy(sv, stats_out.at[wid])

    return pass1, pass2, nw


def _merge_rows(h, nw):
    if h.ndim == 2 and h.shape[1] == _NBINS:
        h = h.reshape(h.shape[0] * _ROWS, 128)
    m = h[0:_ROWS, :]
    for w in range(1, nw):
        m = m + h[w * _ROWS : (w + 1) * _ROWS, :]
    return m


def _rank_search(m, flat, rank):
    base = jnp.int32(0)
    cb = jnp.int32(0)
    for bit in reversed(range(16)):
        mid = base + jnp.int32(1 << bit)
        seg = jnp.sum(jnp.where((flat >= base) & (flat < mid), m, jnp.int32(0)))
        c = cb + seg
        take = c <= rank
        base = jnp.where(take, mid, base)
        cb = jnp.where(take, c, cb)
    return base, cb


def _iota_flat():
    r = lax.broadcasted_iota(jnp.int32, (_ROWS, 128), 0)
    l = lax.broadcasted_iota(jnp.int32, (_ROWS, 128), 1)
    return r * jnp.int32(128) + l


def _sel1_body(ha_ref, hb_ref, b_ref, cb_ref, *, nw, k_lo):
    m = _merge_rows(ha_ref[...], nw) + _merge_rows(hb_ref[...], nw)
    flat = _iota_flat()
    b, cb = _rank_search(m, flat, jnp.int32(k_lo))
    b_ref[0, 0] = b
    cb_ref[0, 0] = cb


def _sel2_body(
    h_ref, st_ref, b_ref, cb_ref, out_ref, *, nw, n, k_lo, k_hi, w_lo, w_hi
):
    m = _merge_rows(h_ref[...], nw)
    st = st_ref[...]
    s_above = jnp.sum(st[:, 0:_L])
    min_above = jnp.min(st[:, _L : 2 * _L])
    bbin = b_ref[0, 0]
    cbelow = cb_ref[0, 0]
    flat = _iota_flat()
    hi_bits = lax.shift_left(bbin, jnp.int32(16))

    j0 = jnp.int32(k_lo) - cbelow
    l0, _ = _rank_search(m, flat, j0)
    v_lo = lax.bitcast_convert_type(jnp.bitwise_or(hi_bits, l0), jnp.float32)
    if k_hi == k_lo:
        v_hi = v_lo
    else:
        cnt_b = jnp.sum(m)
        j1 = jnp.int32(k_hi) - cbelow
        l1, _ = _rank_search(m, flat, j1)
        v_in = lax.bitcast_convert_type(jnp.bitwise_or(hi_bits, l1), jnp.float32)
        v_hi = jnp.where(j1 < cnt_b, v_in, min_above)

    thr = jnp.float32(w_lo) * v_lo + jnp.float32(w_hi) * v_hi

    vals = lax.bitcast_convert_type(jnp.bitwise_or(hi_bits, flat), jnp.float32)
    bsum = jnp.sum(
        jnp.where(vals >= thr, m.astype(jnp.float32) * vals, jnp.float32(0.0))
    )
    out_ref[0, 0] = (s_above + bsum) / jnp.float32(n)


def kernel(pred, target):
    n = int(np.prod(pred.shape))
    w = pred.shape[-1]
    assert w <= _PADW and n % w == 0
    rows = n // w
    assert rows % _BLK == 0
    n_pad = rows * _PADW
    n_extra = n_pad - n

    k_lo, k_hi, w_lo, w_hi = _quantile_index_weights(n)
    assert rows % 2 == 0
    half = rows // 2
    pass1, pass2, nw = _make_sc_kernels(half)

    p2 = pred.reshape(rows, w)
    t2 = target.reshape(rows, w)

    def make_absdiff(block_off):
        return pl.pallas_call(
            functools.partial(_absdiff_body, w=w),
            grid=(half // _BLK,),
            in_specs=[
                pl.BlockSpec((_BLK, w), lambda i: (i + block_off, 0)),
                pl.BlockSpec((_BLK, w), lambda i: (i + block_off, 0)),
            ],
            out_specs=pl.BlockSpec((_BLK, _PADW), lambda i: (i, 0)),
            out_shape=jax.ShapeDtypeStruct((half, _PADW), jnp.float32),
        )

    d_a = make_absdiff(0)(p2, t2)
    h_a = pass1(d_a)
    d_b = make_absdiff(half // _BLK)(p2, t2)
    h_b = pass1(d_b)

    _smem = pl.BlockSpec(memory_space=pltpu.SMEM)
    _vmem = pl.BlockSpec(memory_space=pltpu.VMEM)
    sel1 = pl.pallas_call(
        functools.partial(_sel1_body, nw=nw, k_lo=k_lo + n_extra),
        in_specs=[_vmem, _vmem],
        out_specs=(_smem, _smem),
        out_shape=(
            jax.ShapeDtypeStruct((1, 1), jnp.int32),
            jax.ShapeDtypeStruct((1, 1), jnp.int32),
        ),
    )
    b, cb = sel1(h_a, h_b)

    bvec = jnp.broadcast_to(b[0, 0], (_L,)).astype(jnp.int32)
    hist2, stats = pass2(d_a, d_b, bvec)

    sel2 = pl.pallas_call(
        functools.partial(
            _sel2_body,
            nw=nw,
            n=n,
            k_lo=k_lo + n_extra,
            k_hi=k_hi + n_extra,
            w_lo=w_lo,
            w_hi=w_hi,
        ),
        in_specs=[_vmem, _vmem, _smem, _smem],
        out_specs=_smem,
        out_shape=jax.ShapeDtypeStruct((1, 1), jnp.float32),
    )
    loss = sel2(hist2, stats, b, cb)
    return loss.reshape(())

# --- scband reference (transcript-rebuilt; emitter-appended) ---
"""Pipeline reference for scband-masked-l1-loss-9869834847145 (READ-ONLY COPY).

The authoritative reference and input builder live on the scoring server;
editing this copy changes nothing except your own understanding.
"""

import jax, jax.numpy as jnp
import numpy as np


def setup_inputs(seed: int = 0) -> dict:
    key = jax.random.key(seed)
    k1, k2 = jax.random.split(key)
    pred = jax.random.normal(k1, (4, 96, 224, 224), dtype=jnp.float32)
    target = jax.random.normal(k2, (4, 96, 224, 224), dtype=jnp.float32)
    return {"pred": pred, "target": target}


def reference(pred, target):
    loss_weight = 1.0
    topk_percentage = 50 / 100.0
    # loss_map = |pred - target|
    loss_map = jnp.abs(pred - target)
    # torch.quantile over the flattened tensor (linear interpolation, same default as jnp.quantile)
    # computed under no_grad in the original -> stop_gradient here
    threshold = jax.lax.stop_gradient(jnp.quantile(loss_map, 1.0 - topk_percentage))
    mask = (loss_map >= threshold).astype(loss_map.dtype)
    masked_loss_map = loss_map * mask
    loss = masked_loss_map.sum() / loss_map.size
    return loss * loss_weight

if __name__ == "__main__":
    import jax
    _d = setup_inputs()
    print(jax.jit(kernel)(*tuple(_d.values())))

</pallas_src>

<mosaic_0001>
#map = affine_map<(d0, d1) -> (0, 0)>
module attributes {stable_mosaic.version = 14 : i64} {
  func.func @pass1(%arg0: i32, %arg1: i32, %arg2: memref<43008x256xf32, #tpu.memory_space<hbm>>, %arg3: memref<32x65536xi32, #tpu.memory_space<hbm>>, %arg4: memref<32x256xf32, #tpu.memory_space<vmem>>, %arg5: memref<32x256xf32, #tpu.memory_space<vmem>>, %arg6: memref<65536xi32, #tpu.memory_space<vmem>>, %arg7: memref<!tpu.dma_semaphore, #tpu.memory_space<semaphore_mem>>, %arg8: memref<!tpu.dma_semaphore, #tpu.memory_space<semaphore_mem>>) attributes {dimension_semantics = [#tpu.dimension_semantics<core_parallel>, #tpu.dimension_semantics<subcore_parallel>], iteration_bounds = array<i64: 2, 16>, scalar_prefetch = 0 : i64, scratch_operands = 5 : i64, tpu.core_type = #tpu.core_type<sc_vector_subcore>, window_params = [{transform_indices = #map}, {transform_indices = #map}]} {
    %mul3A = arith.constant 2 : i32
    %mul3A_0 = arith.muli %arg1, %mul3A : i32
    %add3A = arith.addi %mul3A_0, %arg0 : i32
    %mul3A_1 = arith.constant 1344 : i32
    %mul3A_2 = arith.muli %add3A, %mul3A_1 : i32
    %add3A_3 = arith.constant 0 : i32
    %add3A_4 = arith.addi %mul3A_2, %add3A_3 : i32
    %dma_start3A = arith.constant 0 : i32
    %dma_start3A_5 = tpu.memref_slice %arg2[%add3A_4, %dma_start3A] : memref<43008x256xf32, #tpu.memory_space<hbm>> -> memref<32x256xf32, #tpu.memory_space<hbm>>
    %dma_start3A_6 = arith.constant 0 : i32
    %dma_start3A_7 = tpu.memref_slice %arg2[%add3A_4, %dma_start3A_6] : memref<43008x256xf32, #tpu.memory_space<hbm>> -> memref<32x256xf32, #tpu.memory_space<hbm>>
    tpu.enqueue_dma source(%dma_start3A_7 : memref<32x256xf32, #tpu.memory_space<hbm>>) target(%arg4 : memref<32x256xf32, #tpu.memory_space<vmem>>) target_semaphore(%arg7 : memref<!tpu.dma_semaphore, #tpu.memory_space<semaphore_mem>>)
    %add3A_8 = arith.constant 32 : i32
    %add3A_9 = arith.addi %mul3A_2, %add3A_8 : i32
    %dma_start3A_10 = arith.constant 0 : i32
    %dma_start3A_11 = tpu.memref_slice %arg2[%add3A_9, %dma_start3A_10] : memref<43008x256xf32, #tpu.memory_space<hbm>> -> memref<32x256xf32, #tpu.memory_space<hbm>>
    %dma_start3A_12 = arith.constant 0 : i32
    %dma_start3A_13 = tpu.memref_slice %arg2[%add3A_9, %dma_start3A_12] : memref<43008x256xf32, #tpu.memory_space<hbm>> -> memref<32x256xf32, #tpu.memory_space<hbm>>
    tpu.enqueue_dma source(%dma_start3A_13 : memref<32x256xf32, #tpu.memory_space<hbm>>) target(%arg5 : memref<32x256xf32, #tpu.memory_space<vmem>>) target_semaphore(%arg8 : memref<!tpu.dma_semaphore, #tpu.memory_space<semaphore_mem>>)
    %scan3A = arith.constant 0 : i32
    %scan3A_14 = arith.constant 0 : i32
    %scan3A_15 = arith.constant 4096 : i32
    %scan3A_16 = arith.addi %scan3A_14, %scan3A_15 : i32
    %scan3A_17 = arith.constant 1 : i32
    scf.for %scan3A_26 = %scan3A_14 to %scan3A_16 step %scan3A_17  : i32 {
      %broadcast_in_dim3A_27 = arith.constant 0 : i32
      %broadcast_in_dim3A_28 = vector.broadcast %broadcast_in_dim3A_27 : i32 to vector<16xi32>
      %mul3A_29 = arith.constant 16 : i32
      %mul3A_30 = arith.muli %scan3A_26, %mul3A_29 : i32
      %swap3A = arith.index_cast %mul3A_30 : i32 to index
      %swap3A_31 = tpu.vector_load %arg6[%swap3A] {strides = array<i32>} : memref<65536xi32, #tpu.memory_space<vmem>>, vector<16xi32>,
      tpu.vector_store %arg6[%swap3A], %broadcast_in_dim3A_28 {strides = array<i32>} : memref<65536xi32, #tpu.memory_space<vmem>>, vector<16xi32>,
    }
    %scan3A_18 = arith.constant 4096 : i32
    %broadcast_in_dim3A = arith.constant 1 : i32
    %broadcast_in_dim3A_19 = vector.broadcast %broadcast_in_dim3A : i32 to vector<16xi32>
    %scan3A_20 = arith.constant 0 : i32
    %scan3A_21 = arith.constant 0 : i32
    %scan3A_22 = arith.constant 21 : i32
    %scan3A_23 = arith.addi %scan3A_21, %scan3A_22 : i32
    %scan3A_24 = arith.constant 1 : i32
    scf.for %scan3A_26 = %scan3A_21 to %scan3A_23 step %scan3A_24  : i32 {
      %dma_wait3A = arith.constant 0 : i32
      %dma_wait3A_27 = arith.constant 0 : i32
      %dma_wait3A_28 = tpu.memref_slice %arg2[%dma_wait3A, %dma_wait3A_27] : memref<43008x256xf32, #tpu.memory_space<hbm>> -> memref<32x256xf32, #tpu.memory_space<hbm>>
      %dma_wait3A_29 = arith.constant 0 : i32
      %dma_wait3A_30 = arith.constant 0 : i32
      %dma_wait3A_31 = tpu.memref_slice %arg2[%dma_wait3A_29, %dma_wait3A_30] : memref<43008x256xf32, #tpu.memory_space<hbm>> -> memref<32x256xf32, #tpu.memory_space<hbm>>
      tpu.wait_dma2 semaphore(%arg7 : memref<!tpu.dma_semaphore, #tpu.memory_space<semaphore_mem>>) src(%dma_wait3A_31 : memref<32x256xf32, #tpu.memory_space<hbm>>) dst(%arg4 : memref<32x256xf32, #tpu.memory_space<vmem>>)
      %parallel_loop3A = arith.constant 0 : i32
      %parallel_loop3A_32 = arith.constant 512 : i32
      %parallel_loop3A_33 = arith.constant 1 : i32
      scf.for %parallel_loop3A_54 = %parallel_loop3A to %parallel_loop3A_32 step %parallel_loop3A_33  : i32 {
        %parallel_loop3A_55 = arith.constant 4 : i32
        %parallel_loop3A_56 = arith.shrui %parallel_loop3A_54, %parallel_loop3A_55 : i32
        %parallel_loop3A_57 = arith.constant 15 : i32
        %parallel_loop3A_58 = arith.andi %parallel_loop3A_54, %parallel_loop3A_57 : i32
        %parallel_loop3A_59 = arith.constant 16 : i32
        %parallel_loop3A_60 = arith.muli %parallel_loop3A_58, %parallel_loop3A_59 : i32
        %parallel_loop3A_61 = arith.index_cast %parallel_loop3A_56 : i32 to index
        %parallel_loop3A_62 = arith.index_cast %parallel_loop3A_60 : i32 to index
        %parallel_loop3A_63 = tpu.vector_load %arg4[%parallel_loop3A_61, %parallel_loop3A_62] {strides = array<i32>} : memref<32x256xf32, #tpu.memory_space<vmem>>, vector<16xf32>,
        %parallel_loop3A_64 = vector.bitcast %parallel_loop3A_63 : vector<16xf32> to vector<16xi32>
        %parallel_loop3A_65 = arith.constant 16 : i32
        %parallel_loop3A_66 = vector.broadcast %parallel_loop3A_65 : i32 to vector<16xi32>
        %parallel_loop3A_67 = arith.shrui %parallel_loop3A_64, %parallel_loop3A_66 : vector<16xi32>
        tpu.vector_store_idx %arg6[%parallel_loop3A_67], %broadcast_in_dim3A_19 {add = true} : memref<65536xi32, #tpu.memory_space<vmem>>[vector<16xi32>], vector<16xi32>,
      } {sc.loop_unroll_factor = 8 : i64, sc.parallel_access}
      %add3A_34 = arith.constant 1 : i32
      %add3A_35 = arith.addi %scan3A_26, %add3A_34 : i32
      %lt3A = arith.constant 21 : i32
      %lt3A_36 = arith.cmpi slt, %add3A_35, %lt3A : i32
      %convert_element_type3A = arith.extui %lt3A_36 : i1 to i32
      %cond3A = arith.constant 0 : i32
      %cond3A_37 = arith.cmpi ne, %convert_element_type3A, %cond3A : i32
      scf.if %cond3A_37 {
        %mul3A_54 = arith.constant 2 : i32
        %mul3A_55 = arith.muli %mul3A_54, %scan3A_26 : i32
        %add3A_56 = arith.constant 2 : i32
        %add3A_57 = arith.addi %mul3A_55, %add3A_56 : i32
        %mul3A_58 = arith.constant 32 : i32
        %mul3A_59 = arith.muli %add3A_57, %mul3A_58 : i32
        %add3A_60 = arith.addi %mul3A_2, %mul3A_59 : i32
        %dma_start3A_61 = arith.constant 0 : i32
        %dma_start3A_62 = tpu.memref_slice %arg2[%add3A_60, %dma_start3A_61] : memref<43008x256xf32, #tpu.memory_space<hbm>> -> memref<32x256xf32, #tpu.memory_space<hbm>>
        %dma_start3A_63 = arith.constant 0 : i32
        %dma_start3A_64 = tpu.memref_slice %arg2[%add3A_60, %dma_start3A_63] : memref<43008x256xf32, #tpu.memory_space<hbm>> -> memref<32x256xf32, #tpu.memory_space<hbm>>
        tpu.enqueue_dma source(%dma_start3A_64 : memref<32x256xf32, #tpu.memory_space<hbm>>) target(%arg4 : memref<32x256xf32, #tpu.memory_space<vmem>>) target_semaphore(%arg7 : memref<!tpu.dma_semaphore, #tpu.memory_space<semaphore_mem>>)
      } else {
      }
      %dma_wait3A_38 = arith.constant 0 : i32
      %dma_wait3A_39 = arith.constant 0 : i32
      %dma_wait3A_40 = tpu.memref_slice %arg2[%dma_wait3A_38, %dma_wait3A_39] : memref<43008x256xf32, #tpu.memory_space<hbm>> -> memref<32x256xf32, #tpu.memory_space<hbm>>
      %dma_wait3A_41 = arith.constant 0 : i32
      %dma_wait3A_42 = arith.constant 0 : i32
      %dma_wait3A_43 = tpu.memref_slice %arg2[%dma_wait3A_41, %dma_wait3A_42] : memref<43008x256xf32, #tpu.memory_space<hbm>> -> memref<32x256xf32, #tpu.memory_space<hbm>>
      tpu.wait_dma2 semaphore(%arg8 : memref<!tpu.dma_semaphore, #tpu.memory_space<semaphore_mem>>) src(%dma_wait3A_43 : memref<32x256xf32, #tpu.memory_space<hbm>>) dst(%arg5 : memref<32x256xf32, #tpu.memory_space<vmem>>)
      %parallel_loop3A_44 = arith.constant 0 : i32
      %parallel_loop3A_45 = arith.constant 512 : i32
      %parallel_loop3A_46 = arith.constant 1 : i32
      scf.for %parallel_loop3A_54 = %parallel_loop3A_44 to %parallel_loop3A_45 step %parallel_loop3A_46  : i32 {
        %parallel_loop3A_55 = arith.constant 4 : i32
        %parallel_loop3A_56 = arith.shrui %parallel_loop3A_54, %parallel_loop3A_55 : i32
        %parallel_loop3A_57 = arith.constant 15 : i32
        %parallel_loop3A_58 = arith.andi %parallel_loop3A_54, %parallel_loop3A_57 : i32
        %parallel_loop3A_59 = arith.constant 16 : i32
        %parallel_loop3A_60 = arith.muli %parallel_loop3A_58, %parallel_loop3A_59 : i32
        %parallel_loop3A_61 = arith.index_cast %parallel_loop3A_56 : i32 to index
        %parallel_loop3A_62 = arith.index_cast %parallel_loop3A_60 : i32 to index
        %parallel_loop3A_63 = tpu.vector_load %arg5[%parallel_loop3A_61, %parallel_loop3A_62] {strides = array<i32>} : memref<32x256xf32, #tpu.memory_space<vmem>>, vector<16xf32>,
        %parallel_loop3A_64 = vector.bitcast %parallel_loop3A_63 : vector<16xf32> to vector<16xi32>
        %parallel_loop3A_65 = arith.constant 16 : i32
        %parallel_loop3A_66 = vector.broadcast %parallel_loop3A_65 : i32 to vector<16xi32>
        %parallel_loop3A_67 = arith.shrui %parallel_loop3A_64, %parallel_loop3A_66 : vector<16xi32>
        tpu.vector_store_idx %arg6[%parallel_loop3A_67], %broadcast_in_dim3A_19 {add = true} : memref<65536xi32, #tpu.memory_space<vmem>>[vector<16xi32>], vector<16xi32>,
      } {sc.loop_unroll_factor = 8 : i64, sc.parallel_access}
      %add3A_47 = arith.constant 1 : i32
      %add3A_48 = arith.addi %scan3A_26, %add3A_47 : i32
      %lt3A_49 = arith.constant 21 : i32
      %lt3A_50 = arith.cmpi slt, %add3A_48, %lt3A_49 : i32
      %convert_element_type3A_51 = arith.extui %lt3A_50 : i1 to i32
      %cond3A_52 = arith.constant 0 : i32
      %cond3A_53 = arith.cmpi ne, %convert_element_type3A_51, %cond3A_52 : i32
      scf.if %cond3A_53 {
        %mul3A_54 = arith.constant 2 : i32
        %mul3A_55 = arith.muli %mul3A_54, %scan3A_26 : i32
        %add3A_56 = arith.constant 3 : i32
        %add3A_57 = arith.addi %mul3A_55, %add3A_56 : i32
        %mul3A_58 = arith.constant 32 : i32
        %mul3A_59 = arith.muli %add3A_57, %mul3A_58 : i32
        %add3A_60 = arith.addi %mul3A_2, %mul3A_59 : i32
        %dma_start3A_61 = arith.constant 0 : i32
        %dma_start3A_62 = tpu.memref_slice %arg2[%add3A_60, %dma_start3A_61] : memref<43008x256xf32, #tpu.memory_space<hbm>> -> memref<32x256xf32, #tpu.memory_space<hbm>>
        %dma_start3A_63 = arith.constant 0 : i32
        %dma_start3A_64 = tpu.memref_slice %arg2[%add3A_60, %dma_start3A_63] : memref<43008x256xf32, #tpu.memory_space<hbm>> -> memref<32x256xf32, #tpu.memory_space<hbm>>
        tpu.enqueue_dma source(%dma_start3A_64 : memref<32x256xf32, #tpu.memory_space<hbm>>) target(%arg5 : memref<32x256xf32, #tpu.memory_space<vmem>>) target_semaphore(%arg8 : memref<!tpu.dma_semaphore, #tpu.memory_space<semaphore_mem>>)
      } else {
      }
    }
    %scan3A_25 = arith.constant 21 : i32
    "tpu.region"() ({
      %run_scoped3A = tpu.sem_alloc : memref<!tpu.dma_semaphore, #tpu.memory_space<semaphore_mem>>
      %dma_start3A_26 = arith.constant 0 : i32
      %dma_start3A_27 = tpu.memref_slice %arg3[%add3A, %dma_start3A_26] : memref<32x65536xi32, #tpu.memory_space<hbm>> -> memref<1x65536xi32, #tpu.memory_space<hbm>>
      %dma_start3A_28 = tpu.memref_squeeze %dma_start3A_27 : memref<1x65536xi32, #tpu.memory_space<hbm>> -> memref<65536xi32, #tpu.memory_space<hbm>>
      %dma_start3A_29 = arith.constant 0 : i32
      %dma_start3A_30 = tpu.memref_slice %arg3[%add3A, %dma_start3A_29] : memref<32x65536xi32, #tpu.memory_space<hbm>> -> memref<1x65536xi32, #tpu.memory_space<hbm>>
      %dma_start3A_31 = tpu.memref_squeeze %dma_start3A_30 : memref<1x65536xi32, #tpu.memory_space<hbm>> -> memref<65536xi32, #tpu.memory_space<hbm>>
      tpu.enqueue_dma source(%arg6 : memref<65536xi32, #tpu.memory_space<vmem>>) target(%dma_start3A_31 : memref<65536xi32, #tpu.memory_space<hbm>>) target_semaphore(%run_scoped3A : memref<!tpu.dma_semaphore, #tpu.memory_space<semaphore_mem>>)
      %dma_wait3A = arith.constant 0 : i32
      %dma_wait3A_32 = tpu.memref_slice %arg3[%add3A, %dma_wait3A] : memref<32x65536xi32, #tpu.memory_space<hbm>> -> memref<1x65536xi32, #tpu.memory_space<hbm>>
      %dma_wait3A_33 = tpu.memref_squeeze %dma_wait3A_32 : memref<1x65536xi32, #tpu.memory_space<hbm>> -> memref<65536xi32, #tpu.memory_space<hbm>>
      %dma_wait3A_34 = arith.constant 0 : i32
      %dma_wait3A_35 = tpu.memref_slice %arg3[%add3A, %dma_wait3A_34] : memref<32x65536xi32, #tpu.memory_space<hbm>> -> memref<1x65536xi32, #tpu.memory_space<hbm>>
      %dma_wait3A_36 = tpu.memref_squeeze %dma_wait3A_35 : memref<1x65536xi32, #tpu.memory_space<hbm>> -> memref<65536xi32, #tpu.memory_space<hbm>>
      tpu.wait_dma2 semaphore(%run_scoped3A : memref<!tpu.dma_semaphore, #tpu.memory_space<semaphore_mem>>) src(%arg6 : memref<65536xi32, #tpu.memory_space<vmem>>) dst(%dma_wait3A_36 : memref<65536xi32, #tpu.memory_space<hbm>>)
      tpu.yield
    }) : () -> ()
    return
  }
}

#map = affine_map<(d0, d1) -> (0, 0)>
#map1 = affine_map<(d0, d1) -> (0)>
module attributes {stable_mosaic.version = 14 : i64} {
  func.func @pass2(%arg0: i32, %arg1: i32, %arg2: memref<43008x256xf32, #tpu.memory_space<hbm>>, %arg3: memref<43008x256xf32, #tpu.memory_space<hbm>>, %arg4: memref<16xi32, #tpu.memory_space<hbm>>, %arg5: memref<32x65536xi32, #tpu.memory_space<hbm>>, %arg6: memref<32x32xf32, #tpu.memory_space<hbm>>, %arg7: memref<32x256xf32, #tpu.memory_space<vmem>>, %arg8: memref<32x256xf32, #tpu.memory_space<vmem>>, %arg9: memref<65536xi32, #tpu.memory_space<vmem>>, %arg10: memref<16xi32, #tpu.memory_space<vmem>>, %arg11: memref<32xf32, #tpu.memory_space<vmem>>, %arg12: memref<!tpu.dma_semaphore, #tpu.memory_space<semaphore_mem>>, %arg13: memref<!tpu.dma_semaphore, #tpu.memory_space<semaphore_mem>>) attributes {dimension_semantics = [#tpu.dimension_semantics<core_parallel>, #tpu.dimension_semantics<subcore_parallel>], iteration_bounds = array<i64: 2, 16>, scalar_prefetch = 0 : i64, scratch_operands = 7 : i64, tpu.core_type = #tpu.core_type<sc_vector_subcore>, window_params = [{transform_indices = #map}, {transform_indices = #map}, {transform_indices = #map1}, {transform_indices = #map}, {transform_indices = #map}]} {
    %mul3A = arith.constant 2 : i32
    %mul3A_0 = arith.muli %arg1, %mul3A : i32
    %add3A = arith.addi %mul3A_0, %arg0 : i32
    %mul3A_1 = arith.constant 1344 : i32
    %mul3A_2 = arith.muli %add3A, %mul3A_1 : i32
    "tpu.region"() ({
      %run_scoped3A = tpu.sem_alloc : memref<!tpu.dma_semaphore, #tpu.memory_space<semaphore_mem>>
      tpu.enqueue_dma source(%arg4 : memref<16xi32, #tpu.memory_space<hbm>>) target(%arg10 : memref<16xi32, #tpu.memory_space<vmem>>) target_semaphore(%run_scoped3A : memref<!tpu.dma_semaphore, #tpu.memory_space<semaphore_mem>>)
      tpu.wait_dma2 semaphore(%run_scoped3A : memref<!tpu.dma_semaphore, #tpu.memory_space<semaphore_mem>>) src(%arg4 : memref<16xi32, #tpu.memory_space<hbm>>) dst(%arg10 : memref<16xi32, #tpu.memory_space<vmem>>)
      tpu.yield
    }) : () -> ()
    %get3A = arith.constant 0 : index
    %get3A_3 = tpu.vector_load %arg10[%get3A] {strides = array<i32>} : memref<16xi32, #tpu.memory_space<vmem>>, vector<16xi32>,
    %scan3A = arith.constant 0 : i32
    %scan3A_4 = arith.constant 0 : i32
    %scan3A_5 = arith.constant 4096 : i32
    %scan3A_6 = arith.addi %scan3A_4, %scan3A_5 : i32
    %scan3A_7 = arith.constant 1 : i32
    scf.for %scan3A_52 = %scan3A_4 to %scan3A_6 step %scan3A_7  : i32 {
      %broadcast_in_dim3A_53 = arith.constant 0 : i32
      %broadcast_in_dim3A_54 = vector.broadcast %broadcast_in_dim3A_53 : i32 to vector<16xi32>
      %mul3A_55 = arith.constant 16 : i32
      %mul3A_56 = arith.muli %scan3A_52, %mul3A_55 : i32
      %swap3A_57 = arith.index_cast %mul3A_56 : i32 to index
      %swap3A_58 = tpu.vector_load %arg9[%swap3A_57] {strides = array<i32>} : memref<65536xi32, #tpu.memory_space<vmem>>, vector<16xi32>,
      tpu.vector_store %arg9[%swap3A_57], %broadcast_in_dim3A_54 {strides = array<i32>} : memref<65536xi32, #tpu.memory_space<vmem>>, vector<16xi32>,
    }
    %scan3A_8 = arith.constant 4096 : i32
    %broadcast_in_dim3A = arith.constant 1 : i32
    %broadcast_in_dim3A_9 = vector.broadcast %broadcast_in_dim3A : i32 to vector<16xi32>
    %broadcast_in_dim3A_10 = arith.constant 0.000000e+00 : f32
    %broadcast_in_dim3A_11 = vector.broadcast %broadcast_in_dim3A_10 : f32 to vector<16xf32>
    %broadcast_in_dim3A_12 = arith.constant 0x7F800000 : f32
    %broadcast_in_dim3A_13 = vector.broadcast %broadcast_in_dim3A_12 : f32 to vector<16xf32>
    %add3A_14 = arith.constant 0 : i32
    %add3A_15 = arith.addi %mul3A_2, %add3A_14 : i32
    %dma_start3A = arith.constant 0 : i32
    %dma_start3A_16 = tpu.memref_slice %arg2[%add3A_15, %dma_start3A] : memref<43008x256xf32, #tpu.memory_space<hbm>> -> memref<32x256xf32, #tpu.memory_space<hbm>>
    %dma_start3A_17 = arith.constant 0 : i32
    %dma_start3A_18 = tpu.memref_slice %arg2[%add3A_15, %dma_start3A_17] : memref<43008x256xf32, #tpu.memory_space<hbm>> -> memref<32x256xf32, #tpu.memory_space<hbm>>
    tpu.enqueue_dma source(%dma_start3A_18 : memref<32x256xf32, #tpu.memory_space<hbm>>) target(%arg7 : memref<32x256xf32, #tpu.memory_space<vmem>>) target_semaphore(%arg12 : memref<!tpu.dma_semaphore, #tpu.memory_space<semaphore_mem>>)
    %add3A_19 = arith.constant 32 : i32
    %add3A_20 = arith.addi %mul3A_2, %add3A_19 : i32
    %dma_start3A_21 = arith.constant 0 : i32
    %dma_start3A_22 = tpu.memref_slice %arg2[%add3A_20, %dma_start3A_21] : memref<43008x256xf32, #tpu.memory_space<hbm>> -> memref<32x256xf32, #tpu.memory_space<hbm>>
    %dma_start3A_23 = arith.constant 0 : i32
    %dma_start3A_24 = tpu.memref_slice %arg2[%add3A_20, %dma_start3A_23] : memref<43008x256xf32, #tpu.memory_space<hbm>> -> memref<32x256xf32, #tpu.memory_space<hbm>>
    tpu.enqueue_dma source(%dma_start3A_24 : memref<32x256xf32, #tpu.memory_space<hbm>>) target(%arg8 : memref<32x256xf32, #tpu.memory_space<vmem>>) target_semaphore(%arg13 : memref<!tpu.dma_semaphore, #tpu.memory_space<semaphore_mem>>)
    %scan3A_25 = arith.constant 0 : i32
    %scan3A_26 = arith.constant 21 : i32
    %scan3A_27 = arith.addi %scan3A_25, %scan3A_26 : i32
    %scan3A_28 = arith.constant 1 : i32
    %scan3A_29:2 = scf.for %scan3A_52 = %scan3A_25 to %scan3A_27 step %scan3A_28 iter_args(%scan3A_53 = %broadcast_in_dim3A_11, %scan3A_54 = %broadcast_in_dim3A_13) -> (vector<16xf32>, vector<16xf32>)  : i32 {
      %dma_wait3A = arith.constant 0 : i32
      %dma_wait3A_55 = arith.constant 0 : i32
      %dma_wait3A_56 = tpu.memref_slice %arg2[%dma_wait3A, %dma_wait3A_55] : memref<43008x256xf32, #tpu.memory_space<hbm>> -> memref<32x256xf32, #tpu.memory_space<hbm>>
      %dma_wait3A_57 = arith.constant 0 : i32
      %dma_wait3A_58 = arith.constant 0 : i32
      %dma_wait3A_59 = tpu.memref_slice %arg2[%dma_wait3A_57, %dma_wait3A_58] : memref<43008x256xf32, #tpu.memory_space<hbm>> -> memref<32x256xf32, #tpu.memory_space<hbm>>
      tpu.wait_dma2 semaphore(%arg12 : memref<!tpu.dma_semaphore, #tpu.memory_space<semaphore_mem>>) src(%dma_wait3A_59 : memref<32x256xf32, #tpu.memory_space<hbm>>) dst(%arg7 : memref<32x256xf32, #tpu.memory_space<vmem>>)
      %parallel_loop3A = arith.constant 0 : i32
      %parallel_loop3A_60 = arith.constant 512 : i32
      %parallel_loop3A_61 = arith.constant 1 : i32
      %parallel_loop3A_62:2 = scf.for %parallel_loop3A_84 = %parallel_loop3A to %parallel_loop3A_60 step %parallel_loop3A_61 iter_args(%parallel_loop3A_85 = %scan3A_53, %parallel_loop3A_86 = %scan3A_54) -> (vector<16xf32>, vector<16xf32>)  : i32 {
        %parallel_loop3A_87 = arith.constant 4 : i32
        %parallel_loop3A_88 = arith.shrui %parallel_loop3A_84, %parallel_loop3A_87 : i32
        %parallel_loop3A_89 = arith.constant 15 : i32
        %parallel_loop3A_90 = arith.andi %parallel_loop3A_84, %parallel_loop3A_89 : i32
        %parallel_loop3A_91 = arith.constant 16 : i32
        %parallel_loop3A_92 = arith.muli %parallel_loop3A_90, %parallel_loop3A_91 : i32
        %parallel_loop3A_93 = arith.index_cast %parallel_loop3A_88 : i32 to index
        %parallel_loop3A_94 = arith.index_cast %parallel_loop3A_92 : i32 to index
        %parallel_loop3A_95 = tpu.vector_load %arg7[%parallel_loop3A_93, %parallel_loop3A_94] {strides = array<i32>} : memref<32x256xf32, #tpu.memory_space<vmem>>, vector<16xf32>,
        %parallel_loop3A_96 = vector.bitcast %parallel_loop3A_95 : vector<16xf32> to vector<16xi32>
        %parallel_loop3A_97 = arith.constant 16 : i32
        %parallel_loop3A_98 = vector.broadcast %parallel_loop3A_97 : i32 to vector<16xi32>
        %parallel_loop3A_99 = arith.shrui %parallel_loop3A_96, %parallel_loop3A_98 : vector<16xi32>
        %parallel_loop3A_100 = arith.constant 65535 : i32
        %parallel_loop3A_101 = vector.broadcast %parallel_loop3A_100 : i32 to vector<16xi32>
        %parallel_loop3A_102 = arith.andi %parallel_loop3A_96, %parallel_loop3A_101 : vector<16xi32>
        %parallel_loop3A_103 = arith.cmpi eq, %parallel_loop3A_99, %get3A_3 : vector<16xi32>
        %parallel_loop3A_104 = arith.cmpi sgt, %parallel_loop3A_99, %get3A_3 : vector<16xi32>
        tpu.vector_store_idx %arg9[%parallel_loop3A_102], %broadcast_in_dim3A_9 masked %parallel_loop3A_103 {add = true} : memref<65536xi32, #tpu.memory_space<vmem>>[vector<16xi32>], vector<16xi32>, vector<16xi1>
        %parallel_loop3A_105 = arith.constant 0.000000e+00 : f32
        %parallel_loop3A_106 = vector.broadcast %parallel_loop3A_105 : f32 to vector<16xf32>
        %parallel_loop3A_107 = arith.select %parallel_loop3A_104, %parallel_loop3A_95, %parallel_loop3A_106 : vector<16xi1>, vector<16xf32>
        %parallel_loop3A_108 = arith.addf %parallel_loop3A_85, %parallel_loop3A_107 : vector<16xf32>
        %parallel_loop3A_109 = arith.constant 0x7F800000 : f32
        %parallel_loop3A_110 = vector.broadcast %parallel_loop3A_109 : f32 to vector<16xf32>
        %parallel_loop3A_111 = arith.select %parallel_loop3A_104, %parallel_loop3A_95, %parallel_loop3A_110 : vector<16xi1>, vector<16xf32>
        %parallel_loop3A_112 = arith.minimumf %parallel_loop3A_86, %parallel_loop3A_111 : vector<16xf32>
        scf.yield %parallel_loop3A_108, %parallel_loop3A_112 : vector<16xf32>, vector<16xf32>
      } {sc.loop_unroll_factor = 8 : i64, sc.parallel_access}
      %add3A_63 = arith.constant 1 : i32
      %add3A_64 = arith.addi %scan3A_52, %add3A_63 : i32
      %lt3A = arith.constant 21 : i32
      %lt3A_65 = arith.cmpi slt, %add3A_64, %lt3A : i32
      %convert_element_type3A = arith.extui %lt3A_65 : i1 to i32
      %cond3A = arith.constant 0 : i32
      %cond3A_66 = arith.cmpi ne, %convert_element_type3A, %cond3A : i32
      scf.if %cond3A_66 {
        %mul3A_84 = arith.constant 2 : i32
        %mul3A_85 = arith.muli %mul3A_84, %scan3A_52 : i32
        %add3A_86 = arith.constant 2 : i32
        %add3A_87 = arith.addi %mul3A_85, %add3A_86 : i32
        %mul3A_88 = arith.constant 32 : i32
        %mul3A_89 = arith.muli %add3A_87, %mul3A_88 : i32
        %add3A_90 = arith.addi %mul3A_2, %mul3A_89 : i32
        %dma_start3A_91 = arith.constant 0 : i32
        %dma_start3A_92 = tpu.memref_slice %arg2[%add3A_90, %dma_start3A_91] : memref<43008x256xf32, #tpu.memory_space<hbm>> -> memref<32x256xf32, #tpu.memory_space<hbm>>
        %dma_start3A_93 = arith.constant 0 : i32
        %dma_start3A_94 = tpu.memref_slice %arg2[%add3A_90, %dma_start3A_93] : memref<43008x256xf32, #tpu.memory_space<hbm>> -> memref<32x256xf32, #tpu.memory_space<hbm>>
        tpu.enqueue_dma source(%dma_start3A_94 : memref<32x256xf32, #tpu.memory_space<hbm>>) target(%arg7 : memref<32x256xf32, #tpu.memory_space<vmem>>) target_semaphore(%arg12 : memref<!tpu.dma_semaphore, #tpu.memory_space<semaphore_mem>>)
      } else {
      }
      %dma_wait3A_67 = arith.constant 0 : i32
      %dma_wait3A_68 = arith.constant 0 : i32
      %dma_wait3A_69 = tpu.memref_slice %arg2[%dma_wait3A_67, %dma_wait3A_68] : memref<43008x256xf32, #tpu.memory_space<hbm>> -> memref<32x256xf32, #tpu.memory_space<hbm>>
      %dma_wait3A_70 = arith.constant 0 : i32
      %dma_wait3A_71 = arith.constant 0 : i32
      %dma_wait3A_72 = tpu.memref_slice %arg2[%dma_wait3A_70, %dma_wait3A_71] : memref<43008x256xf32, #tpu.memory_space<hbm>> -> memref<32x256xf32, #tpu.memory_space<hbm>>
      tpu.wait_dma2 semaphore(%arg13 : memref<!tpu.dma_semaphore, #tpu.memory_space<semaphore_mem>>) src(%dma_wait3A_72 : memref<32x256xf32, #tpu.memory_space<hbm>>) dst(%arg8 : memref<32x256xf32, #tpu.memory_space<vmem>>)
      %parallel_loop3A_73 = arith.constant 0 : i32
      %parallel_loop3A_74 = arith.constant 512 : i32
      %parallel_loop3A_75 = arith.constant 1 : i32
      %parallel_loop3A_76:2 = scf.for %parallel_loop3A_84 = %parallel_loop3A_73 to %parallel_loop3A_74 step %parallel_loop3A_75 iter_args(%parallel_loop3A_85 = %parallel_loop3A_62#0, %parallel_loop3A_86 = %parallel_loop3A_62#1) -> (vector<16xf32>, vector<16xf32>)  : i32 {
        %parallel_loop3A_87 = arith.constant 4 : i32
        %parallel_loop3A_88 = arith.shrui %parallel_loop3A_84, %parallel_loop3A_87 : i32
        %parallel_loop3A_89 = arith.constant 15 : i32
        %parallel_loop3A_90 = arith.andi %parallel_loop3A_84, %parallel_loop3A_89 : i32
        %parallel_loop3A_91 = arith.constant 16 : i32
        %parallel_loop3A_92 = arith.muli %parallel_loop3A_90, %parallel_loop3A_91 : i32
        %parallel_loop3A_93 = arith.index_cast %parallel_loop3A_88 : i32 to index
        %parallel_loop3A_94 = arith.index_cast %parallel_loop3A_92 : i32 to index
        %parallel_loop3A_95 = tpu.vector_load %arg8[%parallel_loop3A_93, %parallel_loop3A_94] {strides = array<i32>} : memref<32x256xf32, #tpu.memory_space<vmem>>, vector<16xf32>,
        %parallel_loop3A_96 = vector.bitcast %parallel_loop3A_95 : vector<16xf32> to vector<16xi32>
        %parallel_loop3A_97 = arith.constant 16 : i32
        %parallel_loop3A_98 = vector.broadcast %parallel_loop3A_97 : i32 to vector<16xi32>
        %parallel_loop3A_99 = arith.shrui %parallel_loop3A_96, %parallel_loop3A_98 : vector<16xi32>
        %parallel_loop3A_100 = arith.constant 65535 : i32
        %parallel_loop3A_101 = vector.broadcast %parallel_loop3A_100 : i32 to vector<16xi32>
        %parallel_loop3A_102 = arith.andi %parallel_loop3A_96, %parallel_loop3A_101 : vector<16xi32>
        %parallel_loop3A_103 = arith.cmpi eq, %parallel_loop3A_99, %get3A_3 : vector<16xi32>
        %parallel_loop3A_104 = arith.cmpi sgt, %parallel_loop3A_99, %get3A_3 : vector<16xi32>
        tpu.vector_store_idx %arg9[%parallel_loop3A_102], %broadcast_in_dim3A_9 masked %parallel_loop3A_103 {add = true} : memref<65536xi32, #tpu.memory_space<vmem>>[vector<16xi32>], vector<16xi32>, vector<16xi1>
        %parallel_loop3A_105 = arith.constant 0.000000e+00 : f32
        %parallel_loop3A_106 = vector.broadcast %parallel_loop3A_105 : f32 to vector<16xf32>
        %parallel_loop3A_107 = arith.select %parallel_loop3A_104, %parallel_loop3A_95, %parallel_loop3A_106 : vector<16xi1>, vector<16xf32>
        %parallel_loop3A_108 = arith.addf %parallel_loop3A_85, %parallel_loop3A_107 : vector<16xf32>
        %parallel_loop3A_109 = arith.constant 0x7F800000 : f32
        %parallel_loop3A_110 = vector.broadcast %parallel_loop3A_109 : f32 to vector<16xf32>
        %parallel_loop3A_111 = arith.select %parallel_loop3A_104, %parallel_loop3A_95, %parallel_loop3A_110 : vector<16xi1>, vector<16xf32>
        %parallel_loop3A_112 = arith.minimumf %parallel_loop3A_86, %parallel_loop3A_111 : vector<16xf32>
        scf.yield %parallel_loop3A_108, %parallel_loop3A_112 : vector<16xf32>, vector<16xf32>
      } {sc.loop_unroll_factor = 8 : i64, sc.parallel_access}
      %add3A_77 = arith.constant 1 : i32
      %add3A_78 = arith.addi %scan3A_52, %add3A_77 : i32
      %lt3A_79 = arith.constant 21 : i32
      %lt3A_80 = arith.cmpi slt, %add3A_78, %lt3A_79 : i32
      %convert_element_type3A_81 = arith.extui %lt3A_80 : i1 to i32
      %cond3A_82 = arith.constant 0 : i32
      %cond3A_83 = arith.cmpi ne, %convert_element_type3A_81, %cond3A_82 : i32
      scf.if %cond3A_83 {
        %mul3A_84 = arith.constant 2 : i32
        %mul3A_85 = arith.muli %mul3A_84, %scan3A_52 : i32
        %add3A_86 = arith.constant 3 : i32
        %add3A_87 = arith.addi %mul3A_85, %add3A_86 : i32
        %mul3A_88 = arith.constant 32 : i32
        %mul3A_89 = arith.muli %add3A_87, %mul3A_88 : i32
        %add3A_90 = arith.addi %mul3A_2, %mul3A_89 : i32
        %dma_start3A_91 = arith.constant 0 : i32
        %dma_start3A_92 = tpu.memref_slice %arg2[%add3A_90, %dma_start3A_91] : memref<43008x256xf32, #tpu.memory_space<hbm>> -> memref<32x256xf32, #tpu.memory_space<hbm>>
        %dma_start3A_93 = arith.constant 0 : i32
        %dma_start3A_94 = tpu.memref_slice %arg2[%add3A_90, %dma_start3A_93] : memref<43008x256xf32, #tpu.memory_space<hbm>> -> memref<32x256xf32, #tpu.memory_space<hbm>>
        tpu.enqueue_dma source(%dma_start3A_94 : memref<32x256xf32, #tpu.memory_space<hbm>>) target(%arg8 : memref<32x256xf32, #tpu.memory_space<vmem>>) target_semaphore(%arg13 : memref<!tpu.dma_semaphore, #tpu.memory_space<semaphore_mem>>)
      } else {
      }
      scf.yield %parallel_loop3A_76#0, %parallel_loop3A_76#1 : vector<16xf32>, vector<16xf32>
    }
    %scan3A_30 = arith.constant 21 : i32
    %add3A_31 = arith.constant 0 : i32
    %add3A_32 = arith.addi %mul3A_2, %add3A_31 : i32
    %dma_start3A_33 = arith.constant 0 : i32
    %dma_start3A_34 = tpu.memref_slice %arg3[%add3A_32, %dma_start3A_33] : memref<43008x256xf32, #tpu.memory_space<hbm>> -> memref<32x256xf32, #tpu.memory_space<hbm>>
    %dma_start3A_35 = arith.constant 0 : i32
    %dma_start3A_36 = tpu.memref_slice %arg3[%add3A_32, %dma_start3A_35] : memref<43008x256xf32, #tpu.memory_space<hbm>> -> memref<32x256xf32, #tpu.memory_space<hbm>>
    tpu.enqueue_dma source(%dma_start3A_36 : memref<32x256xf32, #tpu.memory_space<hbm>>) target(%arg7 : memref<32x256xf32, #tpu.memory_space<vmem>>) target_semaphore(%arg12 : memref<!tpu.dma_semaphore, #tpu.memory_space<semaphore_mem>>)
    %add3A_37 = arith.constant 32 : i32
    %add3A_38 = arith.addi %mul3A_2, %add3A_37 : i32
    %dma_start3A_39 = arith.constant 0 : i32
    %dma_start3A_40 = tpu.memref_slice %arg3[%add3A_38, %dma_start3A_39] : memref<43008x256xf32, #tpu.memory_space<hbm>> -> memref<32x256xf32, #tpu.memory_space<hbm>>
    %dma_start3A_41 = arith.constant 0 : i32
    %dma_start3A_42 = tpu.memref_slice %arg3[%add3A_38, %dma_start3A_41] : memref<43008x256xf32, #tpu.memory_space<hbm>> -> memref<32x256xf32, #tpu.memory_space<hbm>>
    tpu.enqueue_dma source(%dma_start3A_42 : memref<32x256xf32, #tpu.memory_space<hbm>>) target(%arg8 : memref<32x256xf32, #tpu.memory_space<vmem>>) target_semaphore(%arg13 : memref<!tpu.dma_semaphore, #tpu.memory_space<semaphore_mem>>)
    %scan3A_43 = arith.constant 0 : i32
    %scan3A_44 = arith.constant 21 : i32
    %scan3A_45 = arith.addi %scan3A_43, %scan3A_44 : i32
    %scan3A_46 = arith.constant 1 : i32
    %scan3A_47:2 = scf.for %scan3A_52 = %scan3A_43 to %scan3A_45 step %scan3A_46 iter_args(%scan3A_53 = %scan3A_29#0, %scan3A_54 = %scan3A_29#1) -> (vector<16xf32>, vector<16xf32>)  : i32 {
      %dma_wait3A = arith.constant 0 : i32
      %dma_wait3A_55 = arith.constant 0 : i32
      %dma_wait3A_56 = tpu.memref_slice %arg3[%dma_wait3A, %dma_wait3A_55] : memref<43008x256xf32, #tpu.memory_space<hbm>> -> memref<32x256xf32, #tpu.memory_space<hbm>>
      %dma_wait3A_57 = arith.constant 0 : i32
      %dma_wait3A_58 = arith.constant 0 : i32
      %dma_wait3A_59 = tpu.memref_slice %arg3[%dma_wait3A_57, %dma_wait3A_58] : memref<43008x256xf32, #tpu.memory_space<hbm>> -> memref<32x256xf32, #tpu.memory_space<hbm>>
      tpu.wait_dma2 semaphore(%arg12 : memref<!tpu.dma_semaphore, #tpu.memory_space<semaphore_mem>>) src(%dma_wait3A_59 : memref<32x256xf32, #tpu.memory_space<hbm>>) dst(%arg7 : memref<32x256xf32, #tpu.memory_space<vmem>>)
      %parallel_loop3A = arith.constant 0 : i32
      %parallel_loop3A_60 = arith.constant 512 : i32
      %parallel_loop3A_61 = arith.constant 1 : i32
      %parallel_loop3A_62:2 = scf.for %parallel_loop3A_84 = %parallel_loop3A to %parallel_loop3A_60 step %parallel_loop3A_61 iter_args(%parallel_loop3A_85 = %scan3A_53, %parallel_loop3A_86 = %scan3A_54) -> (vector<16xf32>, vector<16xf32>)  : i32 {
        %parallel_loop3A_87 = arith.constant 4 : i32
        %parallel_loop3A_88 = arith.shrui %parallel_loop3A_84, %parallel_loop3A_87 : i32
        %parallel_loop3A_89 = arith.constant 15 : i32
        %parallel_loop3A_90 = arith.andi %parallel_loop3A_84, %parallel_loop3A_89 : i32
        %parallel_loop3A_91 = arith.constant 16 : i32
        %parallel_loop3A_92 = arith.muli %parallel_loop3A_90, %parallel_loop3A_91 : i32
        %parallel_loop3A_93 = arith.index_cast %parallel_loop3A_88 : i32 to index
        %parallel_loop3A_94 = arith.index_cast %parallel_loop3A_92 : i32 to index
        %parallel_loop3A_95 = tpu.vector_load %arg7[%parallel_loop3A_93, %parallel_loop3A_94] {strides = array<i32>} : memref<32x256xf32, #tpu.memory_space<vmem>>, vector<16xf32>,
        %parallel_loop3A_96 = vector.bitcast %parallel_loop3A_95 : vector<16xf32> to vector<16xi32>
        %parallel_loop3A_97 = arith.constant 16 : i32
        %parallel_loop3A_98 = vector.broadcast %parallel_loop3A_97 : i32 to vector<16xi32>
        %parallel_loop3A_99 = arith.shrui %parallel_loop3A_96, %parallel_loop3A_98 : vector<16xi32>
        %parallel_loop3A_100 = arith.constant 65535 : i32
        %parallel_loop3A_101 = vector.broadcast %parallel_loop3A_100 : i32 to vector<16xi32>
        %parallel_loop3A_102 = arith.andi %parallel_loop3A_96, %parallel_loop3A_101 : vector<16xi32>
        %parallel_loop3A_103 = arith.cmpi eq, %parallel_loop3A_99, %get3A_3 : vector<16xi32>
        %parallel_loop3A_104 = arith.cmpi sgt, %parallel_loop3A_99, %get3A_3 : vector<16xi32>
        tpu.vector_store_idx %arg9[%parallel_loop3A_102], %broadcast_in_dim3A_9 masked %parallel_loop3A_103 {add = true} : memref<65536xi32, #tpu.memory_space<vmem>>[vector<16xi32>], vector<16xi32>, vector<16xi1>
        %parallel_loop3A_105 = arith.constant 0.000000e+00 : f32
        %parallel_loop3A_106 = vector.broadcast %parallel_loop3A_105 : f32 to vector<16xf32>
        %parallel_loop3A_107 = arith.select %parallel_loop3A_104, %parallel_loop3A_95, %parallel_loop3A_106 : vector<16xi1>, vector<16xf32>
        %parallel_loop3A_108 = arith.addf %parallel_loop3A_85, %parallel_loop3A_107 : vector<16xf32>
        %parallel_loop3A_109 = arith.constant 0x7F800000 : f32
        %parallel_loop3A_110 = vector.broadcast %parallel_loop3A_109 : f32 to vector<16xf32>
        %parallel_loop3A_111 = arith.select %parallel_loop3A_104, %parallel_loop3A_95, %parallel_loop3A_110 : vector<16xi1>, vector<16xf32>
        %parallel_loop3A_112 = arith.minimumf %parallel_loop3A_86, %parallel_loop3A_111 : vector<16xf32>
        scf.yield %parallel_loop3A_108, %parallel_loop3A_112 : vector<16xf32>, vector<16xf32>
      } {sc.loop_unroll_factor = 8 : i64, sc.parallel_access}
      %add3A_63 = arith.constant 1 : i32
      %add3A_64 = arith.addi %scan3A_52, %add3A_63 : i32
      %lt3A = arith.constant 21 : i32
      %lt3A_65 = arith.cmpi slt, %add3A_64, %lt3A : i32
      %convert_element_type3A = arith.extui %lt3A_65 : i1 to i32
      %cond3A = arith.constant 0 : i32
      %cond3A_66 = arith.cmpi ne, %convert_element_type3A, %cond3A : i32
      scf.if %cond3A_66 {
        %mul3A_84 = arith.constant 2 : i32
        %mul3A_85 = arith.muli %mul3A_84, %scan3A_52 : i32
        %add3A_86 = arith.constant 2 : i32
        %add3A_87 = arith.addi %mul3A_85, %add3A_86 : i32
        %mul3A_88 = arith.constant 32 : i32
        %mul3A_89 = arith.muli %add3A_87, %mul3A_88 : i32
        %add3A_90 = arith.addi %mul3A_2, %mul3A_89 : i32
        %dma_start3A_91 = arith.constant 0 : i32
        %dma_start3A_92 = tpu.memref_slice %arg3[%add3A_90, %dma_start3A_91] : memref<43008x256xf32, #tpu.memory_space<hbm>> -> memref<32x256xf32, #tpu.memory_space<hbm>>
        %dma_start3A_93 = arith.constant 0 : i32
        %dma_start3A_94 = tpu.memref_slice %arg3[%add3A_90, %dma_start3A_93] : memref<43008x256xf32, #tpu.memory_space<hbm>> -> memref<32x256xf32, #tpu.memory_space<hbm>>
        tpu.enqueue_dma source(%dma_start3A_94 : memref<32x256xf32, #tpu.memory_space<hbm>>) target(%arg7 : memref<32x256xf32, #tpu.memory_space<vmem>>) target_semaphore(%arg12 : memref<!tpu.dma_semaphore, #tpu.memory_space<semaphore_mem>>)
      } else {
      }
      %dma_wait3A_67 = arith.constant 0 : i32
      %dma_wait3A_68 = arith.constant 0 : i32
      %dma_wait3A_69 = tpu.memref_slice %arg3[%dma_wait3A_67, %dma_wait3A_68] : memref<43008x256xf32, #tpu.memory_space<hbm>> -> memref<32x256xf32, #tpu.memory_space<hbm>>
      %dma_wait3A_70 = arith.constant 0 : i32
      %dma_wait3A_71 = arith.constant 0 : i32
      %dma_wait3A_72 = tpu.memref_slice %arg3[%dma_wait3A_70, %dma_wait3A_71] : memref<43008x256xf32, #tpu.memory_space<hbm>> -> memref<32x256xf32, #tpu.memory_space<hbm>>
      tpu.wait_dma2 semaphore(%arg13 : memref<!tpu.dma_semaphore, #tpu.memory_space<semaphore_mem>>) src(%dma_wait3A_72 : memref<32x256xf32, #tpu.memory_space<hbm>>) dst(%arg8 : memref<32x256xf32, #tpu.memory_space<vmem>>)
      %parallel_loop3A_73 = arith.constant 0 : i32
      %parallel_loop3A_74 = arith.constant 512 : i32
      %parallel_loop3A_75 = arith.constant 1 : i32
      %parallel_loop3A_76:2 = scf.for %parallel_loop3A_84 = %parallel_loop3A_73 to %parallel_loop3A_74 step %parallel_loop3A_75 iter_args(%parallel_loop3A_85 = %parallel_loop3A_62#0, %parallel_loop3A_86 = %parallel_loop3A_62#1) -> (vector<16xf32>, vector<16xf32>)  : i32 {
        %parallel_loop3A_87 = arith.constant 4 : i32
        %parallel_loop3A_88 = arith.shrui %parallel_loop3A_84, %parallel_loop3A_87 : i32
        %parallel_loop3A_89 = arith.constant 15 : i32
        %parallel_loop3A_90 = arith.andi %parallel_loop3A_84, %parallel_loop3A_89 : i32
        %parallel_loop3A_91 = arith.constant 16 : i32
        %parallel_loop3A_92 = arith.muli %parallel_loop3A_90, %parallel_loop3A_91 : i32
        %parallel_loop3A_93 = arith.index_cast %parallel_loop3A_88 : i32 to index
        %parallel_loop3A_94 = arith.index_cast %parallel_loop3A_92 : i32 to index
        %parallel_loop3A_95 = tpu.vector_load %arg8[%parallel_loop3A_93, %parallel_loop3A_94] {strides = array<i32>} : memref<32x256xf32, #tpu.memory_space<vmem>>, vector<16xf32>,
        %parallel_loop3A_96 = vector.bitcast %parallel_loop3A_95 : vector<16xf32> to vector<16xi32>
        %parallel_loop3A_97 = arith.constant 16 : i32
        %parallel_loop3A_98 = vector.broadcast %parallel_loop3A_97 : i32 to vector<16xi32>
        %parallel_loop3A_99 = arith.shrui %parallel_loop3A_96, %parallel_loop3A_98 : vector<16xi32>
        %parallel_loop3A_100 = arith.constant 65535 : i32
        %parallel_loop3A_101 = vector.broadcast %parallel_loop3A_100 : i32 to vector<16xi32>
        %parallel_loop3A_102 = arith.andi %parallel_loop3A_96, %parallel_loop3A_101 : vector<16xi32>
        %parallel_loop3A_103 = arith.cmpi eq, %parallel_loop3A_99, %get3A_3 : vector<16xi32>
        %parallel_loop3A_104 = arith.cmpi sgt, %parallel_loop3A_99, %get3A_3 : vector<16xi32>
        tpu.vector_store_idx %arg9[%parallel_loop3A_102], %broadcast_in_dim3A_9 masked %parallel_loop3A_103 {add = true} : memref<65536xi32, #tpu.memory_space<vmem>>[vector<16xi32>], vector<16xi32>, vector<16xi1>
        %parallel_loop3A_105 = arith.constant 0.000000e+00 : f32
        %parallel_loop3A_106 = vector.broadcast %parallel_loop3A_105 : f32 to vector<16xf32>
        %parallel_loop3A_107 = arith.select %parallel_loop3A_104, %parallel_loop3A_95, %parallel_loop3A_106 : vector<16xi1>, vector<16xf32>
        %parallel_loop3A_108 = arith.addf %parallel_loop3A_85, %parallel_loop3A_107 : vector<16xf32>
        %parallel_loop3A_109 = arith.constant 0x7F800000 : f32
        %parallel_loop3A_110 = vector.broadcast %parallel_loop3A_109 : f32 to vector<16xf32>
        %parallel_loop3A_111 = arith.select %parallel_loop3A_104, %parallel_loop3A_95, %parallel_loop3A_110 : vector<16xi1>, vector<16xf32>
        %parallel_loop3A_112 = arith.minimumf %parallel_loop3A_86, %parallel_loop3A_111 : vector<16xf32>
        scf.yield %parallel_loop3A_108, %parallel_loop3A_112 : vector<16xf32>, vector<16xf32>
      } {sc.loop_unroll_factor = 8 : i64, sc.parallel_access}
      %add3A_77 = arith.constant 1 : i32
      %add3A_78 = arith.addi %scan3A_52, %add3A_77 : i32
      %lt3A_79 = arith.constant 21 : i32
      %lt3A_80 = arith.cmpi slt, %add3A_78, %lt3A_79 : i32
      %convert_element_type3A_81 = arith.extui %lt3A_80 : i1 to i32
      %cond3A_82 = arith.constant 0 : i32
      %cond3A_83 = arith.cmpi ne, %convert_element_type3A_81, %cond3A_82 : i32
      scf.if %cond3A_83 {
        %mul3A_84 = arith.constant 2 : i32
        %mul3A_85 = arith.muli %mul3A_84, %scan3A_52 : i32
        %add3A_86 = arith.constant 3 : i32
        %add3A_87 = arith.addi %mul3A_85, %add3A_86 : i32
        %mul3A_88 = arith.constant 32 : i32
        %mul3A_89 = arith.muli %add3A_87, %mul3A_88 : i32
        %add3A_90 = arith.addi %mul3A_2, %mul3A_89 : i32
        %dma_start3A_91 = arith.constant 0 : i32
        %dma_start3A_92 = tpu.memref_slice %arg3[%add3A_90, %dma_start3A_91] : memref<43008x256xf32, #tpu.memory_space<hbm>> -> memref<32x256xf32, #tpu.memory_space<hbm>>
        %dma_start3A_93 = arith.constant 0 : i32
        %dma_start3A_94 = tpu.memref_slice %arg3[%add3A_90, %dma_start3A_93] : memref<43008x256xf32, #tpu.memory_space<hbm>> -> memref<32x256xf32, #tpu.memory_space<hbm>>
        tpu.enqueue_dma source(%dma_start3A_94 : memref<32x256xf32, #tpu.memory_space<hbm>>) target(%arg8 : memref<32x256xf32, #tpu.memory_space<vmem>>) target_semaphore(%arg13 : memref<!tpu.dma_semaphore, #tpu.memory_space<semaphore_mem>>)
      } else {
      }
      scf.yield %parallel_loop3A_76#0, %parallel_loop3A_76#1 : vector<16xf32>, vector<16xf32>
    }
    %scan3A_48 = arith.constant 21 : i32
    %swap3A = arith.constant 0 : index
    %swap3A_49 = tpu.vector_load %arg11[%swap3A] {strides = array<i32>} : memref<32xf32, #tpu.memory_space<vmem>>, vector<16xf32>,
    tpu.vector_store %arg11[%swap3A], %scan3A_47#0 {strides = array<i32>} : memref<32xf32, #tpu.memory_space<vmem>>, vector<16xf32>,
    %swap3A_50 = arith.constant 16 : index
    %swap3A_51 = tpu.vector_load %arg11[%swap3A_50] {strides = array<i32>} : memref<32xf32, #tpu.memory_space<vmem>>, vector<16xf32>,
    tpu.vector_store %arg11[%swap3A_50], %scan3A_47#1 {strides = array<i32>} : memref<32xf32, #tpu.memory_space<vmem>>, vector<16xf32>,
    "tpu.region"() ({
      %run_scoped3A = tpu.sem_alloc : memref<!tpu.dma_semaphore, #tpu.memory_space<semaphore_mem>>
      %dma_start3A_52 = arith.constant 0 : i32
      %dma_start3A_53 = tpu.memref_slice %arg5[%add3A, %dma_start3A_52] : memref<32x65536xi32, #tpu.memory_space<hbm>> -> memref<1x65536xi32, #tpu.memory_space<hbm>>
      %dma_start3A_54 = tpu.memref_squeeze %dma_start3A_53 : memref<1x65536xi32, #tpu.memory_space<hbm>> -> memref<65536xi32, #tpu.memory_space<hbm>>
      %dma_start3A_55 = arith.constant 0 : i32
      %dma_start3A_56 = tpu.memref_slice %arg5[%add3A, %dma_start3A_55] : memref<32x65536xi32, #tpu.memory_space<hbm>> -> memref<1x65536xi32, #tpu.memory_space<hbm>>
      %dma_start3A_57 = tpu.memref_squeeze %dma_start3A_56 : memref<1x65536xi32, #tpu.memory_space<hbm>> -> memref<65536xi32, #tpu.memory_space<hbm>>
      tpu.enqueue_dma source(%arg9 : memref<65536xi32, #tpu.memory_space<vmem>>) target(%dma_start3A_57 : memref<65536xi32, #tpu.memory_space<hbm>>) target_semaphore(%run_scoped3A : memref<!tpu.dma_semaphore, #tpu.memory_space<semaphore_mem>>)
      %dma_wait3A = arith.constant 0 : i32
      %dma_wait3A_58 = tpu.memref_slice %arg5[%add3A, %dma_wait3A] : memref<32x65536xi32, #tpu.memory_space<hbm>> -> memref<1x65536xi32, #tpu.memory_space<hbm>>
      %dma_wait3A_59 = tpu.memref_squeeze %dma_wait3A_58 : memref<1x65536xi32, #tpu.memory_space<hbm>> -> memref<65536xi32, #tpu.memory_space<hbm>>
      %dma_wait3A_60 = arith.constant 0 : i32
      %dma_wait3A_61 = tpu.memref_slice %arg5[%add3A, %dma_wait3A_60] : memref<32x65536xi32, #tpu.memory_space<hbm>> -> memref<1x65536xi32, #tpu.memory_space<hbm>>
      %dma_wait3A_62 = tpu.memref_squeeze %dma_wait3A_61 : memref<1x65536xi32, #tpu.memory_space<hbm>> -> memref<65536xi32, #tpu.memory_space<hbm>>
      tpu.wait_dma2 semaphore(%run_scoped3A : memref<!tpu.dma_semaphore, #tpu.memory_space<semaphore_mem>>) src(%arg9 : memref<65536xi32, #tpu.memory_space<vmem>>) dst(%dma_wait3A_62 : memref<65536xi32, #tpu.memory_space<hbm>>)
      tpu.yield
    }) : () -> ()
    "tpu.region"() ({
      %run_scoped3A = tpu.sem_alloc : memref<!tpu.dma_semaphore, #tpu.memory_space<semaphore_mem>>
      %dma_start3A_52 = arith.constant 0 : i32
      %dma_start3A_53 = tpu.memref_slice %arg6[%add3A, %dma_start3A_52] : memref<32x32xf32, #tpu.memory_space<hbm>> -> memref<1x32xf32, #tpu.memory_space<hbm>>
      %dma_start3A_54 = tpu.memref_squeeze %dma_start3A_53 : memref<1x32xf32, #tpu.memory_space<hbm>> -> memref<32xf32, #tpu.memory_space<hbm>>
      %dma_start3A_55 = arith.constant 0 : i32
      %dma_start3A_56 = tpu.memref_slice %arg6[%add3A, %dma_start3A_55] : memref<32x32xf32, #tpu.memory_space<hbm>> -> memref<1x32xf32, #tpu.memory_space<hbm>>
      %dma_start3A_57 = tpu.memref_squeeze %dma_start3A_56 : memref<1x32xf32, #tpu.memory_space<hbm>> -> memref<32xf32, #tpu.memory_space<hbm>>
      tpu.enqueue_dma source(%arg11 : memref<32xf32, #tpu.memory_space<vmem>>) target(%dma_start3A_57 : memref<32xf32, #tpu.memory_space<hbm>>) target_semaphore(%run_scoped3A : memref<!tpu.dma_semaphore, #tpu.memory_space<semaphore_mem>>)
      %dma_wait3A = arith.constant 0 : i32
      %dma_wait3A_58 = tpu.memref_slice %arg6[%add3A, %dma_wait3A] : memref<32x32xf32, #tpu.memory_space<hbm>> -> memref<1x32xf32, #tpu.memory_space<hbm>>
      %dma_wait3A_59 = tpu.memref_squeeze %dma_wait3A_58 : memref<1x32xf32, #tpu.memory_space<hbm>> -> memref<32xf32, #tpu.memory_space<hbm>>
      %dma_wait3A_60 = arith.constant 0 : i32
      %dma_wait3A_61 = tpu.memref_slice %arg6[%add3A, %dma_wait3A_60] : memref<32x32xf32, #tpu.memory_space<hbm>> -> memref<1x32xf32, #tpu.memory_space<hbm>>
      %dma_wait3A_62 = tpu.memref_squeeze %dma_wait3A_61 : memref<1x32xf32, #tpu.memory_space<hbm>> -> memref<32xf32, #tpu.memory_space<hbm>>
      tpu.wait_dma2 semaphore(%run_scoped3A : memref<!tpu.dma_semaphore, #tpu.memory_space<semaphore_mem>>) src(%arg11 : memref<32xf32, #tpu.memory_space<vmem>>) dst(%dma_wait3A_62 : memref<32xf32, #tpu.memory_space<hbm>>)
      tpu.yield
    }) : () -> ()
    return
  }
}

#map = affine_map<(d0, d1) -> (0, 0)>
module attributes {stable_mosaic.version = 14 : i64} {
  func.func @pass1(%arg0: i32, %arg1: i32, %arg2: memref<43008x256xf32, #tpu.memory_space<hbm>>, %arg3: memref<32x65536xi32, #tpu.memory_space<hbm>>, %arg4: memref<32x256xf32, #tpu.memory_space<vmem>>, %arg5: memref<32x256xf32, #tpu.memory_space<vmem>>, %arg6: memref<65536xi32, #tpu.memory_space<vmem>>, %arg7: memref<!tpu.dma_semaphore, #tpu.memory_space<semaphore_mem>>, %arg8: memref<!tpu.dma_semaphore, #tpu.memory_space<semaphore_mem>>) attributes {dimension_semantics = [#tpu.dimension_semantics<core_parallel>, #tpu.dimension_semantics<subcore_parallel>], iteration_bounds = array<i64: 2, 16>, scalar_prefetch = 0 : i64, scratch_operands = 5 : i64, tpu.core_type = #tpu.core_type<sc_vector_subcore>, window_params = [{transform_indices = #map}, {transform_indices = #map}]} {
    %mul3A = arith.constant 2 : i32
    %mul3A_0 = arith.muli %arg1, %mul3A : i32
    %add3A = arith.addi %mul3A_0, %arg0 : i32
    %mul3A_1 = arith.constant 1344 : i32
    %mul3A_2 = arith.muli %add3A, %mul3A_1 : i32
    %add3A_3 = arith.constant 0 : i32
    %add3A_4 = arith.addi %mul3A_2, %add3A_3 : i32
    %dma_start3A = arith.constant 0 : i32
    %dma_start3A_5 = tpu.memref_slice %arg2[%add3A_4, %dma_start3A] : memref<43008x256xf32, #tpu.memory_space<hbm>> -> memref<32x256xf32, #tpu.memory_space<hbm>>
    %dma_start3A_6 = arith.constant 0 : i32
    %dma_start3A_7 = tpu.memref_slice %arg2[%add3A_4, %dma_start3A_6] : memref<43008x256xf32, #tpu.memory_space<hbm>> -> memref<32x256xf32, #tpu.memory_space<hbm>>
    tpu.enqueue_dma source(%dma_start3A_7 : memref<32x256xf32, #tpu.memory_space<hbm>>) target(%arg4 : memref<32x256xf32, #tpu.memory_space<vmem>>) target_semaphore(%arg7 : memref<!tpu.dma_semaphore, #tpu.memory_space<semaphore_mem>>)
    %add3A_8 = arith.constant 32 : i32
    %add3A_9 = arith.addi %mul3A_2, %add3A_8 : i32
    %dma_start3A_10 = arith.constant 0 : i32
    %dma_start3A_11 = tpu.memref_slice %arg2[%add3A_9, %dma_start3A_10] : memref<43008x256xf32, #tpu.memory_space<hbm>> -> memref<32x256xf32, #tpu.memory_space<hbm>>
    %dma_start3A_12 = arith.constant 0 : i32
    %dma_start3A_13 = tpu.memref_slice %arg2[%add3A_9, %dma_start3A_12] : memref<43008x256xf32, #tpu.memory_space<hbm>> -> memref<32x256xf32, #tpu.memory_space<hbm>>
    tpu.enqueue_dma source(%dma_start3A_13 : memref<32x256xf32, #tpu.memory_space<hbm>>) target(%arg5 : memref<32x256xf32, #tpu.memory_space<vmem>>) target_semaphore(%arg8 : memref<!tpu.dma_semaphore, #tpu.memory_space<semaphore_mem>>)
    %scan3A = arith.constant 0 : i32
    %scan3A_14 = arith.constant 0 : i32
    %scan3A_15 = arith.constant 4096 : i32
    %scan3A_16 = arith.addi %scan3A_14, %scan3A_15 : i32
    %scan3A_17 = arith.constant 1 : i32
    scf.for %scan3A_26 = %scan3A_14 to %scan3A_16 step %scan3A_17  : i32 {
      %broadcast_in_dim3A_27 = arith.constant 0 : i32
      %broadcast_in_dim3A_28 = vector.broadcast %broadcast_in_dim3A_27 : i32 to vector<16xi32>
      %mul3A_29 = arith.constant 16 : i32
      %mul3A_30 = arith.muli %scan3A_26, %mul3A_29 : i32
      %swap3A = arith.index_cast %mul3A_30 : i32 to index
      %swap3A_31 = tpu.vector_load %arg6[%swap3A] {strides = array<i32>} : memref<65536xi32, #tpu.memory_space<vmem>>, vector<16xi32>,
      tpu.vector_store %arg6[%swap3A], %broadcast_in_dim3A_28 {strides = array<i32>} : memref<65536xi32, #tpu.memory_space<vmem>>, vector<16xi32>,
    }
    %scan3A_18 = arith.constant 4096 : i32
    %broadcast_in_dim3A = arith.constant 1 : i32
    %broadcast_in_dim3A_19 = vector.broadcast %broadcast_in_dim3A : i32 to vector<16xi32>
    %scan3A_20 = arith.constant 0 : i32
    %scan3A_21 = arith.constant 0 : i32
    %scan3A_22 = arith.constant 21 : i32
    %scan3A_23 = arith.addi %scan3A_21, %scan3A_22 : i32
    %scan3A_24 = arith.constant 1 : i32
    scf.for %scan3A_26 = %scan3A_21 to %scan3A_23 step %scan3A_24  : i32 {
      %dma_wait3A = arith.constant 0 : i32
      %dma_wait3A_27 = arith.constant 0 : i32
      %dma_wait3A_28 = tpu.memref_slice %arg2[%dma_wait3A, %dma_wait3A_27] : memref<43008x256xf32, #tpu.memory_space<hbm>> -> memref<32x256xf32, #tpu.memory_space<hbm>>
      %dma_wait3A_29 = arith.constant 0 : i32
      %dma_wait3A_30 = arith.constant 0 : i32
      %dma_wait3A_31 = tpu.memref_slice %arg2[%dma_wait3A_29, %dma_wait3A_30] : memref<43008x256xf32, #tpu.memory_space<hbm>> -> memref<32x256xf32, #tpu.memory_space<hbm>>
      tpu.wait_dma2 semaphore(%arg7 : memref<!tpu.dma_semaphore, #tpu.memory_space<semaphore_mem>>) src(%dma_wait3A_31 : memref<32x256xf32, #tpu.memory_space<hbm>>) dst(%arg4 : memref<32x256xf32, #tpu.memory_space<vmem>>)
      %parallel_loop3A = arith.constant 0 : i32
      %parallel_loop3A_32 = arith.constant 512 : i32
      %parallel_loop3A_33 = arith.constant 1 : i32
      scf.for %parallel_loop3A_54 = %parallel_loop3A to %parallel_loop3A_32 step %parallel_loop3A_33  : i32 {
        %parallel_loop3A_55 = arith.constant 4 : i32
        %parallel_loop3A_56 = arith.shrui %parallel_loop3A_54, %parallel_loop3A_55 : i32
        %parallel_loop3A_57 = arith.constant 15 : i32
        %parallel_loop3A_58 = arith.andi %parallel_loop3A_54, %parallel_loop3A_57 : i32
        %parallel_loop3A_59 = arith.constant 16 : i32
        %parallel_loop3A_60 = arith.muli %parallel_loop3A_58, %parallel_loop3A_59 : i32
        %parallel_loop3A_61 = arith.index_cast %parallel_loop3A_56 : i32 to index
        %parallel_loop3A_62 = arith.index_cast %parallel_loop3A_60 : i32 to index
        %parallel_loop3A_63 = tpu.vector_load %arg4[%parallel_loop3A_61, %parallel_loop3A_62] {strides = array<i32>} : memref<32x256xf32, #tpu.memory_space<vmem>>, vector<16xf32>,
        %parallel_loop3A_64 = vector.bitcast %parallel_loop3A_63 : vector<16xf32> to vector<16xi32>
        %parallel_loop3A_65 = arith.constant 16 : i32
        %parallel_loop3A_66 = vector.broadcast %parallel_loop3A_65 : i32 to vector<16xi32>
        %parallel_loop3A_67 = arith.shrui %parallel_loop3A_64, %parallel_loop3A_66 : vector<16xi32>
        tpu.vector_store_idx %arg6[%parallel_loop3A_67], %broadcast_in_dim3A_19 {add = true} : memref<65536xi32, #tpu.memory_space<vmem>>[vector<16xi32>], vector<16xi32>,
      } {sc.loop_unroll_factor = 8 : i64, sc.parallel_access}
      %add3A_34 = arith.constant 1 : i32
      %add3A_35 = arith.addi %scan3A_26, %add3A_34 : i32
      %lt3A = arith.constant 21 : i32
      %lt3A_36 = arith.cmpi slt, %add3A_35, %lt3A : i32
      %convert_element_type3A = arith.extui %lt3A_36 : i1 to i32
      %cond3A = arith.constant 0 : i32
      %cond3A_37 = arith.cmpi ne, %convert_element_type3A, %cond3A : i32
      scf.if %cond3A_37 {
        %mul3A_54 = arith.constant 2 : i32
        %mul3A_55 = arith.muli %mul3A_54, %scan3A_26 : i32
        %add3A_56 = arith.constant 2 : i32
        %add3A_57 = arith.addi %mul3A_55, %add3A_56 : i32
        %mul3A_58 = arith.constant 32 : i32
        %mul3A_59 = arith.muli %add3A_57, %mul3A_58 : i32
        %add3A_60 = arith.addi %mul3A_2, %mul3A_59 : i32
        %dma_start3A_61 = arith.constant 0 : i32
        %dma_start3A_62 = tpu.memref_slice %arg2[%add3A_60, %dma_start3A_61] : memref<43008x256xf32, #tpu.memory_space<hbm>> -> memref<32x256xf32, #tpu.memory_space<hbm>>
        %dma_start3A_63 = arith.constant 0 : i32
        %dma_start3A_64 = tpu.memref_slice %arg2[%add3A_60, %dma_start3A_63] : memref<43008x256xf32, #tpu.memory_space<hbm>> -> memref<32x256xf32, #tpu.memory_space<hbm>>
        tpu.enqueue_dma source(%dma_start3A_64 : memref<32x256xf32, #tpu.memory_space<hbm>>) target(%arg4 : memref<32x256xf32, #tpu.memory_space<vmem>>) target_semaphore(%arg7 : memref<!tpu.dma_semaphore, #tpu.memory_space<semaphore_mem>>)
      } else {
      }
      %dma_wait3A_38 = arith.constant 0 : i32
      %dma_wait3A_39 = arith.constant 0 : i32
      %dma_wait3A_40 = tpu.memref_slice %arg2[%dma_wait3A_38, %dma_wait3A_39] : memref<43008x256xf32, #tpu.memory_space<hbm>> -> memref<32x256xf32, #tpu.memory_space<hbm>>
      %dma_wait3A_41 = arith.constant 0 : i32
      %dma_wait3A_42 = arith.constant 0 : i32
      %dma_wait3A_43 = tpu.memref_slice %arg2[%dma_wait3A_41, %dma_wait3A_42] : memref<43008x256xf32, #tpu.memory_space<hbm>> -> memref<32x256xf32, #tpu.memory_space<hbm>>
      tpu.wait_dma2 semaphore(%arg8 : memref<!tpu.dma_semaphore, #tpu.memory_space<semaphore_mem>>) src(%dma_wait3A_43 : memref<32x256xf32, #tpu.memory_space<hbm>>) dst(%arg5 : memref<32x256xf32, #tpu.memory_space<vmem>>)
      %parallel_loop3A_44 = arith.constant 0 : i32
      %parallel_loop3A_45 = arith.constant 512 : i32
      %parallel_loop3A_46 = arith.constant 1 : i32
      scf.for %parallel_loop3A_54 = %parallel_loop3A_44 to %parallel_loop3A_45 step %parallel_loop3A_46  : i32 {
        %parallel_loop3A_55 = arith.constant 4 : i32
        %parallel_loop3A_56 = arith.shrui %parallel_loop3A_54, %parallel_loop3A_55 : i32
        %parallel_loop3A_57 = arith.constant 15 : i32
        %parallel_loop3A_58 = arith.andi %parallel_loop3A_54, %parallel_loop3A_57 : i32
        %parallel_loop3A_59 = arith.constant 16 : i32
        %parallel_loop3A_60 = arith.muli %parallel_loop3A_58, %parallel_loop3A_59 : i32
        %parallel_loop3A_61 = arith.index_cast %parallel_loop3A_56 : i32 to index
        %parallel_loop3A_62 = arith.index_cast %parallel_loop3A_60 : i32 to index
        %parallel_loop3A_63 = tpu.vector_load %arg5[%parallel_loop3A_61, %parallel_loop3A_62] {strides = array<i32>} : memref<32x256xf32, #tpu.memory_space<vmem>>, vector<16xf32>,
        %parallel_loop3A_64 = vector.bitcast %parallel_loop3A_63 : vector<16xf32> to vector<16xi32>
        %parallel_loop3A_65 = arith.constant 16 : i32
        %parallel_loop3A_66 = vector.broadcast %parallel_loop3A_65 : i32 to vector<16xi32>
        %parallel_loop3A_67 = arith.shrui %parallel_loop3A_64, %parallel_loop3A_66 : vector<16xi32>
        tpu.vector_store_idx %arg6[%parallel_loop3A_67], %broadcast_in_dim3A_19 {add = true} : memref<65536xi32, #tpu.memory_space<vmem>>[vector<16xi32>], vector<16xi32>,
      } {sc.loop_unroll_factor = 8 : i64, sc.parallel_access}
      %add3A_47 = arith.constant 1 : i32
      %add3A_48 = arith.addi %scan3A_26, %add3A_47 : i32
      %lt3A_49 = arith.constant 21 : i32
      %lt3A_50 = arith.cmpi slt, %add3A_48, %lt3A_49 : i32
      %convert_element_type3A_51 = arith.extui %lt3A_50 : i1 to i32
      %cond3A_52 = arith.constant 0 : i32
      %cond3A_53 = arith.cmpi ne, %convert_element_type3A_51, %cond3A_52 : i32
      scf.if %cond3A_53 {
        %mul3A_54 = arith.constant 2 : i32
        %mul3A_55 = arith.muli %mul3A_54, %scan3A_26 : i32
        %add3A_56 = arith.constant 3 : i32
        %add3A_57 = arith.addi %mul3A_55, %add3A_56 : i32
        %mul3A_58 = arith.constant 32 : i32
        %mul3A_59 = arith.muli %add3A_57, %mul3A_58 : i32
        %add3A_60 = arith.addi %mul3A_2, %mul3A_59 : i32
        %dma_start3A_61 = arith.constant 0 : i32
        %dma_start3A_62 = tpu.memref_slice %arg2[%add3A_60, %dma_start3A_61] : memref<43008x256xf32, #tpu.memory_space<hbm>> -> memref<32x256xf32, #tpu.memory_space<hbm>>
        %dma_start3A_63 = arith.constant 0 : i32
        %dma_start3A_64 = tpu.memref_slice %arg2[%add3A_60, %dma_start3A_63] : memref<43008x256xf32, #tpu.memory_space<hbm>> -> memref<32x256xf32, #tpu.memory_space<hbm>>
        tpu.enqueue_dma source(%dma_start3A_64 : memref<32x256xf32, #tpu.memory_space<hbm>>) target(%arg5 : memref<32x256xf32, #tpu.memory_space<vmem>>) target_semaphore(%arg8 : memref<!tpu.dma_semaphore, #tpu.memory_space<semaphore_mem>>)
      } else {
      }
    }
    %scan3A_25 = arith.constant 21 : i32
    "tpu.region"() ({
      %run_scoped3A = tpu.sem_alloc : memref<!tpu.dma_semaphore, #tpu.memory_space<semaphore_mem>>
      %dma_start3A_26 = arith.constant 0 : i32
      %dma_start3A_27 = tpu.memref_slice %arg3[%add3A, %dma_start3A_26] : memref<32x65536xi32, #tpu.memory_space<hbm>> -> memref<1x65536xi32, #tpu.memory_space<hbm>>
      %dma_start3A_28 = tpu.memref_squeeze %dma_start3A_27 : memref<1x65536xi32, #tpu.memory_space<hbm>> -> memref<65536xi32, #tpu.memory_space<hbm>>
      %dma_start3A_29 = arith.constant 0 : i32
      %dma_start3A_30 = tpu.memref_slice %arg3[%add3A, %dma_start3A_29] : memref<32x65536xi32, #tpu.memory_space<hbm>> -> memref<1x65536xi32, #tpu.memory_space<hbm>>
      %dma_start3A_31 = tpu.memref_squeeze %dma_start3A_30 : memref<1x65536xi32, #tpu.memory_space<hbm>> -> memref<65536xi32, #tpu.memory_space<hbm>>
      tpu.enqueue_dma source(%arg6 : memref<65536xi32, #tpu.memory_space<vmem>>) target(%dma_start3A_31 : memref<65536xi32, #tpu.memory_space<hbm>>) target_semaphore(%run_scoped3A : memref<!tpu.dma_semaphore, #tpu.memory_space<semaphore_mem>>)
      %dma_wait3A = arith.constant 0 : i32
      %dma_wait3A_32 = tpu.memref_slice %arg3[%add3A, %dma_wait3A] : memref<32x65536xi32, #tpu.memory_space<hbm>> -> memref<1x65536xi32, #tpu.memory_space<hbm>>
      %dma_wait3A_33 = tpu.memref_squeeze %dma_wait3A_32 : memref<1x65536xi32, #tpu.memory_space<hbm>> -> memref<65536xi32, #tpu.memory_space<hbm>>
      %dma_wait3A_34 = arith.constant 0 : i32
      %dma_wait3A_35 = tpu.memref_slice %arg3[%add3A, %dma_wait3A_34] : memref<32x65536xi32, #tpu.memory_space<hbm>> -> memref<1x65536xi32, #tpu.memory_space<hbm>>
      %dma_wait3A_36 = tpu.memref_squeeze %dma_wait3A_35 : memref<1x65536xi32, #tpu.memory_space<hbm>> -> memref<65536xi32, #tpu.memory_space<hbm>>
      tpu.wait_dma2 semaphore(%run_scoped3A : memref<!tpu.dma_semaphore, #tpu.memory_space<semaphore_mem>>) src(%arg6 : memref<65536xi32, #tpu.memory_space<vmem>>) dst(%dma_wait3A_36 : memref<65536xi32, #tpu.memory_space<hbm>>)
      tpu.yield
    }) : () -> ()
    return
  }
}

module attributes {stable_mosaic.version = 14 : i64} {
  func.func @_absdiff_body(%arg0: i32, %arg1: memref<1024x224xf32, #tpu.memory_space<vmem>>, %arg2: memref<1024x224xf32, #tpu.memory_space<vmem>>, %arg3: memref<1024x256xf32, #tpu.memory_space<vmem>>) attributes {dimension_semantics = [#tpu.dimension_semantics<arbitrary>], iteration_bounds = array<i64: 42>, scalar_prefetch = 0 : i64, scratch_operands = 0 : i64, tpu.core_type = #tpu.core_type<tc>, window_params = [{transform_indices = @transform_0, window_bounds = array<i64: 1024, 224>}, {transform_indices = @transform_1, window_bounds = array<i64: 1024, 224>}, {transform_indices = @transform_2, window_bounds = array<i64: 1024, 256>}]} {
    %get3A = arith.constant 0 : index
    %get3A_0 = arith.constant 0 : index
    %get3A_1 = vector.load %arg1[%get3A, %get3A_0] : memref<1024x224xf32, #tpu.memory_space<vmem>>, vector<1024x224xf32>
    %get3A_2 = arith.constant 0 : index
    %get3A_3 = arith.constant 0 : index
    %get3A_4 = vector.load %arg2[%get3A_2, %get3A_3] : memref<1024x224xf32, #tpu.memory_space<vmem>>, vector<1024x224xf32>
    %sub3A = arith.subf %get3A_1, %get3A_4 : vector<1024x224xf32>
    %abs3A = math.absf %sub3A : vector<1024x224xf32>
    %broadcast_in_dim3A = arith.constant 0.000000e+00 : f32
    %broadcast_in_dim3A_5 = vector.broadcast %broadcast_in_dim3A : f32 to vector<1024x32xf32>
    %concatenate3A = tpu.concatenate %abs3A, %broadcast_in_dim3A_5 in 1 : vector<1024x224xf32>, vector<1024x32xf32> -> vector<1024x256xf32>
    %swap3A = arith.constant 0 : index
    %swap3A_6 = arith.constant 0 : index
    %swap3A_7 = vector.load %arg3[%swap3A, %swap3A_6] : memref<1024x256xf32, #tpu.memory_space<vmem>>, vector<1024x256xf32>
    tpu.vector_store %arg3[%swap3A, %swap3A_6], %concatenate3A {strides = array<i32>} : memref<1024x256xf32, #tpu.memory_space<vmem>>, vector<1024x256xf32>,
    return
  }
  func.func @transform_0(%arg0: i32) -> (i32, i32) {
    %add3A = arith.constant 42 : i32
    %add3A_0 = arith.addi %arg0, %add3A : i32
    %c0_i32 = arith.constant 0 : i32
    %c0_i32_1 = arith.constant 0 : i32
    return %add3A_0, %c0_i32 : i32, i32
  }
  func.func @transform_1(%arg0: i32) -> (i32, i32) {
    %add3A = arith.constant 42 : i32
    %add3A_0 = arith.addi %arg0, %add3A : i32
    %c0_i32 = arith.constant 0 : i32
    %c0_i32_1 = arith.constant 0 : i32
    return %add3A_0, %c0_i32 : i32, i32
  }
  func.func @transform_2(%arg0: i32) -> (i32, i32) {
    %c0_i32 = arith.constant 0 : i32
    %c0_i32_0 = arith.constant 0 : i32
    return %arg0, %c0_i32 : i32, i32
  }
}

module attributes {stable_mosaic.version = 14 : i64} {
  func.func @_absdiff_body(%arg0: i32, %arg1: memref<1024x224xf32, #tpu.memory_space<vmem>>, %arg2: memref<1024x224xf32, #tpu.memory_space<vmem>>, %arg3: memref<1024x256xf32, #tpu.memory_space<vmem>>) attributes {dimension_semantics = [#tpu.dimension_semantics<arbitrary>], iteration_bounds = array<i64: 42>, scalar_prefetch = 0 : i64, scratch_operands = 0 : i64, tpu.core_type = #tpu.core_type<tc>, window_params = [{transform_indices = @transform_0, window_bounds = array<i64: 1024, 224>}, {transform_indices = @transform_1, window_bounds = array<i64: 1024, 224>}, {transform_indices = @transform_2, window_bounds = array<i64: 1024, 256>}]} {
    %get3A = arith.constant 0 : index
    %get3A_0 = arith.constant 0 : index
    %get3A_1 = vector.load %arg1[%get3A, %get3A_0] : memref<1024x224xf32, #tpu.memory_space<vmem>>, vector<1024x224xf32>
    %get3A_2 = arith.constant 0 : index
    %get3A_3 = arith.constant 0 : index
    %get3A_4 = vector.load %arg2[%get3A_2, %get3A_3] : memref<1024x224xf32, #tpu.memory_space<vmem>>, vector<1024x224xf32>
    %sub3A = arith.subf %get3A_1, %get3A_4 : vector<1024x224xf32>
    %abs3A = math.absf %sub3A : vector<1024x224xf32>
    %broadcast_in_dim3A = arith.constant 0.000000e+00 : f32
    %broadcast_in_dim3A_5 = vector.broadcast %broadcast_in_dim3A : f32 to vector<1024x32xf32>
    %concatenate3A = tpu.concatenate %abs3A, %broadcast_in_dim3A_5 in 1 : vector<1024x224xf32>, vector<1024x32xf32> -> vector<1024x256xf32>
    %swap3A = arith.constant 0 : index
    %swap3A_6 = arith.constant 0 : index
    %swap3A_7 = vector.load %arg3[%swap3A, %swap3A_6] : memref<1024x256xf32, #tpu.memory_space<vmem>>, vector<1024x256xf32>
    tpu.vector_store %arg3[%swap3A, %swap3A_6], %concatenate3A {strides = array<i32>} : memref<1024x256xf32, #tpu.memory_space<vmem>>, vector<1024x256xf32>,
    return
  }
  func.func @transform_0(%arg0: i32) -> (i32, i32) {
    %add3A = arith.constant 0 : i32
    %add3A_0 = arith.addi %arg0, %add3A : i32
    %c0_i32 = arith.constant 0 : i32
    %c0_i32_1 = arith.constant 0 : i32
    return %add3A_0, %c0_i32 : i32, i32
  }
  func.func @transform_1(%arg0: i32) -> (i32, i32) {
    %add3A = arith.constant 0 : i32
    %add3A_0 = arith.addi %arg0, %add3A : i32
    %c0_i32 = arith.constant 0 : i32
    %c0_i32_1 = arith.constant 0 : i32
    return %add3A_0, %c0_i32 : i32, i32
  }
  func.func @transform_2(%arg0: i32) -> (i32, i32) {
    %c0_i32 = arith.constant 0 : i32
    %c0_i32_0 = arith.constant 0 : i32
    return %arg0, %c0_i32 : i32, i32
  }
}

module attributes {stable_mosaic.version = 14 : i64} {
  func.func @_sel1_body(%arg0: memref<32x65536xi32, #tpu.memory_space<vmem>>, %arg1: memref<32x65536xi32, #tpu.memory_space<vmem>>, %arg2: memref<1x1xi32, #tpu.memory_space<smem>>, %arg3: memref<1x1xi32, #tpu.memory_space<smem>>) attributes {dimension_semantics = [], scalar_prefetch = 0 : i64, scratch_operands = 0 : i64, tpu.core_type = #tpu.core_type<tc>} {
    %get3A = arith.constant 0 : index
    %get3A_0 = arith.constant 0 : index
    %get3A_1 = vector.load %arg0[%get3A, %get3A_0] : memref<32x65536xi32, #tpu.memory_space<vmem>>, vector<32x65536xi32>
    %reshape3A = vector.shape_cast %get3A_1 : vector<32x65536xi32> to vector<16384x128xi32>
    %slice3A = vector.extract_strided_slice %reshape3A {offsets = [0, 0], sizes = [512, 128], strides = [1, 1]} : vector<16384x128xi32> to vector<512x128xi32>
    %slice3A_2 = vector.extract_strided_slice %reshape3A {offsets = [512, 0], sizes = [512, 128], strides = [1, 1]} : vector<16384x128xi32> to vector<512x128xi32>
    %add3A = arith.addi %slice3A, %slice3A_2 : vector<512x128xi32>
    %slice3A_3 = vector.extract_strided_slice %reshape3A {offsets = [1024, 0], sizes = [512, 128], strides = [1, 1]} : vector<16384x128xi32> to vector<512x128xi32>
    %add3A_4 = arith.addi %add3A, %slice3A_3 : vector<512x128xi32>
    %slice3A_5 = vector.extract_strided_slice %reshape3A {offsets = [1536, 0], sizes = [512, 128], strides = [1, 1]} : vector<16384x128xi32> to vector<512x128xi32>
    %add3A_6 = arith.addi %add3A_4, %slice3A_5 : vector<512x128xi32>
    %slice3A_7 = vector.extract_strided_slice %reshape3A {offsets = [2048, 0], sizes = [512, 128], strides = [1, 1]} : vector<16384x128xi32> to vector<512x128xi32>
    %add3A_8 = arith.addi %add3A_6, %slice3A_7 : vector<512x128xi32>
    %slice3A_9 = vector.extract_strided_slice %reshape3A {offsets = [2560, 0], sizes = [512, 128], strides = [1, 1]} : vector<16384x128xi32> to vector<512x128xi32>
    %add3A_10 = arith.addi %add3A_8, %slice3A_9 : vector<512x128xi32>
    %slice3A_11 = vector.extract_strided_slice %reshape3A {offsets = [3072, 0], sizes = [512, 128], strides = [1, 1]} : vector<16384x128xi32> to vector<512x128xi32>
    %add3A_12 = arith.addi %add3A_10, %slice3A_11 : vector<512x128xi32>
    %slice3A_13 = vector.extract_strided_slice %reshape3A {offsets = [3584, 0], sizes = [512, 128], strides = [1, 1]} : vector<16384x128xi32> to vector<512x128xi32>
    %add3A_14 = arith.addi %add3A_12, %slice3A_13 : vector<512x128xi32>
    %slice3A_15 = vector.extract_strided_slice %reshape3A {offsets = [4096, 0], sizes = [512, 128], strides = [1, 1]} : vector<16384x128xi32> to vector<512x128xi32>
    %add3A_16 = arith.addi %add3A_14, %slice3A_15 : vector<512x128xi32>
    %slice3A_17 = vector.extract_strided_slice %reshape3A {offsets = [4608, 0], sizes = [512, 128], strides = [1, 1]} : vector<16384x128xi32> to vector<512x128xi32>
    %add3A_18 = arith.addi %add3A_16, %slice3A_17 : vector<512x128xi32>
    %slice3A_19 = vector.extract_strided_slice %reshape3A {offsets = [5120, 0], sizes = [512, 128], strides = [1, 1]} : vector<16384x128xi32> to vector<512x128xi32>
    %add3A_20 = arith.addi %add3A_18, %slice3A_19 : vector<512x128xi32>
    %slice3A_21 = vector.extract_strided_slice %reshape3A {offsets = [5632, 0], sizes = [512, 128], strides = [1, 1]} : vector<16384x128xi32> to vector<512x128xi32>
    %add3A_22 = arith.addi %add3A_20, %slice3A_21 : vector<512x128xi32>
    %slice3A_23 = vector.extract_strided_slice %reshape3A {offsets = [6144, 0], sizes = [512, 128], strides = [1, 1]} : vector<16384x128xi32> to vector<512x128xi32>
    %add3A_24 = arith.addi %add3A_22, %slice3A_23 : vector<512x128xi32>
    %slice3A_25 = vector.extract_strided_slice %reshape3A {offsets = [6656, 0], sizes = [512, 128], strides = [1, 1]} : vector<16384x128xi32> to vector<512x128xi32>
    %add3A_26 = arith.addi %add3A_24, %slice3A_25 : vector<512x128xi32>
    %slice3A_27 = vector.extract_strided_slice %reshape3A {offsets = [7168, 0], sizes = [512, 128], strides = [1, 1]} : vector<16384x128xi32> to vector<512x128xi32>
    %add3A_28 = arith.addi %add3A_26, %slice3A_27 : vector<512x128xi32>
    %slice3A_29 = vector.extract_strided_slice %reshape3A {offsets = [7680, 0], sizes = [512, 128], strides = [1, 1]} : vector<16384x128xi32> to vector<512x128xi32>
    %add3A_30 = arith.addi %add3A_28, %slice3A_29 : vector<512x128xi32>
    %slice3A_31 = vector.extract_strided_slice %reshape3A {offsets = [8192, 0], sizes = [512, 128], strides = [1, 1]} : vector<16384x128xi32> to vector<512x128xi32>
    %add3A_32 = arith.addi %add3A_30, %slice3A_31 : vector<512x128xi32>
    %slice3A_33 = vector.extract_strided_slice %reshape3A {offsets = [8704, 0], sizes = [512, 128], strides = [1, 1]} : vector<16384x128xi32> to vector<512x128xi32>
    %add3A_34 = arith.addi %add3A_32, %slice3A_33 : vector<512x128xi32>
    %slice3A_35 = vector.extract_strided_slice %reshape3A {offsets = [9216, 0], sizes = [512, 128], strides = [1, 1]} : vector<16384x128xi32> to vector<512x128xi32>
    %add3A_36 = arith.addi %add3A_34, %slice3A_35 : vector<512x128xi32>
    %slice3A_37 = vector.extract_strided_slice %reshape3A {offsets = [9728, 0], sizes = [512, 128], strides = [1, 1]} : vector<16384x128xi32> to vector<512x128xi32>
    %add3A_38 = arith.addi %add3A_36, %slice3A_37 : vector<512x128xi32>
    %slice3A_39 = vector.extract_strided_slice %reshape3A {offsets = [10240, 0], sizes = [512, 128], strides = [1, 1]} : vector<16384x128xi32> to vector<512x128xi32>
    %add3A_40 = arith.addi %add3A_38, %slice3A_39 : vector<512x128xi32>
    %slice3A_41 = vector.extract_strided_slice %reshape3A {offsets = [10752, 0], sizes = [512, 128], strides = [1, 1]} : vector<16384x128xi32> to vector<512x128xi32>
    %add3A_42 = arith.addi %add3A_40, %slice3A_41 : vector<512x128xi32>
    %slice3A_43 = vector.extract_strided_slice %reshape3A {offsets = [11264, 0], sizes = [512, 128], strides = [1, 1]} : vector<16384x128xi32> to vector<512x128xi32>
    %add3A_44 = arith.addi %add3A_42, %slice3A_43 : vector<512x128xi32>
    %slice3A_45 = vector.extract_strided_slice %reshape3A {offsets = [11776, 0], sizes = [512, 128], strides = [1, 1]} : vector<16384x128xi32> to vector<512x128xi32>
    %add3A_46 = arith.addi %add3A_44, %slice3A_45 : vector<512x128xi32>
    %slice3A_47 = vector.extract_strided_slice %reshape3A {offsets = [12288, 0], sizes = [512, 128], strides = [1, 1]} : vector<16384x128xi32> to vector<512x128xi32>
    %add3A_48 = arith.addi %add3A_46, %slice3A_47 : vector<512x128xi32>
    %slice3A_49 = vector.extract_strided_slice %reshape3A {offsets = [12800, 0], sizes = [512, 128], strides = [1, 1]} : vector<16384x128xi32> to vector<512x128xi32>
    %add3A_50 = arith.addi %add3A_48, %slice3A_49 : vector<512x128xi32>
    %slice3A_51 = vector.extract_strided_slice %reshape3A {offsets = [13312, 0], sizes = [512, 128], strides = [1, 1]} : vector<16384x128xi32> to vector<512x128xi32>
    %add3A_52 = arith.addi %add3A_50, %slice3A_51 : vector<512x128xi32>
    %slice3A_53 = vector.extract_strided_slice %reshape3A {offsets = [13824, 0], sizes = [512, 128], strides = [1, 1]} : vector<16384x128xi32> to vector<512x128xi32>
    %add3A_54 = arith.addi %add3A_52, %slice3A_53 : vector<512x128xi32>
    %slice3A_55 = vector.extract_strided_slice %reshape3A {offsets = [14336, 0], sizes = [512, 128], strides = [1, 1]} : vector<16384x128xi32> to vector<512x128xi32>
    %add3A_56 = arith.addi %add3A_54, %slice3A_55 : vector<512x128xi32>
    %slice3A_57 = vector.extract_strided_slice %reshape3A {offsets = [14848, 0], sizes = [512, 128], strides = [1, 1]} : vector<16384x128xi32> to vector<512x128xi32>
    %add3A_58 = arith.addi %add3A_56, %slice3A_57 : vector<512x128xi32>
    %slice3A_59 = vector.extract_strided_slice %reshape3A {offsets = [15360, 0], sizes = [512, 128], strides = [1, 1]} : vector<16384x128xi32> to vector<512x128xi32>
    %add3A_60 = arith.addi %add3A_58, %slice3A_59 : vector<512x128xi32>
    %slice3A_61 = vector.extract_strided_slice %reshape3A {offsets = [15872, 0], sizes = [512, 128], strides = [1, 1]} : vector<16384x128xi32> to vector<512x128xi32>
    %add3A_62 = arith.addi %add3A_60, %slice3A_61 : vector<512x128xi32>
    %get3A_63 = arith.constant 0 : index
    %get3A_64 = arith.constant 0 : index
    %get3A_65 = vector.load %arg1[%get3A_63, %get3A_64] : memref<32x65536xi32, #tpu.memory_space<vmem>>, vector<32x65536xi32>
    %reshape3A_66 = vector.shape_cast %get3A_65 : vector<32x65536xi32> to vector<16384x128xi32>
    %slice3A_67 = vector.extract_strided_slice %reshape3A_66 {offsets = [0, 0], sizes = [512, 128], strides = [1, 1]} : vector<16384x128xi32> to vector<512x128xi32>
    %slice3A_68 = vector.extract_strided_slice %reshape3A_66 {offsets = [512, 0], sizes = [512, 128], strides = [1, 1]} : vector<16384x128xi32> to vector<512x128xi32>
    %add3A_69 = arith.addi %slice3A_67, %slice3A_68 : vector<512x128xi32>
    %slice3A_70 = vector.extract_strided_slice %reshape3A_66 {offsets = [1024, 0], sizes = [512, 128], strides = [1, 1]} : vector<16384x128xi32> to vector<512x128xi32>
    %add3A_71 = arith.addi %add3A_69, %slice3A_70 : vector<512x128xi32>
    %slice3A_72 = vector.extract_strided_slice %reshape3A_66 {offsets = [1536, 0], sizes = [512, 128], strides = [1, 1]} : vector<16384x128xi32> to vector<512x128xi32>
    %add3A_73 = arith.addi %add3A_71, %slice3A_72 : vector<512x128xi32>
    %slice3A_74 = vector.extract_strided_slice %reshape3A_66 {offsets = [2048, 0], sizes = [512, 128], strides = [1, 1]} : vector<16384x128xi32> to vector<512x128xi32>
    %add3A_75 = arith.addi %add3A_73, %slice3A_74 : vector<512x128xi32>
    %slice3A_76 = vector.extract_strided_slice %reshape3A_66 {offsets = [2560, 0], sizes = [512, 128], strides = [1, 1]} : vector<16384x128xi32> to vector<512x128xi32>
    %add3A_77 = arith.addi %add3A_75, %slice3A_76 : vector<512x128xi32>
    %slice3A_78 = vector.extract_strided_slice %reshape3A_66 {offsets = [3072, 0], sizes = [512, 128], strides = [1, 1]} : vector<16384x128xi32> to vector<512x128xi32>
    %add3A_79 = arith.addi %add3A_77, %slice3A_78 : vector<512x128xi32>
    %slice3A_80 = vector.extract_strided_slice %reshape3A_66 {offsets = [3584, 0], sizes = [512, 128], strides = [1, 1]} : vector<16384x128xi32> to vector<512x128xi32>
    %add3A_81 = arith.addi %add3A_79, %slice3A_80 : vector<512x128xi32>
    %slice3A_82 = vector.extract_strided_slice %reshape3A_66 {offsets = [4096, 0], sizes = [512, 128], strides = [1, 1]} : vector<16384x128xi32> to vector<512x128xi32>
    %add3A_83 = arith.addi %add3A_81, %slice3A_82 : vector<512x128xi32>
    %slice3A_84 = vector.extract_strided_slice %reshape3A_66 {offsets = [4608, 0], sizes = [512, 128], strides = [1, 1]} : vector<16384x128xi32> to vector<512x128xi32>
    %add3A_85 = arith.addi %add3A_83, %slice3A_84 : vector<512x128xi32>
    %slice3A_86 = vector.extract_strided_slice %reshape3A_66 {offsets = [5120, 0], sizes = [512, 128], strides = [1, 1]} : vector<16384x128xi32> to vector<512x128xi32>
    %add3A_87 = arith.addi %add3A_85, %slice3A_86 : vector<512x128xi32>
    %slice3A_88 = vector.extract_strided_slice %reshape3A_66 {offsets = [5632, 0], sizes = [512, 128], strides = [1, 1]} : vector<16384x128xi32> to vector<512x128xi32>
    %add3A_89 = arith.addi %add3A_87, %slice3A_88 : vector<512x128xi32>
    %slice3A_90 = vector.extract_strided_slice %reshape3A_66 {offsets = [6144, 0], sizes = [512, 128], strides = [1, 1]} : vector<16384x128xi32> to vector<512x128xi32>
    %add3A_91 = arith.addi %add3A_89, %slice3A_90 : vector<512x128xi32>
    %slice3A_92 = vector.extract_strided_slice %reshape3A_66 {offsets = [6656, 0], sizes = [512, 128], strides = [1, 1]} : vector<16384x128xi32> to vector<512x128xi32>
    %add3A_93 = arith.addi %add3A_91, %slice3A_92 : vector<512x128xi32>
    %slice3A_94 = vector.extract_strided_slice %reshape3A_66 {offsets = [7168, 0], sizes = [512, 128], strides = [1, 1]} : vector<16384x128xi32> to vector<512x128xi32>
    %add3A_95 = arith.addi %add3A_93, %slice3A_94 : vector<512x128xi32>
    %slice3A_96 = vector.extract_strided_slice %reshape3A_66 {offsets = [7680, 0], sizes = [512, 128], strides = [1, 1]} : vector<16384x128xi32> to vector<512x128xi32>
    %add3A_97 = arith.addi %add3A_95, %slice3A_96 : vector<512x128xi32>
    %slice3A_98 = vector.extract_strided_slice %reshape3A_66 {offsets = [8192, 0], sizes = [512, 128], strides = [1, 1]} : vector<16384x128xi32> to vector<512x128xi32>
    %add3A_99 = arith.addi %add3A_97, %slice3A_98 : vector<512x128xi32>
    %slice3A_100 = vector.extract_strided_slice %reshape3A_66 {offsets = [8704, 0], sizes = [512, 128], strides = [1, 1]} : vector<16384x128xi32> to vector<512x128xi32>
    %add3A_101 = arith.addi %add3A_99, %slice3A_100 : vector<512x128xi32>
    %slice3A_102 = vector.extract_strided_slice %reshape3A_66 {offsets = [9216, 0], sizes = [512, 128], strides = [1, 1]} : vector<16384x128xi32> to vector<512x128xi32>
    %add3A_103 = arith.addi %add3A_101, %slice3A_102 : vector<512x128xi32>
    %slice3A_104 = vector.extract_strided_slice %reshape3A_66 {offsets = [9728, 0], sizes = [512, 128], strides = [1, 1]} : vector<16384x128xi32> to vector<512x128xi32>
    %add3A_105 = arith.addi %add3A_103, %slice3A_104 : vector<512x128xi32>
    %slice3A_106 = vector.extract_strided_slice %reshape3A_66 {offsets = [10240, 0], sizes = [512, 128], strides = [1, 1]} : vector<16384x128xi32> to vector<512x128xi32>
    %add3A_107 = arith.addi %add3A_105, %slice3A_106 : vector<512x128xi32>
    %slice3A_108 = vector.extract_strided_slice %reshape3A_66 {offsets = [10752, 0], sizes = [512, 128], strides = [1, 1]} : vector<16384x128xi32> to vector<512x128xi32>
    %add3A_109 = arith.addi %add3A_107, %slice3A_108 : vector<512x128xi32>
    %slice3A_110 = vector.extract_strided_slice %reshape3A_66 {offsets = [11264, 0], sizes = [512, 128], strides = [1, 1]} : vector<16384x128xi32> to vector<512x128xi32>
    %add3A_111 = arith.addi %add3A_109, %slice3A_110 : vector<512x128xi32>
    %slice3A_112 = vector.extract_strided_slice %reshape3A_66 {offsets = [11776, 0], sizes = [512, 128], strides = [1, 1]} : vector<16384x128xi32> to vector<512x128xi32>
    %add3A_113 = arith.addi %add3A_111, %slice3A_112 : vector<512x128xi32>
    %slice3A_114 = vector.extract_strided_slice %reshape3A_66 {offsets = [12288, 0], sizes = [512, 128], strides = [1, 1]} : vector<16384x128xi32> to vector<512x128xi32>
    %add3A_115 = arith.addi %add3A_113, %slice3A_114 : vector<512x128xi32>
    %slice3A_116 = vector.extract_strided_slice %reshape3A_66 {offsets = [12800, 0], sizes = [512, 128], strides = [1, 1]} : vector<16384x128xi32> to vector<512x128xi32>
    %add3A_117 = arith.addi %add3A_115, %slice3A_116 : vector<512x128xi32>
    %slice3A_118 = vector.extract_strided_slice %reshape3A_66 {offsets = [13312, 0], sizes = [512, 128], strides = [1, 1]} : vector<16384x128xi32> to vector<512x128xi32>
    %add3A_119 = arith.addi %add3A_117, %slice3A_118 : vector<512x128xi32>
    %slice3A_120 = vector.extract_strided_slice %reshape3A_66 {offsets = [13824, 0], sizes = [512, 128], strides = [1, 1]} : vector<16384x128xi32> to vector<512x128xi32>
    %add3A_121 = arith.addi %add3A_119, %slice3A_120 : vector<512x128xi32>
    %slice3A_122 = vector.extract_strided_slice %reshape3A_66 {offsets = [14336, 0], sizes = [512, 128], strides = [1, 1]} : vector<16384x128xi32> to vector<512x128xi32>
    %add3A_123 = arith.addi %add3A_121, %slice3A_122 : vector<512x128xi32>
    %slice3A_124 = vector.extract_strided_slice %reshape3A_66 {offsets = [14848, 0], sizes = [512, 128], strides = [1, 1]} : vector<16384x128xi32> to vector<512x128xi32>
    %add3A_125 = arith.addi %add3A_123, %slice3A_124 : vector<512x128xi32>
    %slice3A_126 = vector.extract_strided_slice %reshape3A_66 {offsets = [15360, 0], sizes = [512, 128], strides = [1, 1]} : vector<16384x128xi32> to vector<512x128xi32>
    %add3A_127 = arith.addi %add3A_125, %slice3A_126 : vector<512x128xi32>
    %slice3A_128 = vector.extract_strided_slice %reshape3A_66 {offsets = [15872, 0], sizes = [512, 128], strides = [1, 1]} : vector<16384x128xi32> to vector<512x128xi32>
    %add3A_129 = arith.addi %add3A_127, %slice3A_128 : vector<512x128xi32>
    %add3A_130 = arith.addi %add3A_62, %add3A_129 : vector<512x128xi32>
    %iota3A = tpu.iota {dimensions = array<i32: 0>} : vector<512x128xi32>
    %iota3A_131 = tpu.iota {dimensions = array<i32: 1>} : vector<512x128xi32>
    %mul3A = arith.constant 128 : i32
    %mul3A_132 = vector.broadcast %mul3A : i32 to vector<512x128xi32>
    %mul3A_133 = arith.muli %iota3A, %mul3A_132 : vector<512x128xi32>
    %add3A_134 = arith.addi %mul3A_133, %iota3A_131 : vector<512x128xi32>
    %add3A_135 = arith.constant 0 : i32
    %add3A_136 = arith.constant 32768 : i32
    %add3A_137 = arith.addi %add3A_135, %add3A_136 : i32
    %ge3A = arith.constant 0 : i32
    %ge3A_138 = vector.broadcast %ge3A : i32 to vector<512x128xi32>
    %ge3A_139 = arith.cmpi sge, %add3A_134, %ge3A_138 : vector<512x128xi32>
    %lt3A = vector.broadcast %add3A_137 : i32 to vector<512x128xi32>
    %lt3A_140 = arith.cmpi slt, %add3A_134, %lt3A : vector<512x128xi32>
    %and3A = arith.andi %ge3A_139, %lt3A_140 : vector<512x128xi1>
    %jit3A = arith.constant 0 : i32
    %broadcast_in_dim3A = vector.broadcast %jit3A : i32 to vector<512x128xi32>
    %select_n3A = arith.select %and3A, %add3A_130, %broadcast_in_dim3A : vector<512x128xi1>, vector<512x128xi32>
    %reduce_sum3A = vector.shape_cast %select_n3A : vector<512x128xi32> to vector<1x512x128xi32>
    %reduce_sum3A_141 = arith.constant dense<0> : vector<1xi32>
    %reduce_sum3A_142 = vector.multi_reduction <add>, %reduce_sum3A, %reduce_sum3A_141 [1, 2] : vector<1x512x128xi32> to vector<1xi32>
    %reduce_sum3A_143 = vector.shape_cast %reduce_sum3A_142 : vector<1xi32> to vector<1x1x1xi32>
    %reduce_sum3A_144 = vector.extract %reduce_sum3A_143[0, 0, 0] : i32 from vector<1x1x1xi32>
    %add3A_145 = arith.constant 0 : i32
    %add3A_146 = arith.addi %add3A_145, %reduce_sum3A_144 : i32
    %le3A = arith.constant 12386304 : i32
    %le3A_147 = arith.cmpi sle, %add3A_146, %le3A : i32
    %jit3A_148 = arith.constant 0 : i32
    %select_n3A_149 = arith.select %le3A_147, %add3A_137, %jit3A_148 : i32
    %jit3A_150 = arith.constant 0 : i32
    %select_n3A_151 = arith.select %le3A_147, %add3A_146, %jit3A_150 : i32
    %add3A_152 = arith.constant 16384 : i32
    %add3A_153 = arith.addi %select_n3A_149, %add3A_152 : i32
    %ge3A_154 = vector.broadcast %select_n3A_149 : i32 to vector<512x128xi32>
    %ge3A_155 = arith.cmpi sge, %add3A_134, %ge3A_154 : vector<512x128xi32>
    %lt3A_156 = vector.broadcast %add3A_153 : i32 to vector<512x128xi32>
    %lt3A_157 = arith.cmpi slt, %add3A_134, %lt3A_156 : vector<512x128xi32>
    %and3A_158 = arith.andi %ge3A_155, %lt3A_157 : vector<512x128xi1>
    %jit3A_159 = arith.constant 0 : i32
    %broadcast_in_dim3A_160 = vector.broadcast %jit3A_159 : i32 to vector<512x128xi32>
    %select_n3A_161 = arith.select %and3A_158, %add3A_130, %broadcast_in_dim3A_160 : vector<512x128xi1>, vector<512x128xi32>
    %reduce_sum3A_162 = vector.shape_cast %select_n3A_161 : vector<512x128xi32> to vector<1x512x128xi32>
    %reduce_sum3A_163 = arith.constant dense<0> : vector<1xi32>
    %reduce_sum3A_164 = vector.multi_reduction <add>, %reduce_sum3A_162, %reduce_sum3A_163 [1, 2] : vector<1x512x128xi32> to vector<1xi32>
    %reduce_sum3A_165 = vector.shape_cast %reduce_sum3A_164 : vector<1xi32> to vector<1x1x1xi32>
    %reduce_sum3A_166 = vector.extract %reduce_sum3A_165[0, 0, 0] : i32 from vector<1x1x1xi32>
    %add3A_167 = arith.addi %select_n3A_151, %reduce_sum3A_166 : i32
    %le3A_168 = arith.constant 12386304 : i32
    %le3A_169 = arith.cmpi sle, %add3A_167, %le3A_168 : i32
    %select_n3A_170 = arith.select %le3A_169, %add3A_153, %select_n3A_149 : i32
    %select_n3A_171 = arith.select %le3A_169, %add3A_167, %select_n3A_151 : i32
    %add3A_172 = arith.constant 8192 : i32
    %add3A_173 = arith.addi %select_n3A_170, %add3A_172 : i32
    %ge3A_174 = vector.broadcast %select_n3A_170 : i32 to vector<512x128xi32>
    %ge3A_175 = arith.cmpi sge, %add3A_134, %ge3A_174 : vector<512x128xi32>
    %lt3A_176 = vector.broadcast %add3A_173 : i32 to vector<512x128xi32>
    %lt3A_177 = arith.cmpi slt, %add3A_134, %lt3A_176 : vector<512x128xi32>
    %and3A_178 = arith.andi %ge3A_175, %lt3A_177 : vector<512x128xi1>
    %jit3A_179 = arith.constant 0 : i32
    %broadcast_in_dim3A_180 = vector.broadcast %jit3A_179 : i32 to vector<512x128xi32>
    %select_n3A_181 = arith.select %and3A_178, %add3A_130, %broadcast_in_dim3A_180 : vector<512x128xi1>, vector<512x128xi32>
    %reduce_sum3A_182 = vector.shape_cast %select_n3A_181 : vector<512x128xi32> to vector<1x512x128xi32>
    %reduce_sum3A_183 = arith.constant dense<0> : vector<1xi32>
    %reduce_sum3A_184 = vector.multi_reduction <add>, %reduce_sum3A_182, %reduce_sum3A_183 [1, 2] : vector<1x512x128xi32> to vector<1xi32>
    %reduce_sum3A_185 = vector.shape_cast %reduce_sum3A_184 : vector<1xi32> to vector<1x1x1xi32>
    %reduce_sum3A_186 = vector.extract %reduce_sum3A_185[0, 0, 0] : i32 from vector<1x1x1xi32>
    %add3A_187 = arith.addi %select_n3A_171, %reduce_sum3A_186 : i32
    %le3A_188 = arith.constant 12386304 : i32
    %le3A_189 = arith.cmpi sle, %add3A_187, %le3A_188 : i32
    %select_n3A_190 = arith.select %le3A_189, %add3A_173, %select_n3A_170 : i32
    %select_n3A_191 = arith.select %le3A_189, %add3A_187, %select_n3A_171 : i32
    %add3A_192 = arith.constant 4096 : i32
    %add3A_193 = arith.addi %select_n3A_190, %add3A_192 : i32
    %ge3A_194 = vector.broadcast %select_n3A_190 : i32 to vector<512x128xi32>
    %ge3A_195 = arith.cmpi sge, %add3A_134, %ge3A_194 : vector<512x128xi32>
    %lt3A_196 = vector.broadcast %add3A_193 : i32 to vector<512x128xi32>
    %lt3A_197 = arith.cmpi slt, %add3A_134, %lt3A_196 : vector<512x128xi32>
    %and3A_198 = arith.andi %ge3A_195, %lt3A_197 : vector<512x128xi1>
    %jit3A_199 = arith.constant 0 : i32
    %broadcast_in_dim3A_200 = vector.broadcast %jit3A_199 : i32 to vector<512x128xi32>
    %select_n3A_201 = arith.select %and3A_198, %add3A_130, %broadcast_in_dim3A_200 : vector<512x128xi1>, vector<512x128xi32>
    %reduce_sum3A_202 = vector.shape_cast %select_n3A_201 : vector<512x128xi32> to vector<1x512x128xi32>
    %reduce_sum3A_203 = arith.constant dense<0> : vector<1xi32>
    %reduce_sum3A_204 = vector.multi_reduction <add>, %reduce_sum3A_202, %reduce_sum3A_203 [1, 2] : vector<1x512x128xi32> to vector<1xi32>
    %reduce_sum3A_205 = vector.shape_cast %reduce_sum3A_204 : vector<1xi32> to vector<1x1x1xi32>
    %reduce_sum3A_206 = vector.extract %reduce_sum3A_205[0, 0, 0] : i32 from vector<1x1x1xi32>
    %add3A_207 = arith.addi %select_n3A_191, %reduce_sum3A_206 : i32
    %le3A_208 = arith.constant 12386304 : i32
    %le3A_209 = arith.cmpi sle, %add3A_207, %le3A_208 : i32
    %select_n3A_210 = arith.select %le3A_209, %add3A_193, %select_n3A_190 : i32
    %select_n3A_211 = arith.select %le3A_209, %add3A_207, %select_n3A_191 : i32
    %add3A_212 = arith.constant 2048 : i32
    %add3A_213 = arith.addi %select_n3A_210, %add3A_212 : i32
    %ge3A_214 = vector.broadcast %select_n3A_210 : i32 to vector<512x128xi32>
    %ge3A_215 = arith.cmpi sge, %add3A_134, %ge3A_214 : vector<512x128xi32>
    %lt3A_216 = vector.broadcast %add3A_213 : i32 to vector<512x128xi32>
    %lt3A_217 = arith.cmpi slt, %add3A_134, %lt3A_216 : vector<512x128xi32>
    %and3A_218 = arith.andi %ge3A_215, %lt3A_217 : vector<512x128xi1>
    %jit3A_219 = arith.constant 0 : i32
    %broadcast_in_dim3A_220 = vector.broadcast %jit3A_219 : i32 to vector<512x128xi32>
    %select_n3A_221 = arith.select %and3A_218, %add3A_130, %broadcast_in_dim3A_220 : vector<512x128xi1>, vector<512x128xi32>
    %reduce_sum3A_222 = vector.shape_cast %select_n3A_221 : vector<512x128xi32> to vector<1x512x128xi32>
    %reduce_sum3A_223 = arith.constant dense<0> : vector<1xi32>
    %reduce_sum3A_224 = vector.multi_reduction <add>, %reduce_sum3A_222, %reduce_sum3A_223 [1, 2] : vector<1x512x128xi32> to vector<1xi32>
    %reduce_sum3A_225 = vector.shape_cast %reduce_sum3A_224 : vector<1xi32> to vector<1x1x1xi32>
    %reduce_sum3A_226 = vector.extract %reduce_sum3A_225[0, 0, 0] : i32 from vector<1x1x1xi32>
    %add3A_227 = arith.addi %select_n3A_211, %reduce_sum3A_226 : i32
    %le3A_228 = arith.constant 12386304 : i32
    %le3A_229 = arith.cmpi sle, %add3A_227, %le3A_228 : i32
    %select_n3A_230 = arith.select %le3A_229, %add3A_213, %select_n3A_210 : i32
    %select_n3A_231 = arith.select %le3A_229, %add3A_227, %select_n3A_211 : i32
    %add3A_232 = arith.constant 1024 : i32
    %add3A_233 = arith.addi %select_n3A_230, %add3A_232 : i32
    %ge3A_234 = vector.broadcast %select_n3A_230 : i32 to vector<512x128xi32>
    %ge3A_235 = arith.cmpi sge, %add3A_134, %ge3A_234 : vector<512x128xi32>
    %lt3A_236 = vector.broadcast %add3A_233 : i32 to vector<512x128xi32>
    %lt3A_237 = arith.cmpi slt, %add3A_134, %lt3A_236 : vector<512x128xi32>
    %and3A_238 = arith.andi %ge3A_235, %lt3A_237 : vector<512x128xi1>
    %jit3A_239 = arith.constant 0 : i32
    %broadcast_in_dim3A_240 = vector.broadcast %jit3A_239 : i32 to vector<512x128xi32>
    %select_n3A_241 = arith.select %and3A_238, %add3A_130, %broadcast_in_dim3A_240 : vector<512x128xi1>, vector<512x128xi32>
    %reduce_sum3A_242 = vector.shape_cast %select_n3A_241 : vector<512x128xi32> to vector<1x512x128xi32>
    %reduce_sum3A_243 = arith.constant dense<0> : vector<1xi32>
    %reduce_sum3A_244 = vector.multi_reduction <add>, %reduce_sum3A_242, %reduce_sum3A_243 [1, 2] : vector<1x512x128xi32> to vector<1xi32>
    %reduce_sum3A_245 = vector.shape_cast %reduce_sum3A_244 : vector<1xi32> to vector<1x1x1xi32>
    %reduce_sum3A_246 = vector.extract %reduce_sum3A_245[0, 0, 0] : i32 from vector<1x1x1xi32>
    %add3A_247 = arith.addi %select_n3A_231, %reduce_sum3A_246 : i32
    %le3A_248 = arith.constant 12386304 : i32
    %le3A_249 = arith.cmpi sle, %add3A_247, %le3A_248 : i32
    %select_n3A_250 = arith.select %le3A_249, %add3A_233, %select_n3A_230 : i32
    %select_n3A_251 = arith.select %le3A_249, %add3A_247, %select_n3A_231 : i32
    %add3A_252 = arith.constant 512 : i32
    %add3A_253 = arith.addi %select_n3A_250, %add3A_252 : i32
    %ge3A_254 = vector.broadcast %select_n3A_250 : i32 to vector<512x128xi32>
    %ge3A_255 = arith.cmpi sge, %add3A_134, %ge3A_254 : vector<512x128xi32>
    %lt3A_256 = vector.broadcast %add3A_253 : i32 to vector<512x128xi32>
    %lt3A_257 = arith.cmpi slt, %add3A_134, %lt3A_256 : vector<512x128xi32>
    %and3A_258 = arith.andi %ge3A_255, %lt3A_257 : vector<512x128xi1>
    %jit3A_259 = arith.constant 0 : i32
    %broadcast_in_dim3A_260 = vector.broadcast %jit3A_259 : i32 to vector<512x128xi32>
    %select_n3A_261 = arith.select %and3A_258, %add3A_130, %broadcast_in_dim3A_260 : vector<512x128xi1>, vector<512x128xi32>
    %reduce_sum3A_262 = vector.shape_cast %select_n3A_261 : vector<512x128xi32> to vector<1x512x128xi32>
    %reduce_sum3A_263 = arith.constant dense<0> : vector<1xi32>
    %reduce_sum3A_264 = vector.multi_reduction <add>, %reduce_sum3A_262, %reduce_sum3A_263 [1, 2] : vector<1x512x128xi32> to vector<1xi32>
    %reduce_sum3A_265 = vector.shape_cast %reduce_sum3A_264 : vector<1xi32> to vector<1x1x1xi32>
    %reduce_sum3A_266 = vector.extract %reduce_sum3A_265[0, 0, 0] : i32 from vector<1x1x1xi32>
    %add3A_267 = arith.addi %select_n3A_251, %reduce_sum3A_266 : i32
    %le3A_268 = arith.constant 12386304 : i32
    %le3A_269 = arith.cmpi sle, %add3A_267, %le3A_268 : i32
    %select_n3A_270 = arith.select %le3A_269, %add3A_253, %select_n3A_250 : i32
    %select_n3A_271 = arith.select %le3A_269, %add3A_267, %select_n3A_251 : i32
    %add3A_272 = arith.constant 256 : i32
    %add3A_273 = arith.addi %select_n3A_270, %add3A_272 : i32
    %ge3A_274 = vector.broadcast %select_n3A_270 : i32 to vector<512x128xi32>
    %ge3A_275 = arith.cmpi sge, %add3A_134, %ge3A_274 : vector<512x128xi32>
    %lt3A_276 = vector.broadcast %add3A_273 : i32 to vector<512x128xi32>
    %lt3A_277 = arith.cmpi slt, %add3A_134, %lt3A_276 : vector<512x128xi32>
    %and3A_278 = arith.andi %ge3A_275, %lt3A_277 : vector<512x128xi1>
    %jit3A_279 = arith.constant 0 : i32
    %broadcast_in_dim3A_280 = vector.broadcast %jit3A_279 : i32 to vector<512x128xi32>
    %select_n3A_281 = arith.select %and3A_278, %add3A_130, %broadcast_in_dim3A_280 : vector<512x128xi1>, vector<512x128xi32>
    %reduce_sum3A_282 = vector.shape_cast %select_n3A_281 : vector<512x128xi32> to vector<1x512x128xi32>
    %reduce_sum3A_283 = arith.constant dense<0> : vector<1xi32>
    %reduce_sum3A_284 = vector.multi_reduction <add>, %reduce_sum3A_282, %reduce_sum3A_283 [1, 2] : vector<1x512x128xi32> to vector<1xi32>
    %reduce_sum3A_285 = vector.shape_cast %reduce_sum3A_284 : vector<1xi32> to vector<1x1x1xi32>
    %reduce_sum3A_286 = vector.extract %reduce_sum3A_285[0, 0, 0] : i32 from vector<1x1x1xi32>
    %add3A_287 = arith.addi %select_n3A_271, %reduce_sum3A_286 : i32
    %le3A_288 = arith.constant 12386304 : i32
    %le3A_289 = arith.cmpi sle, %add3A_287, %le3A_288 : i32
    %select_n3A_290 = arith.select %le3A_289, %add3A_273, %select_n3A_270 : i32
    %select_n3A_291 = arith.select %le3A_289, %add3A_287, %select_n3A_271 : i32
    %add3A_292 = arith.constant 128 : i32
    %add3A_293 = arith.addi %select_n3A_290, %add3A_292 : i32
    %ge3A_294 = vector.broadcast %select_n3A_290 : i32 to vector<512x128xi32>
    %ge3A_295 = arith.cmpi sge, %add3A_134, %ge3A_294 : vector<512x128xi32>
    %lt3A_296 = vector.broadcast %add3A_293 : i32 to vector<512x128xi32>
    %lt3A_297 = arith.cmpi slt, %add3A_134, %lt3A_296 : vector<512x128xi32>
    %and3A_298 = arith.andi %ge3A_295, %lt3A_297 : vector<512x128xi1>
    %jit3A_299 = arith.constant 0 : i32
    %broadcast_in_dim3A_300 = vector.broadcast %jit3A_299 : i32 to vector<512x128xi32>
    %select_n3A_301 = arith.select %and3A_298, %add3A_130, %broadcast_in_dim3A_300 : vector<512x128xi1>, vector<512x128xi32>
    %reduce_sum3A_302 = vector.shape_cast %select_n3A_301 : vector<512x128xi32> to vector<1x512x128xi32>
    %reduce_sum3A_303 = arith.constant dense<0> : vector<1xi32>
    %reduce_sum3A_304 = vector.multi_reduction <add>, %reduce_sum3A_302, %reduce_sum3A_303 [1, 2] : vector<1x512x128xi32> to vector<1xi32>
    %reduce_sum3A_305 = vector.shape_cast %reduce_sum3A_304 : vector<1xi32> to vector<1x1x1xi32>
    %reduce_sum3A_306 = vector.extract %reduce_sum3A_305[0, 0, 0] : i32 from vector<1x1x1xi32>
    %add3A_307 = arith.addi %select_n3A_291, %reduce_sum3A_306 : i32
    %le3A_308 = arith.constant 12386304 : i32
    %le3A_309 = arith.cmpi sle, %add3A_307, %le3A_308 : i32
    %select_n3A_310 = arith.select %le3A_309, %add3A_293, %select_n3A_290 : i32
    %select_n3A_311 = arith.select %le3A_309, %add3A_307, %select_n3A_291 : i32
    %add3A_312 = arith.constant 64 : i32
    %add3A_313 = arith.addi %select_n3A_310, %add3A_312 : i32
    %ge3A_314 = vector.broadcast %select_n3A_310 : i32 to vector<512x128xi32>
    %ge3A_315 = arith.cmpi sge, %add3A_134, %ge3A_314 : vector<512x128xi32>
    %lt3A_316 = vector.broadcast %add3A_313 : i32 to vector<512x128xi32>
    %lt3A_317 = arith.cmpi slt, %add3A_134, %lt3A_316 : vector<512x128xi32>
    %and3A_318 = arith.andi %ge3A_315, %lt3A_317 : vector<512x128xi1>
    %jit3A_319 = arith.constant 0 : i32
    %broadcast_in_dim3A_320 = vector.broadcast %jit3A_319 : i32 to vector<512x128xi32>
    %select_n3A_321 = arith.select %and3A_318, %add3A_130, %broadcast_in_dim3A_320 : vector<512x128xi1>, vector<512x128xi32>
    %reduce_sum3A_322 = vector.shape_cast %select_n3A_321 : vector<512x128xi32> to vector<1x512x128xi32>
    %reduce_sum3A_323 = arith.constant dense<0> : vector<1xi32>
    %reduce_sum3A_324 = vector.multi_reduction <add>, %reduce_sum3A_322, %reduce_sum3A_323 [1, 2] : vector<1x512x128xi32> to vector<1xi32>
    %reduce_sum3A_325 = vector.shape_cast %reduce_sum3A_324 : vector<1xi32> to vector<1x1x1xi32>
    %reduce_sum3A_326 = vector.extract %reduce_sum3A_325[0, 0, 0] : i32 from vector<1x1x1xi32>
    %add3A_327 = arith.addi %select_n3A_311, %reduce_sum3A_326 : i32
    %le3A_328 = arith.constant 12386304 : i32
    %le3A_329 = arith.cmpi sle, %add3A_327, %le3A_328 : i32
    %select_n3A_330 = arith.select %le3A_329, %add3A_313, %select_n3A_310 : i32
    %select_n3A_331 = arith.select %le3A_329, %add3A_327, %select_n3A_311 : i32
    %add3A_332 = arith.constant 32 : i32
    %add3A_333 = arith.addi %select_n3A_330, %add3A_332 : i32
    %ge3A_334 = vector.broadcast %select_n3A_330 : i32 to vector<512x128xi32>
    %ge3A_335 = arith.cmpi sge, %add3A_134, %ge3A_334 : vector<512x128xi32>
    %lt3A_336 = vector.broadcast %add3A_333 : i32 to vector<512x128xi32>
    %lt3A_337 = arith.cmpi slt, %add3A_134, %lt3A_336 : vector<512x128xi32>
    %and3A_338 = arith.andi %ge3A_335, %lt3A_337 : vector<512x128xi1>
    %jit3A_339 = arith.constant 0 : i32
    %broadcast_in_dim3A_340 = vector.broadcast %jit3A_339 : i32 to vector<512x128xi32>
    %select_n3A_341 = arith.select %and3A_338, %add3A_130, %broadcast_in_dim3A_340 : vector<512x128xi1>, vector<512x128xi32>
    %reduce_sum3A_342 = vector.shape_cast %select_n3A_341 : vector<512x128xi32> to vector<1x512x128xi32>
    %reduce_sum3A_343 = arith.constant dense<0> : vector<1xi32>
    %reduce_sum3A_344 = vector.multi_reduction <add>, %reduce_sum3A_342, %reduce_sum3A_343 [1, 2] : vector<1x512x128xi32> to vector<1xi32>
    %reduce_sum3A_345 = vector.shape_cast %reduce_sum3A_344 : vector<1xi32> to vector<1x1x1xi32>
    %reduce_sum3A_346 = vector.extract %reduce_sum3A_345[0, 0, 0] : i32 from vector<1x1x1xi32>
    %add3A_347 = arith.addi %select_n3A_331, %reduce_sum3A_346 : i32
    %le3A_348 = arith.constant 12386304 : i32
    %le3A_349 = arith.cmpi sle, %add3A_347, %le3A_348 : i32
    %select_n3A_350 = arith.select %le3A_349, %add3A_333, %select_n3A_330 : i32
    %select_n3A_351 = arith.select %le3A_349, %add3A_347, %select_n3A_331 : i32
    %add3A_352 = arith.constant 16 : i32
    %add3A_353 = arith.addi %select_n3A_350, %add3A_352 : i32
    %ge3A_354 = vector.broadcast %select_n3A_350 : i32 to vector<512x128xi32>
    %ge3A_355 = arith.cmpi sge, %add3A_134, %ge3A_354 : vector<512x128xi32>
    %lt3A_356 = vector.broadcast %add3A_353 : i32 to vector<512x128xi32>
    %lt3A_357 = arith.cmpi slt, %add3A_134, %lt3A_356 : vector<512x128xi32>
    %and3A_358 = arith.andi %ge3A_355, %lt3A_357 : vector<512x128xi1>
    %jit3A_359 = arith.constant 0 : i32
    %broadcast_in_dim3A_360 = vector.broadcast %jit3A_359 : i32 to vector<512x128xi32>
    %select_n3A_361 = arith.select %and3A_358, %add3A_130, %broadcast_in_dim3A_360 : vector<512x128xi1>, vector<512x128xi32>
    %reduce_sum3A_362 = vector.shape_cast %select_n3A_361 : vector<512x128xi32> to vector<1x512x128xi32>
    %reduce_sum3A_363 = arith.constant dense<0> : vector<1xi32>
    %reduce_sum3A_364 = vector.multi_reduction <add>, %reduce_sum3A_362, %reduce_sum3A_363 [1, 2] : vector<1x512x128xi32> to vector<1xi32>
    %reduce_sum3A_365 = vector.shape_cast %reduce_sum3A_364 : vector<1xi32> to vector<1x1x1xi32>
    %reduce_sum3A_366 = vector.extract %reduce_sum3A_365[0, 0, 0] : i32 from vector<1x1x1xi32>
    %add3A_367 = arith.addi %select_n3A_351, %reduce_sum3A_366 : i32
    %le3A_368 = arith.constant 12386304 : i32
    %le3A_369 = arith.cmpi sle, %add3A_367, %le3A_368 : i32
    %select_n3A_370 = arith.select %le3A_369, %add3A_353, %select_n3A_350 : i32
    %select_n3A_371 = arith.select %le3A_369, %add3A_367, %select_n3A_351 : i32
    %add3A_372 = arith.constant 8 : i32
    %add3A_373 = arith.addi %select_n3A_370, %add3A_372 : i32
    %ge3A_374 = vector.broadcast %select_n3A_370 : i32 to vector<512x128xi32>
    %ge3A_375 = arith.cmpi sge, %add3A_134, %ge3A_374 : vector<512x128xi32>
    %lt3A_376 = vector.broadcast %add3A_373 : i32 to vector<512x128xi32>
    %lt3A_377 = arith.cmpi slt, %add3A_134, %lt3A_376 : vector<512x128xi32>
    %and3A_378 = arith.andi %ge3A_375, %lt3A_377 : vector<512x128xi1>
    %jit3A_379 = arith.constant 0 : i32
    %broadcast_in_dim3A_380 = vector.broadcast %jit3A_379 : i32 to vector<512x128xi32>
    %select_n3A_381 = arith.select %and3A_378, %add3A_130, %broadcast_in_dim3A_380 : vector<512x128xi1>, vector<512x128xi32>
    %reduce_sum3A_382 = vector.shape_cast %select_n3A_381 : vector<512x128xi32> to vector<1x512x128xi32>
    %reduce_sum3A_383 = arith.constant dense<0> : vector<1xi32>
    %reduce_sum3A_384 = vector.multi_reduction <add>, %reduce_sum3A_382, %reduce_sum3A_383 [1, 2] : vector<1x512x128xi32> to vector<1xi32>
    %reduce_sum3A_385 = vector.shape_cast %reduce_sum3A_384 : vector<1xi32> to vector<1x1x1xi32>
    %reduce_sum3A_386 = vector.extract %reduce_sum3A_385[0, 0, 0] : i32 from vector<1x1x1xi32>
    %add3A_387 = arith.addi %select_n3A_371, %reduce_sum3A_386 : i32
    %le3A_388 = arith.constant 12386304 : i32
    %le3A_389 = arith.cmpi sle, %add3A_387, %le3A_388 : i32
    %select_n3A_390 = arith.select %le3A_389, %add3A_373, %select_n3A_370 : i32
    %select_n3A_391 = arith.select %le3A_389, %add3A_387, %select_n3A_371 : i32
    %add3A_392 = arith.constant 4 : i32
    %add3A_393 = arith.addi %select_n3A_390, %add3A_392 : i32
    %ge3A_394 = vector.broadcast %select_n3A_390 : i32 to vector<512x128xi32>
    %ge3A_395 = arith.cmpi sge, %add3A_134, %ge3A_394 : vector<512x128xi32>
    %lt3A_396 = vector.broadcast %add3A_393 : i32 to vector<512x128xi32>
    %lt3A_397 = arith.cmpi slt, %add3A_134, %lt3A_396 : vector<512x128xi32>
    %and3A_398 = arith.andi %ge3A_395, %lt3A_397 : vector<512x128xi1>
    %jit3A_399 = arith.constant 0 : i32
    %broadcast_in_dim3A_400 = vector.broadcast %jit3A_399 : i32 to vector<512x128xi32>
    %select_n3A_401 = arith.select %and3A_398, %add3A_130, %broadcast_in_dim3A_400 : vector<512x128xi1>, vector<512x128xi32>
    %reduce_sum3A_402 = vector.shape_cast %select_n3A_401 : vector<512x128xi32> to vector<1x512x128xi32>
    %reduce_sum3A_403 = arith.constant dense<0> : vector<1xi32>
    %reduce_sum3A_404 = vector.multi_reduction <add>, %reduce_sum3A_402, %reduce_sum3A_403 [1, 2] : vector<1x512x128xi32> to vector<1xi32>
    %reduce_sum3A_405 = vector.shape_cast %reduce_sum3A_404 : vector<1xi32> to vector<1x1x1xi32>
    %reduce_sum3A_406 = vector.extract %reduce_sum3A_405[0, 0, 0] : i32 from vector<1x1x1xi32>
    %add3A_407 = arith.addi %select_n3A_391, %reduce_sum3A_406 : i32
    %le3A_408 = arith.constant 12386304 : i32
    %le3A_409 = arith.cmpi sle, %add3A_407, %le3A_408 : i32
    %select_n3A_410 = arith.select %le3A_409, %add3A_393, %select_n3A_390 : i32
    %select_n3A_411 = arith.select %le3A_409, %add3A_407, %select_n3A_391 : i32
    %add3A_412 = arith.constant 2 : i32
    %add3A_413 = arith.addi %select_n3A_410, %add3A_412 : i32
    %ge3A_414 = vector.broadcast %select_n3A_410 : i32 to vector<512x128xi32>
    %ge3A_415 = arith.cmpi sge, %add3A_134, %ge3A_414 : vector<512x128xi32>
    %lt3A_416 = vector.broadcast %add3A_413 : i32 to vector<512x128xi32>
    %lt3A_417 = arith.cmpi slt, %add3A_134, %lt3A_416 : vector<512x128xi32>
    %and3A_418 = arith.andi %ge3A_415, %lt3A_417 : vector<512x128xi1>
    %jit3A_419 = arith.constant 0 : i32
    %broadcast_in_dim3A_420 = vector.broadcast %jit3A_419 : i32 to vector<512x128xi32>
    %select_n3A_421 = arith.select %and3A_418, %add3A_130, %broadcast_in_dim3A_420 : vector<512x128xi1>, vector<512x128xi32>
    %reduce_sum3A_422 = vector.shape_cast %select_n3A_421 : vector<512x128xi32> to vector<1x512x128xi32>
    %reduce_sum3A_423 = arith.constant dense<0> : vector<1xi32>
    %reduce_sum3A_424 = vector.multi_reduction <add>, %reduce_sum3A_422, %reduce_sum3A_423 [1, 2] : vector<1x512x128xi32> to vector<1xi32>
    %reduce_sum3A_425 = vector.shape_cast %reduce_sum3A_424 : vector<1xi32> to vector<1x1x1xi32>
    %reduce_sum3A_426 = vector.extract %reduce_sum3A_425[0, 0, 0] : i32 from vector<1x1x1xi32>
    %add3A_427 = arith.addi %select_n3A_411, %reduce_sum3A_426 : i32
    %le3A_428 = arith.constant 12386304 : i32
    %le3A_429 = arith.cmpi sle, %add3A_427, %le3A_428 : i32
    %select_n3A_430 = arith.select %le3A_429, %add3A_413, %select_n3A_410 : i32
    %select_n3A_431 = arith.select %le3A_429, %add3A_427, %select_n3A_411 : i32
    %add3A_432 = arith.constant 1 : i32
    %add3A_433 = arith.addi %select_n3A_430, %add3A_432 : i32
    %ge3A_434 = vector.broadcast %select_n3A_430 : i32 to vector<512x128xi32>
    %ge3A_435 = arith.cmpi sge, %add3A_134, %ge3A_434 : vector<512x128xi32>
    %lt3A_436 = vector.broadcast %add3A_433 : i32 to vector<512x128xi32>
    %lt3A_437 = arith.cmpi slt, %add3A_134, %lt3A_436 : vector<512x128xi32>
    %and3A_438 = arith.andi %ge3A_435, %lt3A_437 : vector<512x128xi1>
    %jit3A_439 = arith.constant 0 : i32
    %broadcast_in_dim3A_440 = vector.broadcast %jit3A_439 : i32 to vector<512x128xi32>
    %select_n3A_441 = arith.select %and3A_438, %add3A_130, %broadcast_in_dim3A_440 : vector<512x128xi1>, vector<512x128xi32>
    %reduce_sum3A_442 = vector.shape_cast %select_n3A_441 : vector<512x128xi32> to vector<1x512x128xi32>
    %reduce_sum3A_443 = arith.constant dense<0> : vector<1xi32>
    %reduce_sum3A_444 = vector.multi_reduction <add>, %reduce_sum3A_442, %reduce_sum3A_443 [1, 2] : vector<1x512x128xi32> to vector<1xi32>
    %reduce_sum3A_445 = vector.shape_cast %reduce_sum3A_444 : vector<1xi32> to vector<1x1x1xi32>
    %reduce_sum3A_446 = vector.extract %reduce_sum3A_445[0, 0, 0] : i32 from vector<1x1x1xi32>
    %add3A_447 = arith.addi %select_n3A_431, %reduce_sum3A_446 : i32
    %le3A_448 = arith.constant 12386304 : i32
    %le3A_449 = arith.cmpi sle, %add3A_447, %le3A_448 : i32
    %select_n3A_450 = arith.select %le3A_449, %add3A_433, %select_n3A_430 : i32
    %select_n3A_451 = arith.select %le3A_449, %add3A_447, %select_n3A_431 : i32
    %swap3A = arith.constant 0 : index
    %swap3A_452 = arith.constant 0 : index
    %swap3A_453 = memref.load %arg2[%swap3A, %swap3A_452] : memref<1x1xi32, #tpu.memory_space<smem>>
    memref.store %select_n3A_450, %arg2[%swap3A, %swap3A_452] : memref<1x1xi32, #tpu.memory_space<smem>>
    %swap3A_454 = arith.constant 0 : index
    %swap3A_455 = arith.constant 0 : index
    %swap3A_456 = memref.load %arg3[%swap3A_454, %swap3A_455] : memref<1x1xi32, #tpu.memory_space<smem>>
    memref.store %select_n3A_451, %arg3[%swap3A_454, %swap3A_455] : memref<1x1xi32, #tpu.memory_space<smem>>
    return
  }
}

module attributes {stable_mosaic.version = 14 : i64} {
  func.func @_sel2_body(%arg0: memref<32x65536xi32, #tpu.memory_space<vmem>>, %arg1: memref<32x32xf32, #tpu.memory_space<vmem>>, %arg2: memref<1x1xi32, #tpu.memory_space<smem>>, %arg3: memref<1x1xi32, #tpu.memory_space<smem>>, %arg4: memref<1x1xf32, #tpu.memory_space<smem>>) attributes {dimension_semantics = [], scalar_prefetch = 0 : i64, scratch_operands = 0 : i64, tpu.core_type = #tpu.core_type<tc>} {
    %get3A = arith.constant 0 : index
    %get3A_0 = arith.constant 0 : index
    %get3A_1 = vector.load %arg0[%get3A, %get3A_0] : memref<32x65536xi32, #tpu.memory_space<vmem>>, vector<32x65536xi32>
    %reshape3A = vector.shape_cast %get3A_1 : vector<32x65536xi32> to vector<16384x128xi32>
    %slice3A = vector.extract_strided_slice %reshape3A {offsets = [0, 0], sizes = [512, 128], strides = [1, 1]} : vector<16384x128xi32> to vector<512x128xi32>
    %slice3A_2 = vector.extract_strided_slice %reshape3A {offsets = [512, 0], sizes = [512, 128], strides = [1, 1]} : vector<16384x128xi32> to vector<512x128xi32>
    %add3A = arith.addi %slice3A, %slice3A_2 : vector<512x128xi32>
    %slice3A_3 = vector.extract_strided_slice %reshape3A {offsets = [1024, 0], sizes = [512, 128], strides = [1, 1]} : vector<16384x128xi32> to vector<512x128xi32>
    %add3A_4 = arith.addi %add3A, %slice3A_3 : vector<512x128xi32>
    %slice3A_5 = vector.extract_strided_slice %reshape3A {offsets = [1536, 0], sizes = [512, 128], strides = [1, 1]} : vector<16384x128xi32> to vector<512x128xi32>
    %add3A_6 = arith.addi %add3A_4, %slice3A_5 : vector<512x128xi32>
    %slice3A_7 = vector.extract_strided_slice %reshape3A {offsets = [2048, 0], sizes = [512, 128], strides = [1, 1]} : vector<16384x128xi32> to vector<512x128xi32>
    %add3A_8 = arith.addi %add3A_6, %slice3A_7 : vector<512x128xi32>
    %slice3A_9 = vector.extract_strided_slice %reshape3A {offsets = [2560, 0], sizes = [512, 128], strides = [1, 1]} : vector<16384x128xi32> to vector<512x128xi32>
    %add3A_10 = arith.addi %add3A_8, %slice3A_9 : vector<512x128xi32>
    %slice3A_11 = vector.extract_strided_slice %reshape3A {offsets = [3072, 0], sizes = [512, 128], strides = [1, 1]} : vector<16384x128xi32> to vector<512x128xi32>
    %add3A_12 = arith.addi %add3A_10, %slice3A_11 : vector<512x128xi32>
    %slice3A_13 = vector.extract_strided_slice %reshape3A {offsets = [3584, 0], sizes = [512, 128], strides = [1, 1]} : vector<16384x128xi32> to vector<512x128xi32>
    %add3A_14 = arith.addi %add3A_12, %slice3A_13 : vector<512x128xi32>
    %slice3A_15 = vector.extract_strided_slice %reshape3A {offsets = [4096, 0], sizes = [512, 128], strides = [1, 1]} : vector<16384x128xi32> to vector<512x128xi32>
    %add3A_16 = arith.addi %add3A_14, %slice3A_15 : vector<512x128xi32>
    %slice3A_17 = vector.extract_strided_slice %reshape3A {offsets = [4608, 0], sizes = [512, 128], strides = [1, 1]} : vector<16384x128xi32> to vector<512x128xi32>
    %add3A_18 = arith.addi %add3A_16, %slice3A_17 : vector<512x128xi32>
    %slice3A_19 = vector.extract_strided_slice %reshape3A {offsets = [5120, 0], sizes = [512, 128], strides = [1, 1]} : vector<16384x128xi32> to vector<512x128xi32>
    %add3A_20 = arith.addi %add3A_18, %slice3A_19 : vector<512x128xi32>
    %slice3A_21 = vector.extract_strided_slice %reshape3A {offsets = [5632, 0], sizes = [512, 128], strides = [1, 1]} : vector<16384x128xi32> to vector<512x128xi32>
    %add3A_22 = arith.addi %add3A_20, %slice3A_21 : vector<512x128xi32>
    %slice3A_23 = vector.extract_strided_slice %reshape3A {offsets = [6144, 0], sizes = [512, 128], strides = [1, 1]} : vector<16384x128xi32> to vector<512x128xi32>
    %add3A_24 = arith.addi %add3A_22, %slice3A_23 : vector<512x128xi32>
    %slice3A_25 = vector.extract_strided_slice %reshape3A {offsets = [6656, 0], sizes = [512, 128], strides = [1, 1]} : vector<16384x128xi32> to vector<512x128xi32>
    %add3A_26 = arith.addi %add3A_24, %slice3A_25 : vector<512x128xi32>
    %slice3A_27 = vector.extract_strided_slice %reshape3A {offsets = [7168, 0], sizes = [512, 128], strides = [1, 1]} : vector<16384x128xi32> to vector<512x128xi32>
    %add3A_28 = arith.addi %add3A_26, %slice3A_27 : vector<512x128xi32>
    %slice3A_29 = vector.extract_strided_slice %reshape3A {offsets = [7680, 0], sizes = [512, 128], strides = [1, 1]} : vector<16384x128xi32> to vector<512x128xi32>
    %add3A_30 = arith.addi %add3A_28, %slice3A_29 : vector<512x128xi32>
    %slice3A_31 = vector.extract_strided_slice %reshape3A {offsets = [8192, 0], sizes = [512, 128], strides = [1, 1]} : vector<16384x128xi32> to vector<512x128xi32>
    %add3A_32 = arith.addi %add3A_30, %slice3A_31 : vector<512x128xi32>
    %slice3A_33 = vector.extract_strided_slice %reshape3A {offsets = [8704, 0], sizes = [512, 128], strides = [1, 1]} : vector<16384x128xi32> to vector<512x128xi32>
    %add3A_34 = arith.addi %add3A_32, %slice3A_33 : vector<512x128xi32>
    %slice3A_35 = vector.extract_strided_slice %reshape3A {offsets = [9216, 0], sizes = [512, 128], strides = [1, 1]} : vector<16384x128xi32> to vector<512x128xi32>
    %add3A_36 = arith.addi %add3A_34, %slice3A_35 : vector<512x128xi32>
    %slice3A_37 = vector.extract_strided_slice %reshape3A {offsets = [9728, 0], sizes = [512, 128], strides = [1, 1]} : vector<16384x128xi32> to vector<512x128xi32>
    %add3A_38 = arith.addi %add3A_36, %slice3A_37 : vector<512x128xi32>
    %slice3A_39 = vector.extract_strided_slice %reshape3A {offsets = [10240, 0], sizes = [512, 128], strides = [1, 1]} : vector<16384x128xi32> to vector<512x128xi32>
    %add3A_40 = arith.addi %add3A_38, %slice3A_39 : vector<512x128xi32>
    %slice3A_41 = vector.extract_strided_slice %reshape3A {offsets = [10752, 0], sizes = [512, 128], strides = [1, 1]} : vector<16384x128xi32> to vector<512x128xi32>
    %add3A_42 = arith.addi %add3A_40, %slice3A_41 : vector<512x128xi32>
    %slice3A_43 = vector.extract_strided_slice %reshape3A {offsets = [11264, 0], sizes = [512, 128], strides = [1, 1]} : vector<16384x128xi32> to vector<512x128xi32>
    %add3A_44 = arith.addi %add3A_42, %slice3A_43 : vector<512x128xi32>
    %slice3A_45 = vector.extract_strided_slice %reshape3A {offsets = [11776, 0], sizes = [512, 128], strides = [1, 1]} : vector<16384x128xi32> to vector<512x128xi32>
    %add3A_46 = arith.addi %add3A_44, %slice3A_45 : vector<512x128xi32>
    %slice3A_47 = vector.extract_strided_slice %reshape3A {offsets = [12288, 0], sizes = [512, 128], strides = [1, 1]} : vector<16384x128xi32> to vector<512x128xi32>
    %add3A_48 = arith.addi %add3A_46, %slice3A_47 : vector<512x128xi32>
    %slice3A_49 = vector.extract_strided_slice %reshape3A {offsets = [12800, 0], sizes = [512, 128], strides = [1, 1]} : vector<16384x128xi32> to vector<512x128xi32>
    %add3A_50 = arith.addi %add3A_48, %slice3A_49 : vector<512x128xi32>
    %slice3A_51 = vector.extract_strided_slice %reshape3A {offsets = [13312, 0], sizes = [512, 128], strides = [1, 1]} : vector<16384x128xi32> to vector<512x128xi32>
    %add3A_52 = arith.addi %add3A_50, %slice3A_51 : vector<512x128xi32>
    %slice3A_53 = vector.extract_strided_slice %reshape3A {offsets = [13824, 0], sizes = [512, 128], strides = [1, 1]} : vector<16384x128xi32> to vector<512x128xi32>
    %add3A_54 = arith.addi %add3A_52, %slice3A_53 : vector<512x128xi32>
    %slice3A_55 = vector.extract_strided_slice %reshape3A {offsets = [14336, 0], sizes = [512, 128], strides = [1, 1]} : vector<16384x128xi32> to vector<512x128xi32>
    %add3A_56 = arith.addi %add3A_54, %slice3A_55 : vector<512x128xi32>
    %slice3A_57 = vector.extract_strided_slice %reshape3A {offsets = [14848, 0], sizes = [512, 128], strides = [1, 1]} : vector<16384x128xi32> to vector<512x128xi32>
    %add3A_58 = arith.addi %add3A_56, %slice3A_57 : vector<512x128xi32>
    %slice3A_59 = vector.extract_strided_slice %reshape3A {offsets = [15360, 0], sizes = [512, 128], strides = [1, 1]} : vector<16384x128xi32> to vector<512x128xi32>
    %add3A_60 = arith.addi %add3A_58, %slice3A_59 : vector<512x128xi32>
    %slice3A_61 = vector.extract_strided_slice %reshape3A {offsets = [15872, 0], sizes = [512, 128], strides = [1, 1]} : vector<16384x128xi32> to vector<512x128xi32>
    %add3A_62 = arith.addi %add3A_60, %slice3A_61 : vector<512x128xi32>
    %get3A_63 = arith.constant 0 : index
    %get3A_64 = arith.constant 0 : index
    %get3A_65 = vector.load %arg1[%get3A_63, %get3A_64] : memref<32x32xf32, #tpu.memory_space<vmem>>, vector<32x32xf32>
    %slice3A_66 = vector.extract_strided_slice %get3A_65 {offsets = [0, 0], sizes = [32, 16], strides = [1, 1]} : vector<32x32xf32> to vector<32x16xf32>
    %reduce_sum3A = vector.shape_cast %slice3A_66 : vector<32x16xf32> to vector<1x32x16xf32>
    %reduce_sum3A_67 = arith.constant dense<0.000000e+00> : vector<1xf32>
    %reduce_sum3A_68 = vector.multi_reduction <add>, %reduce_sum3A, %reduce_sum3A_67 [1, 2] : vector<1x32x16xf32> to vector<1xf32>
    %reduce_sum3A_69 = vector.shape_cast %reduce_sum3A_68 : vector<1xf32> to vector<1x1x1xf32>
    %reduce_sum3A_70 = vector.extract %reduce_sum3A_69[0, 0, 0] : f32 from vector<1x1x1xf32>
    %get3A_71 = arith.constant 0 : index
    %get3A_72 = arith.constant 0 : index
    %get3A_73 = memref.load %arg2[%get3A_71, %get3A_72] : memref<1x1xi32, #tpu.memory_space<smem>>
    %get3A_74 = arith.constant 0 : index
    %get3A_75 = arith.constant 0 : index
    %get3A_76 = memref.load %arg3[%get3A_74, %get3A_75] : memref<1x1xi32, #tpu.memory_space<smem>>
    %iota3A = tpu.iota {dimensions = array<i32: 0>} : vector<512x128xi32>
    %iota3A_77 = tpu.iota {dimensions = array<i32: 1>} : vector<512x128xi32>
    %mul3A = arith.constant 128 : i32
    %mul3A_78 = vector.broadcast %mul3A : i32 to vector<512x128xi32>
    %mul3A_79 = arith.muli %iota3A, %mul3A_78 : vector<512x128xi32>
    %add3A_80 = arith.addi %mul3A_79, %iota3A_77 : vector<512x128xi32>
    %shift_left3A = arith.constant 16 : i32
    %shift_left3A_81 = arith.shli %get3A_73, %shift_left3A : i32
    %sub3A = arith.constant 12386304 : i32
    %sub3A_82 = arith.subi %sub3A, %get3A_76 : i32
    %add3A_83 = arith.constant 0 : i32
    %add3A_84 = arith.constant 32768 : i32
    %add3A_85 = arith.addi %add3A_83, %add3A_84 : i32
    %ge3A = arith.constant 0 : i32
    %ge3A_86 = vector.broadcast %ge3A : i32 to vector<512x128xi32>
    %ge3A_87 = arith.cmpi sge, %add3A_80, %ge3A_86 : vector<512x128xi32>
    %lt3A = vector.broadcast %add3A_85 : i32 to vector<512x128xi32>
    %lt3A_88 = arith.cmpi slt, %add3A_80, %lt3A : vector<512x128xi32>
    %and3A = arith.andi %ge3A_87, %lt3A_88 : vector<512x128xi1>
    %jit3A = arith.constant 0 : i32
    %broadcast_in_dim3A = vector.broadcast %jit3A : i32 to vector<512x128xi32>
    %select_n3A = arith.select %and3A, %add3A_62, %broadcast_in_dim3A : vector<512x128xi1>, vector<512x128xi32>
    %reduce_sum3A_89 = vector.shape_cast %select_n3A : vector<512x128xi32> to vector<1x512x128xi32>
    %reduce_sum3A_90 = arith.constant dense<0> : vector<1xi32>
    %reduce_sum3A_91 = vector.multi_reduction <add>, %reduce_sum3A_89, %reduce_sum3A_90 [1, 2] : vector<1x512x128xi32> to vector<1xi32>
    %reduce_sum3A_92 = vector.shape_cast %reduce_sum3A_91 : vector<1xi32> to vector<1x1x1xi32>
    %reduce_sum3A_93 = vector.extract %reduce_sum3A_92[0, 0, 0] : i32 from vector<1x1x1xi32>
    %add3A_94 = arith.constant 0 : i32
    %add3A_95 = arith.addi %add3A_94, %reduce_sum3A_93 : i32
    %le3A = arith.cmpi sle, %add3A_95, %sub3A_82 : i32
    %jit3A_96 = arith.constant 0 : i32
    %select_n3A_97 = arith.select %le3A, %add3A_85, %jit3A_96 : i32
    %jit3A_98 = arith.constant 0 : i32
    %select_n3A_99 = arith.select %le3A, %add3A_95, %jit3A_98 : i32
    %add3A_100 = arith.constant 16384 : i32
    %add3A_101 = arith.addi %select_n3A_97, %add3A_100 : i32
    %ge3A_102 = vector.broadcast %select_n3A_97 : i32 to vector<512x128xi32>
    %ge3A_103 = arith.cmpi sge, %add3A_80, %ge3A_102 : vector<512x128xi32>
    %lt3A_104 = vector.broadcast %add3A_101 : i32 to vector<512x128xi32>
    %lt3A_105 = arith.cmpi slt, %add3A_80, %lt3A_104 : vector<512x128xi32>
    %and3A_106 = arith.andi %ge3A_103, %lt3A_105 : vector<512x128xi1>
    %jit3A_107 = arith.constant 0 : i32
    %broadcast_in_dim3A_108 = vector.broadcast %jit3A_107 : i32 to vector<512x128xi32>
    %select_n3A_109 = arith.select %and3A_106, %add3A_62, %broadcast_in_dim3A_108 : vector<512x128xi1>, vector<512x128xi32>
    %reduce_sum3A_110 = vector.shape_cast %select_n3A_109 : vector<512x128xi32> to vector<1x512x128xi32>
    %reduce_sum3A_111 = arith.constant dense<0> : vector<1xi32>
    %reduce_sum3A_112 = vector.multi_reduction <add>, %reduce_sum3A_110, %reduce_sum3A_111 [1, 2] : vector<1x512x128xi32> to vector<1xi32>
    %reduce_sum3A_113 = vector.shape_cast %reduce_sum3A_112 : vector<1xi32> to vector<1x1x1xi32>
    %reduce_sum3A_114 = vector.extract %reduce_sum3A_113[0, 0, 0] : i32 from vector<1x1x1xi32>
    %add3A_115 = arith.addi %select_n3A_99, %reduce_sum3A_114 : i32
    %le3A_116 = arith.cmpi sle, %add3A_115, %sub3A_82 : i32
    %select_n3A_117 = arith.select %le3A_116, %add3A_101, %select_n3A_97 : i32
    %select_n3A_118 = arith.select %le3A_116, %add3A_115, %select_n3A_99 : i32
    %add3A_119 = arith.constant 8192 : i32
    %add3A_120 = arith.addi %select_n3A_117, %add3A_119 : i32
    %ge3A_121 = vector.broadcast %select_n3A_117 : i32 to vector<512x128xi32>
    %ge3A_122 = arith.cmpi sge, %add3A_80, %ge3A_121 : vector<512x128xi32>
    %lt3A_123 = vector.broadcast %add3A_120 : i32 to vector<512x128xi32>
    %lt3A_124 = arith.cmpi slt, %add3A_80, %lt3A_123 : vector<512x128xi32>
    %and3A_125 = arith.andi %ge3A_122, %lt3A_124 : vector<512x128xi1>
    %jit3A_126 = arith.constant 0 : i32
    %broadcast_in_dim3A_127 = vector.broadcast %jit3A_126 : i32 to vector<512x128xi32>
    %select_n3A_128 = arith.select %and3A_125, %add3A_62, %broadcast_in_dim3A_127 : vector<512x128xi1>, vector<512x128xi32>
    %reduce_sum3A_129 = vector.shape_cast %select_n3A_128 : vector<512x128xi32> to vector<1x512x128xi32>
    %reduce_sum3A_130 = arith.constant dense<0> : vector<1xi32>
    %reduce_sum3A_131 = vector.multi_reduction <add>, %reduce_sum3A_129, %reduce_sum3A_130 [1, 2] : vector<1x512x128xi32> to vector<1xi32>
    %reduce_sum3A_132 = vector.shape_cast %reduce_sum3A_131 : vector<1xi32> to vector<1x1x1xi32>
    %reduce_sum3A_133 = vector.extract %reduce_sum3A_132[0, 0, 0] : i32 from vector<1x1x1xi32>
    %add3A_134 = arith.addi %select_n3A_118, %reduce_sum3A_133 : i32
    %le3A_135 = arith.cmpi sle, %add3A_134, %sub3A_82 : i32
    %select_n3A_136 = arith.select %le3A_135, %add3A_120, %select_n3A_117 : i32
    %select_n3A_137 = arith.select %le3A_135, %add3A_134, %select_n3A_118 : i32
    %add3A_138 = arith.constant 4096 : i32
    %add3A_139 = arith.addi %select_n3A_136, %add3A_138 : i32
    %ge3A_140 = vector.broadcast %select_n3A_136 : i32 to vector<512x128xi32>
    %ge3A_141 = arith.cmpi sge, %add3A_80, %ge3A_140 : vector<512x128xi32>
    %lt3A_142 = vector.broadcast %add3A_139 : i32 to vector<512x128xi32>
    %lt3A_143 = arith.cmpi slt, %add3A_80, %lt3A_142 : vector<512x128xi32>
    %and3A_144 = arith.andi %ge3A_141, %lt3A_143 : vector<512x128xi1>
    %jit3A_145 = arith.constant 0 : i32
    %broadcast_in_dim3A_146 = vector.broadcast %jit3A_145 : i32 to vector<512x128xi32>
    %select_n3A_147 = arith.select %and3A_144, %add3A_62, %broadcast_in_dim3A_146 : vector<512x128xi1>, vector<512x128xi32>
    %reduce_sum3A_148 = vector.shape_cast %select_n3A_147 : vector<512x128xi32> to vector<1x512x128xi32>
    %reduce_sum3A_149 = arith.constant dense<0> : vector<1xi32>
    %reduce_sum3A_150 = vector.multi_reduction <add>, %reduce_sum3A_148, %reduce_sum3A_149 [1, 2] : vector<1x512x128xi32> to vector<1xi32>
    %reduce_sum3A_151 = vector.shape_cast %reduce_sum3A_150 : vector<1xi32> to vector<1x1x1xi32>
    %reduce_sum3A_152 = vector.extract %reduce_sum3A_151[0, 0, 0] : i32 from vector<1x1x1xi32>
    %add3A_153 = arith.addi %select_n3A_137, %reduce_sum3A_152 : i32
    %le3A_154 = arith.cmpi sle, %add3A_153, %sub3A_82 : i32
    %select_n3A_155 = arith.select %le3A_154, %add3A_139, %select_n3A_136 : i32
    %select_n3A_156 = arith.select %le3A_154, %add3A_153, %select_n3A_137 : i32
    %add3A_157 = arith.constant 2048 : i32
    %add3A_158 = arith.addi %select_n3A_155, %add3A_157 : i32
    %ge3A_159 = vector.broadcast %select_n3A_155 : i32 to vector<512x128xi32>
    %ge3A_160 = arith.cmpi sge, %add3A_80, %ge3A_159 : vector<512x128xi32>
    %lt3A_161 = vector.broadcast %add3A_158 : i32 to vector<512x128xi32>
    %lt3A_162 = arith.cmpi slt, %add3A_80, %lt3A_161 : vector<512x128xi32>
    %and3A_163 = arith.andi %ge3A_160, %lt3A_162 : vector<512x128xi1>
    %jit3A_164 = arith.constant 0 : i32
    %broadcast_in_dim3A_165 = vector.broadcast %jit3A_164 : i32 to vector<512x128xi32>
    %select_n3A_166 = arith.select %and3A_163, %add3A_62, %broadcast_in_dim3A_165 : vector<512x128xi1>, vector<512x128xi32>
    %reduce_sum3A_167 = vector.shape_cast %select_n3A_166 : vector<512x128xi32> to vector<1x512x128xi32>
    %reduce_sum3A_168 = arith.constant dense<0> : vector<1xi32>
    %reduce_sum3A_169 = vector.multi_reduction <add>, %reduce_sum3A_167, %reduce_sum3A_168 [1, 2] : vector<1x512x128xi32> to vector<1xi32>
    %reduce_sum3A_170 = vector.shape_cast %reduce_sum3A_169 : vector<1xi32> to vector<1x1x1xi32>
    %reduce_sum3A_171 = vector.extract %reduce_sum3A_170[0, 0, 0] : i32 from vector<1x1x1xi32>
    %add3A_172 = arith.addi %select_n3A_156, %reduce_sum3A_171 : i32
    %le3A_173 = arith.cmpi sle, %add3A_172, %sub3A_82 : i32
    %select_n3A_174 = arith.select %le3A_173, %add3A_158, %select_n3A_155 : i32
    %select_n3A_175 = arith.select %le3A_173, %add3A_172, %select_n3A_156 : i32
    %add3A_176 = arith.constant 1024 : i32
    %add3A_177 = arith.addi %select_n3A_174, %add3A_176 : i32
    %ge3A_178 = vector.broadcast %select_n3A_174 : i32 to vector<512x128xi32>
    %ge3A_179 = arith.cmpi sge, %add3A_80, %ge3A_178 : vector<512x128xi32>
    %lt3A_180 = vector.broadcast %add3A_177 : i32 to vector<512x128xi32>
    %lt3A_181 = arith.cmpi slt, %add3A_80, %lt3A_180 : vector<512x128xi32>
    %and3A_182 = arith.andi %ge3A_179, %lt3A_181 : vector<512x128xi1>
    %jit3A_183 = arith.constant 0 : i32
    %broadcast_in_dim3A_184 = vector.broadcast %jit3A_183 : i32 to vector<512x128xi32>
    %select_n3A_185 = arith.select %and3A_182, %add3A_62, %broadcast_in_dim3A_184 : vector<512x128xi1>, vector<512x128xi32>
    %reduce_sum3A_186 = vector.shape_cast %select_n3A_185 : vector<512x128xi32> to vector<1x512x128xi32>
    %reduce_sum3A_187 = arith.constant dense<0> : vector<1xi32>
    %reduce_sum3A_188 = vector.multi_reduction <add>, %reduce_sum3A_186, %reduce_sum3A_187 [1, 2] : vector<1x512x128xi32> to vector<1xi32>
    %reduce_sum3A_189 = vector.shape_cast %reduce_sum3A_188 : vector<1xi32> to vector<1x1x1xi32>
    %reduce_sum3A_190 = vector.extract %reduce_sum3A_189[0, 0, 0] : i32 from vector<1x1x1xi32>
    %add3A_191 = arith.addi %select_n3A_175, %reduce_sum3A_190 : i32
    %le3A_192 = arith.cmpi sle, %add3A_191, %sub3A_82 : i32
    %select_n3A_193 = arith.select %le3A_192, %add3A_177, %select_n3A_174 : i32
    %select_n3A_194 = arith.select %le3A_192, %add3A_191, %select_n3A_175 : i32
    %add3A_195 = arith.constant 512 : i32
    %add3A_196 = arith.addi %select_n3A_193, %add3A_195 : i32
    %ge3A_197 = vector.broadcast %select_n3A_193 : i32 to vector<512x128xi32>
    %ge3A_198 = arith.cmpi sge, %add3A_80, %ge3A_197 : vector<512x128xi32>
    %lt3A_199 = vector.broadcast %add3A_196 : i32 to vector<512x128xi32>
    %lt3A_200 = arith.cmpi slt, %add3A_80, %lt3A_199 : vector<512x128xi32>
    %and3A_201 = arith.andi %ge3A_198, %lt3A_200 : vector<512x128xi1>
    %jit3A_202 = arith.constant 0 : i32
    %broadcast_in_dim3A_203 = vector.broadcast %jit3A_202 : i32 to vector<512x128xi32>
    %select_n3A_204 = arith.select %and3A_201, %add3A_62, %broadcast_in_dim3A_203 : vector<512x128xi1>, vector<512x128xi32>
    %reduce_sum3A_205 = vector.shape_cast %select_n3A_204 : vector<512x128xi32> to vector<1x512x128xi32>
    %reduce_sum3A_206 = arith.constant dense<0> : vector<1xi32>
    %reduce_sum3A_207 = vector.multi_reduction <add>, %reduce_sum3A_205, %reduce_sum3A_206 [1, 2] : vector<1x512x128xi32> to vector<1xi32>
    %reduce_sum3A_208 = vector.shape_cast %reduce_sum3A_207 : vector<1xi32> to vector<1x1x1xi32>
    %reduce_sum3A_209 = vector.extract %reduce_sum3A_208[0, 0, 0] : i32 from vector<1x1x1xi32>
    %add3A_210 = arith.addi %select_n3A_194, %reduce_sum3A_209 : i32
    %le3A_211 = arith.cmpi sle, %add3A_210, %sub3A_82 : i32
    %select_n3A_212 = arith.select %le3A_211, %add3A_196, %select_n3A_193 : i32
    %select_n3A_213 = arith.select %le3A_211, %add3A_210, %select_n3A_194 : i32
    %add3A_214 = arith.constant 256 : i32
    %add3A_215 = arith.addi %select_n3A_212, %add3A_214 : i32
    %ge3A_216 = vector.broadcast %select_n3A_212 : i32 to vector<512x128xi32>
    %ge3A_217 = arith.cmpi sge, %add3A_80, %ge3A_216 : vector<512x128xi32>
    %lt3A_218 = vector.broadcast %add3A_215 : i32 to vector<512x128xi32>
    %lt3A_219 = arith.cmpi slt, %add3A_80, %lt3A_218 : vector<512x128xi32>
    %and3A_220 = arith.andi %ge3A_217, %lt3A_219 : vector<512x128xi1>
    %jit3A_221 = arith.constant 0 : i32
    %broadcast_in_dim3A_222 = vector.broadcast %jit3A_221 : i32 to vector<512x128xi32>
    %select_n3A_223 = arith.select %and3A_220, %add3A_62, %broadcast_in_dim3A_222 : vector<512x128xi1>, vector<512x128xi32>
    %reduce_sum3A_224 = vector.shape_cast %select_n3A_223 : vector<512x128xi32> to vector<1x512x128xi32>
    %reduce_sum3A_225 = arith.constant dense<0> : vector<1xi32>
    %reduce_sum3A_226 = vector.multi_reduction <add>, %reduce_sum3A_224, %reduce_sum3A_225 [1, 2] : vector<1x512x128xi32> to vector<1xi32>
    %reduce_sum3A_227 = vector.shape_cast %reduce_sum3A_226 : vector<1xi32> to vector<1x1x1xi32>
    %reduce_sum3A_228 = vector.extract %reduce_sum3A_227[0, 0, 0] : i32 from vector<1x1x1xi32>
    %add3A_229 = arith.addi %select_n3A_213, %reduce_sum3A_228 : i32
    %le3A_230 = arith.cmpi sle, %add3A_229, %sub3A_82 : i32
    %select_n3A_231 = arith.select %le3A_230, %add3A_215, %select_n3A_212 : i32
    %select_n3A_232 = arith.select %le3A_230, %add3A_229, %select_n3A_213 : i32
    %add3A_233 = arith.constant 128 : i32
    %add3A_234 = arith.addi %select_n3A_231, %add3A_233 : i32
    %ge3A_235 = vector.broadcast %select_n3A_231 : i32 to vector<512x128xi32>
    %ge3A_236 = arith.cmpi sge, %add3A_80, %ge3A_235 : vector<512x128xi32>
    %lt3A_237 = vector.broadcast %add3A_234 : i32 to vector<512x128xi32>
    %lt3A_238 = arith.cmpi slt, %add3A_80, %lt3A_237 : vector<512x128xi32>
    %and3A_239 = arith.andi %ge3A_236, %lt3A_238 : vector<512x128xi1>
    %jit3A_240 = arith.constant 0 : i32
    %broadcast_in_dim3A_241 = vector.broadcast %jit3A_240 : i32 to vector<512x128xi32>
    %select_n3A_242 = arith.select %and3A_239, %add3A_62, %broadcast_in_dim3A_241 : vector<512x128xi1>, vector<512x128xi32>
    %reduce_sum3A_243 = vector.shape_cast %select_n3A_242 : vector<512x128xi32> to vector<1x512x128xi32>
    %reduce_sum3A_244 = arith.constant dense<0> : vector<1xi32>
    %reduce_sum3A_245 = vector.multi_reduction <add>, %reduce_sum3A_243, %reduce_sum3A_244 [1, 2] : vector<1x512x128xi32> to vector<1xi32>
    %reduce_sum3A_246 = vector.shape_cast %reduce_sum3A_245 : vector<1xi32> to vector<1x1x1xi32>
    %reduce_sum3A_247 = vector.extract %reduce_sum3A_246[0, 0, 0] : i32 from vector<1x1x1xi32>
    %add3A_248 = arith.addi %select_n3A_232, %reduce_sum3A_247 : i32
    %le3A_249 = arith.cmpi sle, %add3A_248, %sub3A_82 : i32
    %select_n3A_250 = arith.select %le3A_249, %add3A_234, %select_n3A_231 : i32
    %select_n3A_251 = arith.select %le3A_249, %add3A_248, %select_n3A_232 : i32
    %add3A_252 = arith.constant 64 : i32
    %add3A_253 = arith.addi %select_n3A_250, %add3A_252 : i32
    %ge3A_254 = vector.broadcast %select_n3A_250 : i32 to vector<512x128xi32>
    %ge3A_255 = arith.cmpi sge, %add3A_80, %ge3A_254 : vector<512x128xi32>
    %lt3A_256 = vector.broadcast %add3A_253 : i32 to vector<512x128xi32>
    %lt3A_257 = arith.cmpi slt, %add3A_80, %lt3A_256 : vector<512x128xi32>
    %and3A_258 = arith.andi %ge3A_255, %lt3A_257 : vector<512x128xi1>
    %jit3A_259 = arith.constant 0 : i32
    %broadcast_in_dim3A_260 = vector.broadcast %jit3A_259 : i32 to vector<512x128xi32>
    %select_n3A_261 = arith.select %and3A_258, %add3A_62, %broadcast_in_dim3A_260 : vector<512x128xi1>, vector<512x128xi32>
    %reduce_sum3A_262 = vector.shape_cast %select_n3A_261 : vector<512x128xi32> to vector<1x512x128xi32>
    %reduce_sum3A_263 = arith.constant dense<0> : vector<1xi32>
    %reduce_sum3A_264 = vector.multi_reduction <add>, %reduce_sum3A_262, %reduce_sum3A_263 [1, 2] : vector<1x512x128xi32> to vector<1xi32>
    %reduce_sum3A_265 = vector.shape_cast %reduce_sum3A_264 : vector<1xi32> to vector<1x1x1xi32>
    %reduce_sum3A_266 = vector.extract %reduce_sum3A_265[0, 0, 0] : i32 from vector<1x1x1xi32>
    %add3A_267 = arith.addi %select_n3A_251, %reduce_sum3A_266 : i32
    %le3A_268 = arith.cmpi sle, %add3A_267, %sub3A_82 : i32
    %select_n3A_269 = arith.select %le3A_268, %add3A_253, %select_n3A_250 : i32
    %select_n3A_270 = arith.select %le3A_268, %add3A_267, %select_n3A_251 : i32
    %add3A_271 = arith.constant 32 : i32
    %add3A_272 = arith.addi %select_n3A_269, %add3A_271 : i32
    %ge3A_273 = vector.broadcast %select_n3A_269 : i32 to vector<512x128xi32>
    %ge3A_274 = arith.cmpi sge, %add3A_80, %ge3A_273 : vector<512x128xi32>
    %lt3A_275 = vector.broadcast %add3A_272 : i32 to vector<512x128xi32>
    %lt3A_276 = arith.cmpi slt, %add3A_80, %lt3A_275 : vector<512x128xi32>
    %and3A_277 = arith.andi %ge3A_274, %lt3A_276 : vector<512x128xi1>
    %jit3A_278 = arith.constant 0 : i32
    %broadcast_in_dim3A_279 = vector.broadcast %jit3A_278 : i32 to vector<512x128xi32>
    %select_n3A_280 = arith.select %and3A_277, %add3A_62, %broadcast_in_dim3A_279 : vector<512x128xi1>, vector<512x128xi32>
    %reduce_sum3A_281 = vector.shape_cast %select_n3A_280 : vector<512x128xi32> to vector<1x512x128xi32>
    %reduce_sum3A_282 = arith.constant dense<0> : vector<1xi32>
    %reduce_sum3A_283 = vector.multi_reduction <add>, %reduce_sum3A_281, %reduce_sum3A_282 [1, 2] : vector<1x512x128xi32> to vector<1xi32>
    %reduce_sum3A_284 = vector.shape_cast %reduce_sum3A_283 : vector<1xi32> to vector<1x1x1xi32>
    %reduce_sum3A_285 = vector.extract %reduce_sum3A_284[0, 0, 0] : i32 from vector<1x1x1xi32>
    %add3A_286 = arith.addi %select_n3A_270, %reduce_sum3A_285 : i32
    %le3A_287 = arith.cmpi sle, %add3A_286, %sub3A_82 : i32
    %select_n3A_288 = arith.select %le3A_287, %add3A_272, %select_n3A_269 : i32
    %select_n3A_289 = arith.select %le3A_287, %add3A_286, %select_n3A_270 : i32
    %add3A_290 = arith.constant 16 : i32
    %add3A_291 = arith.addi %select_n3A_288, %add3A_290 : i32
    %ge3A_292 = vector.broadcast %select_n3A_288 : i32 to vector<512x128xi32>
    %ge3A_293 = arith.cmpi sge, %add3A_80, %ge3A_292 : vector<512x128xi32>
    %lt3A_294 = vector.broadcast %add3A_291 : i32 to vector<512x128xi32>
    %lt3A_295 = arith.cmpi slt, %add3A_80, %lt3A_294 : vector<512x128xi32>
    %and3A_296 = arith.andi %ge3A_293, %lt3A_295 : vector<512x128xi1>
    %jit3A_297 = arith.constant 0 : i32
    %broadcast_in_dim3A_298 = vector.broadcast %jit3A_297 : i32 to vector<512x128xi32>
    %select_n3A_299 = arith.select %and3A_296, %add3A_62, %broadcast_in_dim3A_298 : vector<512x128xi1>, vector<512x128xi32>
    %reduce_sum3A_300 = vector.shape_cast %select_n3A_299 : vector<512x128xi32> to vector<1x512x128xi32>
    %reduce_sum3A_301 = arith.constant dense<0> : vector<1xi32>
    %reduce_sum3A_302 = vector.multi_reduction <add>, %reduce_sum3A_300, %reduce_sum3A_301 [1, 2] : vector<1x512x128xi32> to vector<1xi32>
    %reduce_sum3A_303 = vector.shape_cast %reduce_sum3A_302 : vector<1xi32> to vector<1x1x1xi32>
    %reduce_sum3A_304 = vector.extract %reduce_sum3A_303[0, 0, 0] : i32 from vector<1x1x1xi32>
    %add3A_305 = arith.addi %select_n3A_289, %reduce_sum3A_304 : i32
    %le3A_306 = arith.cmpi sle, %add3A_305, %sub3A_82 : i32
    %select_n3A_307 = arith.select %le3A_306, %add3A_291, %select_n3A_288 : i32
    %select_n3A_308 = arith.select %le3A_306, %add3A_305, %select_n3A_289 : i32
    %add3A_309 = arith.constant 8 : i32
    %add3A_310 = arith.addi %select_n3A_307, %add3A_309 : i32
    %ge3A_311 = vector.broadcast %select_n3A_307 : i32 to vector<512x128xi32>
    %ge3A_312 = arith.cmpi sge, %add3A_80, %ge3A_311 : vector<512x128xi32>
    %lt3A_313 = vector.broadcast %add3A_310 : i32 to vector<512x128xi32>
    %lt3A_314 = arith.cmpi slt, %add3A_80, %lt3A_313 : vector<512x128xi32>
    %and3A_315 = arith.andi %ge3A_312, %lt3A_314 : vector<512x128xi1>
    %jit3A_316 = arith.constant 0 : i32
    %broadcast_in_dim3A_317 = vector.broadcast %jit3A_316 : i32 to vector<512x128xi32>
    %select_n3A_318 = arith.select %and3A_315, %add3A_62, %broadcast_in_dim3A_317 : vector<512x128xi1>, vector<512x128xi32>
    %reduce_sum3A_319 = vector.shape_cast %select_n3A_318 : vector<512x128xi32> to vector<1x512x128xi32>
    %reduce_sum3A_320 = arith.constant dense<0> : vector<1xi32>
    %reduce_sum3A_321 = vector.multi_reduction <add>, %reduce_sum3A_319, %reduce_sum3A_320 [1, 2] : vector<1x512x128xi32> to vector<1xi32>
    %reduce_sum3A_322 = vector.shape_cast %reduce_sum3A_321 : vector<1xi32> to vector<1x1x1xi32>
    %reduce_sum3A_323 = vector.extract %reduce_sum3A_322[0, 0, 0] : i32 from vector<1x1x1xi32>
    %add3A_324 = arith.addi %select_n3A_308, %reduce_sum3A_323 : i32
    %le3A_325 = arith.cmpi sle, %add3A_324, %sub3A_82 : i32
    %select_n3A_326 = arith.select %le3A_325, %add3A_310, %select_n3A_307 : i32
    %select_n3A_327 = arith.select %le3A_325, %add3A_324, %select_n3A_308 : i32
    %add3A_328 = arith.constant 4 : i32
    %add3A_329 = arith.addi %select_n3A_326, %add3A_328 : i32
    %ge3A_330 = vector.broadcast %select_n3A_326 : i32 to vector<512x128xi32>
    %ge3A_331 = arith.cmpi sge, %add3A_80, %ge3A_330 : vector<512x128xi32>
    %lt3A_332 = vector.broadcast %add3A_329 : i32 to vector<512x128xi32>
    %lt3A_333 = arith.cmpi slt, %add3A_80, %lt3A_332 : vector<512x128xi32>
    %and3A_334 = arith.andi %ge3A_331, %lt3A_333 : vector<512x128xi1>
    %jit3A_335 = arith.constant 0 : i32
    %broadcast_in_dim3A_336 = vector.broadcast %jit3A_335 : i32 to vector<512x128xi32>
    %select_n3A_337 = arith.select %and3A_334, %add3A_62, %broadcast_in_dim3A_336 : vector<512x128xi1>, vector<512x128xi32>
    %reduce_sum3A_338 = vector.shape_cast %select_n3A_337 : vector<512x128xi32> to vector<1x512x128xi32>
    %reduce_sum3A_339 = arith.constant dense<0> : vector<1xi32>
    %reduce_sum3A_340 = vector.multi_reduction <add>, %reduce_sum3A_338, %reduce_sum3A_339 [1, 2] : vector<1x512x128xi32> to vector<1xi32>
    %reduce_sum3A_341 = vector.shape_cast %reduce_sum3A_340 : vector<1xi32> to vector<1x1x1xi32>
    %reduce_sum3A_342 = vector.extract %reduce_sum3A_341[0, 0, 0] : i32 from vector<1x1x1xi32>
    %add3A_343 = arith.addi %select_n3A_327, %reduce_sum3A_342 : i32
    %le3A_344 = arith.cmpi sle, %add3A_343, %sub3A_82 : i32
    %select_n3A_345 = arith.select %le3A_344, %add3A_329, %select_n3A_326 : i32
    %select_n3A_346 = arith.select %le3A_344, %add3A_343, %select_n3A_327 : i32
    %add3A_347 = arith.constant 2 : i32
    %add3A_348 = arith.addi %select_n3A_345, %add3A_347 : i32
    %ge3A_349 = vector.broadcast %select_n3A_345 : i32 to vector<512x128xi32>
    %ge3A_350 = arith.cmpi sge, %add3A_80, %ge3A_349 : vector<512x128xi32>
    %lt3A_351 = vector.broadcast %add3A_348 : i32 to vector<512x128xi32>
    %lt3A_352 = arith.cmpi slt, %add3A_80, %lt3A_351 : vector<512x128xi32>
    %and3A_353 = arith.andi %ge3A_350, %lt3A_352 : vector<512x128xi1>
    %jit3A_354 = arith.constant 0 : i32
    %broadcast_in_dim3A_355 = vector.broadcast %jit3A_354 : i32 to vector<512x128xi32>
    %select_n3A_356 = arith.select %and3A_353, %add3A_62, %broadcast_in_dim3A_355 : vector<512x128xi1>, vector<512x128xi32>
    %reduce_sum3A_357 = vector.shape_cast %select_n3A_356 : vector<512x128xi32> to vector<1x512x128xi32>
    %reduce_sum3A_358 = arith.constant dense<0> : vector<1xi32>
    %reduce_sum3A_359 = vector.multi_reduction <add>, %reduce_sum3A_357, %reduce_sum3A_358 [1, 2] : vector<1x512x128xi32> to vector<1xi32>
    %reduce_sum3A_360 = vector.shape_cast %reduce_sum3A_359 : vector<1xi32> to vector<1x1x1xi32>
    %reduce_sum3A_361 = vector.extract %reduce_sum3A_360[0, 0, 0] : i32 from vector<1x1x1xi32>
    %add3A_362 = arith.addi %select_n3A_346, %reduce_sum3A_361 : i32
    %le3A_363 = arith.cmpi sle, %add3A_362, %sub3A_82 : i32
    %select_n3A_364 = arith.select %le3A_363, %add3A_348, %select_n3A_345 : i32
    %select_n3A_365 = arith.select %le3A_363, %add3A_362, %select_n3A_346 : i32
    %add3A_366 = arith.constant 1 : i32
    %add3A_367 = arith.addi %select_n3A_364, %add3A_366 : i32
    %ge3A_368 = vector.broadcast %select_n3A_364 : i32 to vector<512x128xi32>
    %ge3A_369 = arith.cmpi sge, %add3A_80, %ge3A_368 : vector<512x128xi32>
    %lt3A_370 = vector.broadcast %add3A_367 : i32 to vector<512x128xi32>
    %lt3A_371 = arith.cmpi slt, %add3A_80, %lt3A_370 : vector<512x128xi32>
    %and3A_372 = arith.andi %ge3A_369, %lt3A_371 : vector<512x128xi1>
    %jit3A_373 = arith.constant 0 : i32
    %broadcast_in_dim3A_374 = vector.broadcast %jit3A_373 : i32 to vector<512x128xi32>
    %select_n3A_375 = arith.select %and3A_372, %add3A_62, %broadcast_in_dim3A_374 : vector<512x128xi1>, vector<512x128xi32>
    %reduce_sum3A_376 = vector.shape_cast %select_n3A_375 : vector<512x128xi32> to vector<1x512x128xi32>
    %reduce_sum3A_377 = arith.constant dense<0> : vector<1xi32>
    %reduce_sum3A_378 = vector.multi_reduction <add>, %reduce_sum3A_376, %reduce_sum3A_377 [1, 2] : vector<1x512x128xi32> to vector<1xi32>
    %reduce_sum3A_379 = vector.shape_cast %reduce_sum3A_378 : vector<1xi32> to vector<1x1x1xi32>
    %reduce_sum3A_380 = vector.extract %reduce_sum3A_379[0, 0, 0] : i32 from vector<1x1x1xi32>
    %add3A_381 = arith.addi %select_n3A_365, %reduce_sum3A_380 : i32
    %le3A_382 = arith.cmpi sle, %add3A_381, %sub3A_82 : i32
    %select_n3A_383 = arith.select %le3A_382, %add3A_367, %select_n3A_364 : i32
    %or3A = arith.ori %shift_left3A_81, %select_n3A_383 : i32
    %bitcast_convert_type3A = arith.bitcast %or3A : i32 to f32
    %mul3A_384 = arith.constant 1.000000e+00 : f32
    %mul3A_385 = arith.mulf %mul3A_384, %bitcast_convert_type3A : f32
    %mul3A_386 = arith.constant 0.000000e+00 : f32
    %mul3A_387 = arith.mulf %mul3A_386, %bitcast_convert_type3A : f32
    %add3A_388 = arith.addf %mul3A_385, %mul3A_387 : f32
    %or3A_389 = vector.broadcast %shift_left3A_81 : i32 to vector<512x128xi32>
    %or3A_390 = arith.ori %or3A_389, %add3A_80 : vector<512x128xi32>
    %bitcast_convert_type3A_391 = tpu.bitcast %or3A_390 : vector<512x128xi32> -> vector<512x128xf32>
    %ge3A_392 = vector.broadcast %add3A_388 : f32 to vector<512x128xf32>
    %ge3A_393 = arith.cmpf oge, %bitcast_convert_type3A_391, %ge3A_392 : vector<512x128xf32>
    %convert_element_type3A = arith.sitofp %add3A_62 : vector<512x128xi32> to vector<512x128xf32>
    %mul3A_394 = arith.mulf %convert_element_type3A, %bitcast_convert_type3A_391 : vector<512x128xf32>
    %jit3A_395 = arith.constant 0.000000e+00 : f32
    %broadcast_in_dim3A_396 = vector.broadcast %jit3A_395 : f32 to vector<512x128xf32>
    %select_n3A_397 = arith.select %ge3A_393, %mul3A_394, %broadcast_in_dim3A_396 : vector<512x128xi1>, vector<512x128xf32>
    %reduce_sum3A_398 = vector.shape_cast %select_n3A_397 : vector<512x128xf32> to vector<1x512x128xf32>
    %reduce_sum3A_399 = arith.constant dense<0.000000e+00> : vector<1xf32>
    %reduce_sum3A_400 = vector.multi_reduction <add>, %reduce_sum3A_398, %reduce_sum3A_399 [1, 2] : vector<1x512x128xf32> to vector<1xf32>
    %reduce_sum3A_401 = vector.shape_cast %reduce_sum3A_400 : vector<1xf32> to vector<1x1x1xf32>
    %reduce_sum3A_402 = vector.extract %reduce_sum3A_401[0, 0, 0] : f32 from vector<1x1x1xf32>
    %add3A_403 = arith.addf %reduce_sum3A_70, %reduce_sum3A_402 : f32
    %div3A = arith.constant 0x4B930000 : f32
    %div3A_404 = arith.divf %add3A_403, %div3A : f32
    %swap3A = arith.constant 0 : index
    %swap3A_405 = arith.constant 0 : index
    %swap3A_406 = memref.load %arg4[%swap3A, %swap3A_405] : memref<1x1xf32, #tpu.memory_space<smem>>
    memref.store %div3A_404, %arg4[%swap3A, %swap3A_405] : memref<1x1xf32, #tpu.memory_space<smem>>
    return
  }
}

</mosaic_0001>

<sc_bundles>
// kernel: kernel.12.cloned.1.call-start
scs
__scs_entry_jumppad:
0x0: {  	(pc) =	sbr.rel $0x88, $3  }
0x1: {  	(tag) =	ssettag $0x0;
	lr =	simm.s32 $0x1  }
0x2: {  	[smem:$0x3F9F] =	sst lr;
	_ =	strace $0xD0000000  }
0x3: {  	_ = 	snop  }
0x4: {  	_ = 	snop  }
0x5: {  	_ = 	snop  }
0x6: {  	_ = 	snop  }
0x7: {  	_ = 	snop  }
__scs_overlays_trampoline_lowered:
0x8: {  	[smem:$0x3FAE] =	sst s0  }
0x9: {  	[smem:$0x3FAF] =	sst s1  }
0xa: {  	[smem:$0x3FB0] =	sst s2  }
0xb: {  	[smem:$0x3FB1] =	sst s3  }
0xc: {  	[smem:$0x3FB2] =	sst s4  }
0xd: {  	[smem:$0x3FB3] =	sst s5  }
0xe: {  	[smem:$0x3FB4] =	sst s6  }
0xf: {  	[smem:$0x3FB5] =	sst s7  }
0x10: {  	[smem:$0x3FB6] =	sst s8  }
0x11: {  	[smem:$0x3FB7] =	sst s9;
	s0 =	simm.s32 @!p0 $0x0  }
0x12: {  	s1 =	sld [smem:$0x3F9D];
	s0 =	simm.s32 @p0 $0x1  }
0x13: {  	[smem:$0x3FB8] =	sst s0;
	s0 =	simm.s32 @!p1 $0x0  }
0x14: {  	s2 =	sld [smem:$0x3F9C];
	s0 =	simm.s32 @p1 $0x1  }
0x15: {  	[smem:$0x3FB9] =	sst s0;
	s0 =	simm.s32 @!p2 $0x0  }
0x16: {  	s3 =	sld [smem:$0x3FDB];
	s0 =	simm.s32 @p2 $0x1  }
0x17: {  	s4 =	simm.s32 $0x1BF5;
	[smem:$0x3FBB] =	sst s0  }
0x18: {  	s0 =	sld [smem:$0x3F9E];
	_ =	swait.ge [sflag:s4], $0x0  }
0x19: {  	s7 =	sld [smem:$0x3F9F]  }
0x1a: {  	s8 =	sadd.s32 $0xFFFFE003, lr  }
0x1b: {  	s9 =	sadd.s32 $0xFFFFFEF7, lr;
	s5 =	simm.s32 $0xFFFFFFFF;
	p2 =	slt.u32 s8, $0xFFFFF086  }
0x1c: {  	p1 =	slt.u32 s9, $0xF7A;
	s5 =	simm.s32 @!p2 $0x0  }
0x1d: {  	s5 =	simm.s32 @p1 $0x1;
	p0 =	seq.s32 s7, s2  }
0x1e: {  	s7 =	smul.u32 @!p0 $0xF7A, s2;
	p2 =	seq.s32 @!p0 s5, $0x0  }
0x1f: {  	s9 =	smul.u32 $0xF7A, s1;
	s8 =	simm.s32 @!p0 $0x1BF5;
	p2 =	por !p2, p0  }
0x20: {  	[sflag:s8] =	ssyncset.s32 @!p0 $0xFFFFF086;
	s6 =	sadd.s32 @!p0 s3, s7;
	s7 =	simm.s32 @!p0 $0x108  }
0x21: {  	s3 =	sadd.s32 s3, s9;
	s6 =	sadd.s32 @!p0 $0x88, s6;
	s7 =	simm.s32 @p2 $0x1082  }
0x22: {  	[simem:s7], [sflag:s8] =	dma.local @!p0 [hbm:s6], $0xF7A  }
0x23: {  	s9 =	sor.u32 $0xD0000000, s2;
	s6 =	simm.s32 $0x108;
	_ =	swait.ge @!p0 [sflag:s8], $0x0  }
0x24: {  	s3 =	sadd.s32 $0x88, s3;
	s6 =	simm.s32 @!p1 $0x1082;
	[sflag:s4] =	ssyncset.s32 $0xFFFFF086  }
0x25: {  	[simem:s6], [sflag:s4] =	dma.local [hbm:s3], $0xF7A  }
0x26: {  	[smem:$0x3F9F] =	sst s1;
	(tag) =	ssettag s2;
	_ =	strace s9  }
0x27: {  	s1 =	sld [smem:$0x3FAF]  }
0x28: {  	s2 =	sld [smem:$0x3FB0]  }
0x29: {  	s4 =	sld [smem:$0x3FB2]  }
0x2a: {  	p0 =	seq.s32 s5, $0x0;
	s5 =	sld [smem:$0x3FB3]  }
0x2b: {  	s6 =	sld [smem:$0x3FB4]  }
0x2c: {  	s7 =	sld [smem:$0x3FB5]  }
0x2d: {  	s3 =	simm.s32 $0x108;
	s8 =	sld [smem:$0x3FB6]  }
0x2e: {  	s3 =	simm.s32 @!p0 $0x1082;
	s9 =	sld [smem:$0x3FB7]  }
0x2f: {  	lr =	sadd.s32 s0, s3;
	s0 =	sld [smem:$0x3FAE]  }
0x30: {  	s3 =	sld [smem:$0x3FB1]  }
0x31: {  	[smem:$0x3FBA] =	sst s10  }
0x32: {  	s10 =	sld [smem:$0x3FB8];
	_ =	sdelay $0x3  }
0x33: {  	p0 =	seq.s32 s10, $0x1;
	s10 =	sld [smem:$0x3FBA];
	_ =	sdelay $0x3  }
0x34: {  	[smem:$0x3FBA] =	sst s10  }
0x35: {  	s10 =	sld [smem:$0x3FB9];
	_ =	sdelay $0x3  }
0x36: {  	p1 =	seq.s32 s10, $0x1;
	s10 =	sld [smem:$0x3FBA];
	_ =	sdelay $0x3  }
0x37: {  	[smem:$0x3FBA] =	sst s10  }
0x38: {  	s10 =	sld [smem:$0x3FBB]  }
0x39: {  	_ = 	snop;
	(pc) =	sbr.ind lr, $3  }
0x3a: {  	_ = 	snop  }
0x3b: {  	_ = 	snop  }
0x3c: {  	p2 =	seq.s32 s10, $0x1;
	s10 =	sld [smem:$0x3FBA]  }
0x3d: {  	_ =	shalt  }
0x3e: {  	_ =	shalt  }
0x3f: {  	_ =	shalt  }
0x40: {  	_ =	shalt  }
0x41: {  	_ =	shalt  }
0x42: {  	_ =	shalt  }
0x43: {  	_ =	shalt  }
0x44: {  	_ =	shalt  }
0x45: {  	_ =	shalt  }
0x46: {  	_ =	shalt  }
0x47: {  	_ =	shalt  }
0x48: {  	_ =	shalt  }
0x49: {  	_ =	shalt  }
0x4a: {  	_ =	shalt  }
0x4b: {  	_ =	shalt  }
0x4c: {  	_ =	shalt  }
0x4d: {  	_ =	shalt  }
0x4e: {  	_ =	shalt  }
0x4f: {  	_ =	shalt  }
0x50: {  	_ =	shalt  }
0x51: {  	_ =	shalt  }
0x52: {  	_ =	shalt  }
0x53: {  	_ =	shalt  }
0x54: {  	_ =	shalt  }
0x55: {  	_ =	shalt  }
0x56: {  	_ =	shalt  }
0x57: {  	_ =	shalt  }
0x58: {  	_ =	shalt  }
0x59: {  	_ =	shalt  }
0x5a: {  	_ =	shalt  }
0x5b: {  	_ =	shalt  }
0x5c: {  	_ =	shalt  }
0x5d: {  	_ =	shalt  }
0x5e: {  	_ =	shalt  }
0x5f: {  	_ =	shalt  }
0x60: {  	_ =	shalt  }
0x61: {  	_ =	shalt  }
0x62: {  	_ =	shalt  }
0x63: {  	_ =	shalt  }
0x64: {  	_ =	shalt  }
0x65: {  	_ =	shalt  }
0x66: {  	_ =	shalt  }
0x67: {  	_ =	shalt  }
0x68: {  	_ =	shalt  }
0x69: {  	_ =	shalt  }
0x6a: {  	_ =	shalt  }
0x6b: {  	_ =	shalt  }
0x6c: {  	_ =	shalt  }
0x6d: {  	_ =	shalt  }
0x6e: {  	_ =	shalt  }
0x6f: {  	_ =	shalt  }
0x70: {  	_ =	shalt  }
0x71: {  	_ =	shalt  }
0x72: {  	_ =	shalt  }
0x73: {  	_ =	shalt  }
0x74: {  	_ =	shalt  }
0x75: {  	_ =	shalt  }
0x76: {  	_ =	shalt  }
0x77: {  	_ =	shalt  }
0x78: {  	_ =	shalt  }
0x79: {  	_ =	shalt  }
0x7a: {  	_ =	shalt  }
0x7b: {  	_ =	shalt  }
0x7c: {  	_ =	shalt  }
0x7d: {  	_ =	shalt  }
0x7e: {  	_ =	shalt  }
0x7f: {  	_ =	shalt  }
0x80: {  	_ =	shalt  }
0x81: {  	_ =	shalt  }
0x82: {  	_ =	shalt  }
0x83: {  	_ =	shalt  }
0x84: {  	_ =	shalt  }
0x85: {  	_ =	shalt  }
0x86: {  	_ =	shalt  }
0x87: {  	_ =	shalt  }
.Lfunc_end0:
.L_simem_size_0:
called_computation.1_lowered:
.L_overlay_start_0:
0x88: {  	s2 =	sld [smem:$0x3FD9]  }
0x89: {  	s3 =	sld [smem:$0x3FFE];
	_ =	sdelay $0x1  }
0x8a: {  	s1 =	srdreg.scid  }
0x8b: {  	s0 =	sand.u32 $0x1, s1  }
0x8c: {  	s16 =	sshll.u32 s0, $0xA;
	s2 =	sadd.s32 s3, s2  }
0x8d: {  	s2 =	sadd.s32 s2, s16  }
0x8e: {  	[smem:$0x3FC6] =	sst s2  }
0x8f: {  	_ = 	snop  }
0x90: {  	(tm) =	ssettm $0x1  }
0x91: {  	s17 =	sld [smem:$0x3FFB];
	_ =	sdelay $0x3  }
0x92: {  	_ =	strace s17  }
0x93: {  	s2 =	sld [smem:$0x3FFC];
	_ =	sdelay $0x3  }
0x94: {  	_ =	strace s2  }
0x95: {  	s2 =	sld [smem:$0x3FFD];
	_ =	sdelay $0x3  }
0x96: {  	_ =	strace s2  }
0x97: {  	_ =	strace $0x8FFFFFFF  }
0x98: {  	s18 =	sld [smem:$0x3FDB];
	_ =	sdelay $0x1  }
0x99: {  	s19 =	simm.s32 $_scs_section_size  }
0x9a: {  	s4 =	simm.s32 $_size__tile_overlayer_lowered;
	s5 =	simm.s32 $_tile_overlayer_lowered  }
0x9b: {  	s22 =	simm.s32 $0x1BFF;
	s21 =	sshll.u32 s5, $0x1;
	s2 =	sadd.s32 s19, s18  }
0x9c: {  	s6 =	simm.s32 $0x0;
	s20 =	sshll.u32 s4, $0x1;
	s4 =	sadd.s32 s21, s2  }
0x9d: {  	[timem:s6], [sflag:s22] =	dma.local [hbm:s4], s20  }
0x9e: {  	_ =	swait.ge [sflag:s22], s20  }
0x9f: {  	s3 =	ssub.s32 $0x0, s20;
	[sflag:s22] =	ssyncset.done $0x0  }
0xa0: {  	[sflag:s22] =	ssyncadd.s32 s3;
	_ =	sdelay $0x1  }
0xa1: {  	s23 =	simm.s32 $0x1B8B  }
0xa2: {  	_ =	swait.ge [sflag:s23], $0x1  }
0xa3: {  	[sflag:s23] =	ssyncset.done $0x0  }
0xa4: {  	s25 =	simm.s32 $0x1B8E;
	s24 =	sld [smem:$0x3FFE];
	[sflag:s23] =	ssyncadd.s32 $0xFFFFFFFF  }
0xa5: {  	s26 =	simm.s32 $execute0_lowered;
	[smem:$0x3FD2] =	sst s25  }
0xa6: {  	s4 =	sshll.u32 s26, $0x1;
	_ =	strace $0x80000046;
	[dreg:$0x1] =	wrdreg $0xFFFFFFFF  }
0xa7: {  	s28 =	simm.s32 $_size_execute0_lowered;
	s2 =	sadd.s32 s2, s4;
	[dreg:$0x0] =	wrdreg $0x0  }
0xa8: {  	s4 =	sshll.u32 s28, $0x1;
	[dreg:$0x2] =	wrdreg s2  }
0xa9: {  	[dreg:$0x3] =	wrdreg s4  }
0xaa: {  	[dreg:$0x4] =	wrdreg $0xC0  }
0xab: {  	_ =	task [dreg:s6], $0x5FFFF  }
0xac: {  	[dreg:$0x1] =	wrdreg $0xFFFFFFFF  }
0xad: {  	[dreg:$0x0] =	wrdreg $0x60  }
0xae: {  	[dreg:$0x2] =	wrdreg s24  }
0xaf: {  	[dreg:$0x3] =	wrdreg $0xA  }
0xb0: {  	_ =	task.clear_ibuf [dreg:s6], $0x4FFFF;
	_ =	strace $0x90000046  }
0xb1: {  	s29 =	simm.s32 $0xA;
	_ =	strace $0x80000048  }
0xb2: {  	_ =	swait.ge [sflag:s29], $0x1  }
0xb3: {  	[sflag:s29] =	ssyncadd.s32 $0xFFFFFFFF  }
0xb4: {  	_ =	strace $0x90000048  }
0xb5: {  	_ =	sfence  }
0xb6: {  	s30 =	sld [smem:$0x0];
	_ =	sdelay $0x2  }
0xb7: {  	s31 =	sshll.u32 s1, $0xD;
	s1 =	sshrl.u32 s1, $0x2  }
0xb8: {  	s3 =	sand.u32 $0x4000, s31;
	s1 =	sadd.s32 s1, s30  }
0xb9: {  	s0 =	sor.u32 s3, s0;
	s1 =	sshll.u32 s1, $0x11  }
0xba: {  	s0 =	sor.u32 s1, s0  }
0xbb: {  	s0 =	sadd.s32 $0x8F2B, s0  }
0xbc: {  	[sflag:s0] =	ssyncadd.remote.s32 $0x1  }
0xbd: {  	_ =	sfence.sel $0xFFFF  }
0xbe: {  	[dreg:$0x0] =	wrdreg $0xFFFFFFFF;
	(pc) =	sbr.abs _section_cstart, $3  }
0xbf: {  	[dreg:$0x1] =	wrdreg $0xFFFFFFFF  }
0xc0: {  	_ =	task.clear_ibuf [dreg:s6], $0x2FFFF;
	_ =	strace $0x9FFFFFFF  }
0xc1: {  	(tm) =	ssettm $0x7FFFFFFF  }
tec
execute0_lowered:
.L_overlay_start_1:
0x0: {  	(tag) =	ssettag $0x1  }
0x1: {  	s1 =	srdreg.scid;
	s0 =	stileid.u32  }
0x2: {  	s3 =	rddreg [dreg:$0x0];
	s2 =	simm.s32 $0x0;
	s9 =	simm.s32 $0x2000  }
0x3: {  	s10 =	simm.s32 $0x1;
	s11 =	simm.s32 $0x4000;
	s12 =	simm.s32 $0x2  }
0x4: {  	s13 =	simm.s32 $0x80;
	s14 =	simm.s32 $0x400;
	s15 =	simm.s32 $0x3  }
0x5: {  	s4 =	sand.u32 $0x1, s1;
	s5 =	sshll.u32 s0, $0x1;
	s1 =	rddreg [dreg:$0x1]  }
0x6: {  	s16 =	simm.s32 $0x0;
	[smem:$0x7FF] =	sst s2;
	s5 =	sor.u32 s4, s5  }
0x7: {  	s31 =	sshll.u32 s0, $0xE;
	s4 =	ssub.s32 $0x2, s4;
	s6 =	smul.u32 $0xA800, s5  }
0x8: {  	_ =	strace $0x80000047;
	s7 =	sshrl.u32 s4, $0x1;
	s5 =	sshll.u32 s5, $0x4  }
0x9: {  	s7 =	ssub.s32 s4, s7;
	s8 =	sadd.s32 s6, s3;
	s6 =	sand.u32 $0x30000, s31  }
0xa: {  	s5 =	sand.u32 $0x70, s5;
	s6 =	sadd.s32 s6, s3;
	s3 =	sadd.s32 $0x1A00, s8  }
0xb: {  	s4 =	sadd.s32 $0x1E00, s8;
	s5 =	sadd.s32 s5, s6;
	s6 =	smax.u32 s7, $0x1  }
0xc: {  	v0 =	vimm.s32 $0x0;
	v1 =	vimm.s32 $0x1;
	s7 =	sadd.s32 $0x2200, s8;
	s8 =	sadd.s32 $0x2600, s8;
	s5 =	sadd.s32 $0x151A00, s5  }
.LBB2_1:
0xd: {  	[tilespmem:s2], [sflag:$0x1] =	stream.linear.gather [hbm4b:s3+s2], $0x2000, $0x38;
	[tilespmem:$0x14000] =	vst v63  }
0xe: {  	s17 =	simm.s32 $0x40;
	s18 =	simm.s32 $0x0  }
0xf: {  	[tilespmem:s9], [sflag:$0x2] =	stream.linear.gather [hbm4b:s4+s2], $0x2000, $0x38;
	[tilespmem:$0x14000] =	vst v63  }
.LBB2_2:
0x10: {  	p0 =	sne.s32 s17, $0x3FFC0;
	[tilespmem:s18+$0x4000] =	vst v0;
	s18 =	smov.u32 s17;
	s17 =	sadd.s32 $0x40, s17  }
.Ltmp0:
0x11: {  	(pc) =	sbr.rel @p0 .LBB2_2-.Ltmp0, $2  }
0x12: {  	_ =	sdelay $0x2  }
0x13: {  	s18 =	sshra.s32 s18, $0x2  }
0x14: {  	[tilespmem:s18+$0x4000] =	vst v0;
	s17 =	simm.s32 $0x0;
	s18 =	simm.s32 $0x0  }
.LBB2_4:
0x15: {  	_ =	swait.ge [sflag:s10], $0x2000;
	s19 =	sand.u32 $0x1800, s17;
	s20 =	sand.u32 $0x400, s17  }
0x16: {  	s21 =	sand.u32 $0x380, s17;
	[sflag:s10] =	ssyncset.done $0x0;
	s19 =	sor.u32 s20, s19  }
0x17: {  	[sflag:s10] =	ssyncadd.s32 $0xFFFFE000;
	s19 =	sor.u32 s21, s19  }
0x18: {  	v2 =	vld [tilespmem:s19+$0x70]  }
0x19: {  	v3 =	vld [tilespmem:s19+$0x0]  }
0x1a: {  	v4 =	vld [tilespmem:s19+$0x10]  }
0x1b: {  	v5 =	vld [tilespmem:s19+$0x20]  }
0x1c: {  	v7 =	vld [tilespmem:s19+$0x30]  }
0x1d: {  	v8 =	vld [tilespmem:s19+$0x40];
	v2 =	vshrl.u32 v2, $0x10  }
0x1e: {  	v9 =	vld [tilespmem:s19+$0x50];
	v3 =	vshrl.u32 v3, $0x10  }
0x1f: {  	v11 =	vld [tilespmem:s19+$0x60];
	v10 =	vshrl.u32 v4, $0x10  }
0x20: {  	v6 =	vshrl.u32 v5, $0x10  }
0x21: {  	v4 =	vshrl.u32 v7, $0x10  }
0x22: {  	v5 =	vshrl.u32 v8, $0x10;
	[tilespmem:v2+s11+$0x0] =	vst.idx.add.s32.msk $0xffff, v1  }
0x23: {  	s22 =	simm.s32 $0x80;
	[tilespmem:v3+s11+$0x0] =	vst.idx.add.s32.msk $0xffff, v1  }
0x24: {  	s20 =	simm.s32 $0x40;
	s21 =	simm.s32 $0x400;
	s19 =	simm.s32 $0x0;
	v2 =	vshrl.u32 v9, $0x10;
	[tilespmem:v10+s11+$0x0] =	vst.idx.add.s32.msk $0xffff, v1;
	v3 =	vshrl.u32 v11, $0x10  }
.LBB2_5:
0x25: {  	s23 =	sand.u32 $0x1800, s22;
	s24 =	sand.u32 $0x400, s21;
	s19 =	sadd.s32 $0x8, s19;
	[tilespmem:v6+s11+$0x0] =	vst.idx.add.s32.msk $0xffff, v1  }
0x26: {  	s25 =	sand.u32 $0x380, s20;
	s23 =	sor.u32 s24, s23;
	p0 =	slt.u32 s19, $0x1F8;
	[tilespmem:v4+s11+$0x0] =	vst.idx.add.s32.msk $0xffff, v1  }
0x27: {  	s23 =	sor.u32 s25, s23;
	[tilespmem:v5+s11+$0x0] =	vst.idx.add.s32.msk $0xffff, v1  }
0x28: {  	v4 =	vld [tilespmem:s23+$0x70]  }
0x29: {  	v5 =	vld [tilespmem:s23+$0x0]  }
0x2a: {  	v6 =	vld [tilespmem:s23+$0x10]  }
0x2b: {  	v7 =	vld [tilespmem:s23+$0x20]  }
0x2c: {  	v8 =	vld [tilespmem:s23+$0x30]  }
0x2d: {  	v9 =	vld [tilespmem:s23+$0x40];
	v10 =	vshrl.u32 v4, $0x10  }
0x2e: {  	v11 =	vshrl.u32 v5, $0x10;
	v12 =	vld [tilespmem:s23+$0x50]  }
0x2f: {  	v13 =	vshrl.u32 v6, $0x10;
	v14 =	vld [tilespmem:s23+$0x60]  }
.Ltmp1:
0x30: {  	v6 =	vshrl.u32 v7, $0x10;
	[tilespmem:v2+s11+$0x0] =	vst.idx.add.s32.msk $0xffff, v1;
	(pc) =	sbr.rel @p0 .LBB2_5-.Ltmp1, $4  }
0x31: {  	v4 =	vshrl.u32 v8, $0x10;
	[tilespmem:v3+s11+$0x0] =	vst.idx.add.s32.msk $0xffff, v1  }
0x32: {  	v5 =	vshrl.u32 v9, $0x10;
	[tilespmem:v10+s11+$0x0] =	vst.idx.add.s32.msk $0xffff, v1  }
0x33: {  	[tilespmem:v11+s11+$0x0] =	vst.idx.add.s32.msk $0xffff, v1;
	v2 =	vshrl.u32 v12, $0x10  }
0x34: {  	s20 =	sadd.s32 $0x40, s20;
	s21 =	sadd.s32 $0x400, s21;
	s22 =	sadd.s32 $0x80, s22;
	[tilespmem:v13+s11+$0x0] =	vst.idx.add.s32.msk $0xffff, v1;
	v3 =	vshrl.u32 v14, $0x10  }
0x35: {  	_ =	sdelay $0x3  }
0x36: {  	[tilespmem:v6+s11+$0x0] =	vst.idx.add.s32.msk $0xffff, v1  }
0x37: {  	[tilespmem:v4+s11+$0x0] =	vst.idx.add.s32.msk $0xffff, v1  }
0x38: {  	[tilespmem:v5+s11+$0x0] =	vst.idx.add.s32.msk $0xffff, v1;
	p0 =	seq.s32 s18, $0x14  }
0x39: {  	[tilespmem:v2+s11+$0x0] =	vst.idx.add.s32.msk $0xffff, v1;
	s19 =	sshll.u32 @!p0 s18, $0xB  }
0x3a: {  	[tilespmem:v3+s11+$0x0] =	vst.idx.add.s32.msk $0xffff, v1;
	s30 =	simm.s32 $0x0;
	s21 =	simm.s32 @!p0 $0x0;
	s20 =	sadd.s32 @!p0 s7, s19  }
0x3b: {  	[tilespmem:s21], [sflag:$0x1] =	stream.linear.gather @!p0 [hbm4b:s20+s21], $0x2000, $0x38;
	[tilespmem:$0x14000] =	vst v63  }
0x3c: {  	s31 =	sand.u32 $0x1800, s30;
	s22 =	sand.u32 $0x400, s30;
	_ =	swait.ge [sflag:s12], $0x2000  }
0x3d: {  	s20 =	sand.u32 $0x380, s30;
	s21 =	sor.u32 s22, s31;
	[sflag:s12] =	ssyncset.done $0x0  }
0x3e: {  	s20 =	sor.u32 s20, s21;
	[sflag:s12] =	ssyncadd.s32 $0xFFFFE000  }
0x3f: {  	v2 =	vld [tilespmem:s20+$0x2070]  }
0x40: {  	v3 =	vld [tilespmem:s20+$0x2000]  }
0x41: {  	v4 =	vld [tilespmem:s20+$0x2010]  }
0x42: {  	v5 =	vld [tilespmem:s20+$0x2020]  }
0x43: {  	v7 =	vld [tilespmem:s20+$0x2030]  }
0x44: {  	v8 =	vld [tilespmem:s20+$0x2040];
	v2 =	vshrl.u32 v2, $0x10  }
0x45: {  	v9 =	vld [tilespmem:s20+$0x2050];
	v3 =	vshrl.u32 v3, $0x10  }
0x46: {  	v11 =	vld [tilespmem:s20+$0x2060];
	v10 =	vshrl.u32 v4, $0x10  }
0x47: {  	v6 =	vshrl.u32 v5, $0x10  }
0x48: {  	v4 =	vshrl.u32 v7, $0x10  }
0x49: {  	v5 =	vshrl.u32 v8, $0x10;
	[tilespmem:v2+s11+$0x0] =	vst.idx.add.s32.msk $0xffff, v1  }
0x4a: {  	s23 =	simm.s32 $0x80;
	s18 =	sadd.s32 $0x1, s18;
	[tilespmem:v3+s11+$0x0] =	vst.idx.add.s32.msk $0xffff, v1  }
0x4b: {  	s22 =	simm.s32 $0x400;
	s21 =	simm.s32 $0x40;
	s20 =	simm.s32 $0x0;
	v2 =	vshrl.u32 v9, $0x10;
	[tilespmem:v10+s11+$0x0] =	vst.idx.add.s32.msk $0xffff, v1;
	v3 =	vshrl.u32 v11, $0x10  }
.LBB2_7:
0x4c: {  	s24 =	sand.u32 $0x1800, s23;
	s25 =	sand.u32 $0x400, s22;
	s20 =	sadd.s32 $0x8, s20;
	[tilespmem:v6+s11+$0x0] =	vst.idx.add.s32.msk $0xffff, v1  }
0x4d: {  	s26 =	sand.u32 $0x380, s21;
	s24 =	sor.u32 s25, s24;
	p1 =	slt.u32 s20, $0x1F8;
	[tilespmem:v4+s11+$0x0] =	vst.idx.add.s32.msk $0xffff, v1  }
0x4e: {  	s24 =	sor.u32 s26, s24;
	[tilespmem:v5+s11+$0x0] =	vst.idx.add.s32.msk $0xffff, v1  }
0x4f: {  	v4 =	vld [tilespmem:s24+$0x2070]  }
0x50: {  	v5 =	vld [tilespmem:s24+$0x2000]  }
0x51: {  	v6 =	vld [tilespmem:s24+$0x2010]  }
0x52: {  	v7 =	vld [tilespmem:s24+$0x2020]  }
0x53: {  	v8 =	vld [tilespmem:s24+$0x2030]  }
0x54: {  	v9 =	vld [tilespmem:s24+$0x2040];
	v10 =	vshrl.u32 v4, $0x10  }
0x55: {  	v11 =	vshrl.u32 v5, $0x10;
	v12 =	vld [tilespmem:s24+$0x2050]  }
0x56: {  	v13 =	vshrl.u32 v6, $0x10;
	v14 =	vld [tilespmem:s24+$0x2060]  }
.Ltmp2:
0x57: {  	v6 =	vshrl.u32 v7, $0x10;
	[tilespmem:v2+s11+$0x0] =	vst.idx.add.s32.msk $0xffff, v1;
	(pc) =	sbr.rel @p1 .LBB2_7-.Ltmp2, $4  }
0x58: {  	v4 =	vshrl.u32 v8, $0x10;
	[tilespmem:v3+s11+$0x0] =	vst.idx.add.s32.msk $0xffff, v1  }
0x59: {  	v5 =	vshrl.u32 v9, $0x10;
	[tilespmem:v10+s11+$0x0] =	vst.idx.add.s32.msk $0xffff, v1  }
0x5a: {  	[tilespmem:v11+s11+$0x0] =	vst.idx.add.s32.msk $0xffff, v1;
	v2 =	vshrl.u32 v12, $0x10  }
0x5b: {  	s21 =	sadd.s32 $0x40, s21;
	s22 =	sadd.s32 $0x400, s22;
	s23 =	sadd.s32 $0x80, s23;
	[tilespmem:v13+s11+$0x0] =	vst.idx.add.s32.msk $0xffff, v1;
	v3 =	vshrl.u32 v14, $0x10  }
0x5c: {  	_ =	sdelay $0x3  }
0x5d: {  	[tilespmem:v6+s11+$0x0] =	vst.idx.add.s32.msk $0xffff, v1  }
0x5e: {  	[tilespmem:v4+s11+$0x0] =	vst.idx.add.s32.msk $0xffff, v1  }
0x5f: {  	[tilespmem:v5+s11+$0x0] =	vst.idx.add.s32.msk $0xffff, v1  }
0x60: {  	[tilespmem:v2+s11+$0x0] =	vst.idx.add.s32.msk $0xffff, v1;
	s19 =	sadd.s32 @!p0 s8, s19  }
0x61: {  	[tilespmem:v3+s11+$0x0] =	vst.idx.add.s32.msk $0xffff, v1;
	s20 =	simm.s32 @!p0 $0x0;
	s21 =	simm.s32 @!p0 $0x2000;
	p1 =	sne.s32 @!p0 s18, $0x15  }
0x62: {  	[tilespmem:s21], [sflag:$0x2] =	stream.linear.gather @!p0 [hbm4b:s19+s20], $0x2000, $0x38;
	[tilespmem:$0x14000] =	vst v63  }
0x63: {  	p0 =	por p0, !p1  }
.Ltmp3:
0x64: {  	_ = 	snop;
	(pc) =	sbr.rel @!p0 .LBB2_4-.Ltmp3, $1  }
0x65: {  	_ =	sdelay $0x3  }
0x66: {  	s16 =	sadd.s32 $0x1, s16  }
0x67: {  	p0 =	sne.s32 s16, s6  }
.Ltmp4:
0x68: {  	_ = 	snop;
	(pc) =	sbr.rel @p0 .LBB2_1-.Ltmp4, $4  }
0x69: {  	[hbm4b:s5+s13] =	stream.strided.scatter [tilespmem:s11], [sflag:$0x3], $0x10000, s14, s13, $0x38;
	[tilespmem:$0x14000] =	vst v63  }
0x6a: {  	_ =	swait.ge [sflag:s15], $0x10000  }
0x6b: {  	[sflag:s15] =	ssyncset.done $0x0  }
0x6c: {  	[sflag:s15] =	ssyncadd.s32 $0xFFFF0000  }
0x6d: {  	_ =	sfence.sel $0x180000  }
0x6e: {  	[bflag:$0x0] =	sbarrier.arrive $0xFFFF  }
0x6f: {  	p0 =	sne.s32 s0, $0x0;
	_ =	strace $0x90000047  }
0x70: {  	s0 =	sadd.s32 @!p0 $0x100000, s1;
	[bflag:$0x2] =	sbarrier.arrive $0xFFFF  }
0x71: {  	[sflag:s0] =	ssyncadd.tile.s32 @!p0 $0x1;
	_ =	shalt  }
.Lfunc_end2:
_tile_overlayer_lowered:
.L_overlay_start_2:
0x72: {  	(tag) =	ssettag $0x2  }
0x73: {  	s0 =	rddreg [dreg:$0x0];
	s2 =	stileid.u32  }
0x74: {  	s1 =	rddreg [dreg:$0x1];
	p0 =	sne.s32 s2, $0x0  }
0x75: {  	s3 =	rddreg [dreg:$0x2];
	[bflag:$0x3] =	sbarrier.arrive $0xFFFF;
	s2 =	simm.s32 @!p0 $0x1C03  }
0x76: {  	[timem:s3], [sflag:s2] =	dma.local @!p0 [hbm:s0], s1  }
0x77: {  	s0 =	simm.s32 @!p0 $0x3  }
0x78: {  	_ =	swait.ge @!p0 [sflag:s0], s1  }
0x79: {  	s1 =	ssub.s32 @!p0 $0x0, s1;
	[sflag:s0] =	ssyncset.done @!p0 $0x0  }
0x7a: {  	[sflag:s0] =	ssyncadd.s32 @!p0 s1  }
0x7b: {  	[bflag:$0x3] =	sbarrier.arrive $0xFFFF  }
0x7c: {  	_ =	shalt  }

// kernel: kernel.15.cloned.1.call-start
scs
__scs_entry_jumppad:
0x0: {  	(pc) =	sbr.rel $0x88, $3  }
0x1: {  	(tag) =	ssettag $0x0;
	lr =	simm.s32 $0x1  }
0x2: {  	[smem:$0x3F9F] =	sst lr;
	_ =	strace $0xD0000000  }
0x3: {  	_ = 	snop  }
0x4: {  	_ = 	snop  }
0x5: {  	_ = 	snop  }
0x6: {  	_ = 	snop  }
0x7: {  	_ = 	snop  }
__scs_overlays_trampoline_lowered:
0x8: {  	[smem:$0x3FAE] =	sst s0  }
0x9: {  	[smem:$0x3FAF] =	sst s1  }
0xa: {  	[smem:$0x3FB0] =	sst s2  }
0xb: {  	[smem:$0x3FB1] =	sst s3  }
0xc: {  	[smem:$0x3FB2] =	sst s4  }
0xd: {  	[smem:$0x3FB3] =	sst s5  }
0xe: {  	[smem:$0x3FB4] =	sst s6  }
0xf: {  	[smem:$0x3FB5] =	sst s7  }
0x10: {  	[smem:$0x3FB6] =	sst s8  }
0x11: {  	[smem:$0x3FB7] =	sst s9;
	s0 =	simm.s32 @!p0 $0x0  }
0x12: {  	s1 =	sld [smem:$0x3F9D];
	s0 =	simm.s32 @p0 $0x1  }
0x13: {  	[smem:$0x3FB8] =	sst s0;
	s0 =	simm.s32 @!p1 $0x0  }
0x14: {  	s2 =	sld [smem:$0x3F9C];
	s0 =	simm.s32 @p1 $0x1  }
0x15: {  	[smem:$0x3FB9] =	sst s0;
	s0 =	simm.s32 @!p2 $0x0  }
0x16: {  	s3 =	sld [smem:$0x3FDB];
	s0 =	simm.s32 @p2 $0x1  }
0x17: {  	s4 =	simm.s32 $0x1BF5;
	[smem:$0x3FBB] =	sst s0  }
0x18: {  	s0 =	sld [smem:$0x3F9E];
	_ =	swait.ge [sflag:s4], $0x0  }
0x19: {  	s7 =	sld [smem:$0x3F9F]  }
0x1a: {  	s8 =	sadd.s32 $0xFFFFE003, lr  }
0x1b: {  	s9 =	sadd.s32 $0xFFFFFEF7, lr;
	s5 =	simm.s32 $0xFFFFFFFF;
	p2 =	slt.u32 s8, $0xFFFFF086  }
0x1c: {  	p1 =	slt.u32 s9, $0xF7A;
	s5 =	simm.s32 @!p2 $0x0  }
0x1d: {  	s5 =	simm.s32 @p1 $0x1;
	p0 =	seq.s32 s7, s2  }
0x1e: {  	s7 =	smul.u32 @!p0 $0xF7A, s2;
	p2 =	seq.s32 @!p0 s5, $0x0  }
0x1f: {  	s9 =	smul.u32 $0xF7A, s1;
	s8 =	simm.s32 @!p0 $0x1BF5;
	p2 =	por !p2, p0  }
0x20: {  	[sflag:s8] =	ssyncset.s32 @!p0 $0xFFFFF086;
	s6 =	sadd.s32 @!p0 s3, s7;
	s7 =	simm.s32 @!p0 $0x108  }
0x21: {  	s3 =	sadd.s32 s3, s9;
	s6 =	sadd.s32 @!p0 $0x88, s6;
	s7 =	simm.s32 @p2 $0x1082  }
0x22: {  	[simem:s7], [sflag:s8] =	dma.local @!p0 [hbm:s6], $0xF7A  }
0x23: {  	s9 =	sor.u32 $0xD0000000, s2;
	s6 =	simm.s32 $0x108;
	_ =	swait.ge @!p0 [sflag:s8], $0x0  }
0x24: {  	s3 =	sadd.s32 $0x88, s3;
	s6 =	simm.s32 @!p1 $0x1082;
	[sflag:s4] =	ssyncset.s32 $0xFFFFF086  }
0x25: {  	[simem:s6], [sflag:s4] =	dma.local [hbm:s3], $0xF7A  }
0x26: {  	[smem:$0x3F9F] =	sst s1;
	(tag) =	ssettag s2;
	_ =	strace s9  }
0x27: {  	s1 =	sld [smem:$0x3FAF]  }
0x28: {  	s2 =	sld [smem:$0x3FB0]  }
0x29: {  	s4 =	sld [smem:$0x3FB2]  }
0x2a: {  	p0 =	seq.s32 s5, $0x0;
	s5 =	sld [smem:$0x3FB3]  }
0x2b: {  	s6 =	sld [smem:$0x3FB4]  }
0x2c: {  	s7 =	sld [smem:$0x3FB5]  }
0x2d: {  	s3 =	simm.s32 $0x108;
	s8 =	sld [smem:$0x3FB6]  }
0x2e: {  	s3 =	simm.s32 @!p0 $0x1082;
	s9 =	sld [smem:$0x3FB7]  }
0x2f: {  	lr =	sadd.s32 s0, s3;
	s0 =	sld [smem:$0x3FAE]  }
0x30: {  	s3 =	sld [smem:$0x3FB1]  }
0x31: {  	[smem:$0x3FBA] =	sst s10  }
0x32: {  	s10 =	sld [smem:$0x3FB8];
	_ =	sdelay $0x3  }
0x33: {  	p0 =	seq.s32 s10, $0x1;
	s10 =	sld [smem:$0x3FBA];
	_ =	sdelay $0x3  }
0x34: {  	[smem:$0x3FBA] =	sst s10  }
0x35: {  	s10 =	sld [smem:$0x3FB9];
	_ =	sdelay $0x3  }
0x36: {  	p1 =	seq.s32 s10, $0x1;
	s10 =	sld [smem:$0x3FBA];
	_ =	sdelay $0x3  }
0x37: {  	[smem:$0x3FBA] =	sst s10  }
0x38: {  	s10 =	sld [smem:$0x3FBB]  }
0x39: {  	_ = 	snop;
	(pc) =	sbr.ind lr, $3  }
0x3a: {  	_ = 	snop  }
0x3b: {  	_ = 	snop  }
0x3c: {  	p2 =	seq.s32 s10, $0x1;
	s10 =	sld [smem:$0x3FBA]  }
0x3d: {  	_ =	shalt  }
0x3e: {  	_ =	shalt  }
0x3f: {  	_ =	shalt  }
0x40: {  	_ =	shalt  }
0x41: {  	_ =	shalt  }
0x42: {  	_ =	shalt  }
0x43: {  	_ =	shalt  }
0x44: {  	_ =	shalt  }
0x45: {  	_ =	shalt  }
0x46: {  	_ =	shalt  }
0x47: {  	_ =	shalt  }
0x48: {  	_ =	shalt  }
0x49: {  	_ =	shalt  }
0x4a: {  	_ =	shalt  }
0x4b: {  	_ =	shalt  }
0x4c: {  	_ =	shalt  }
0x4d: {  	_ =	shalt  }
0x4e: {  	_ =	shalt  }
0x4f: {  	_ =	shalt  }
0x50: {  	_ =	shalt  }
0x51: {  	_ =	shalt  }
0x52: {  	_ =	shalt  }
0x53: {  	_ =	shalt  }
0x54: {  	_ =	shalt  }
0x55: {  	_ =	shalt  }
0x56: {  	_ =	shalt  }
0x57: {  	_ =	shalt  }
0x58: {  	_ =	shalt  }
0x59: {  	_ =	shalt  }
0x5a: {  	_ =	shalt  }
0x5b: {  	_ =	shalt  }
0x5c: {  	_ =	shalt  }
0x5d: {  	_ =	shalt  }
0x5e: {  	_ =	shalt  }
0x5f: {  	_ =	shalt  }
0x60: {  	_ =	shalt  }
0x61: {  	_ =	shalt  }
0x62: {  	_ =	shalt  }
0x63: {  	_ =	shalt  }
0x64: {  	_ =	shalt  }
0x65: {  	_ =	shalt  }
0x66: {  	_ =	shalt  }
0x67: {  	_ =	shalt  }
0x68: {  	_ =	shalt  }
0x69: {  	_ =	shalt  }
0x6a: {  	_ =	shalt  }
0x6b: {  	_ =	shalt  }
0x6c: {  	_ =	shalt  }
0x6d: {  	_ =	shalt  }
0x6e: {  	_ =	shalt  }
0x6f: {  	_ =	shalt  }
0x70: {  	_ =	shalt  }
0x71: {  	_ =	shalt  }
0x72: {  	_ =	shalt  }
0x73: {  	_ =	shalt  }
0x74: {  	_ =	shalt  }
0x75: {  	_ =	shalt  }
0x76: {  	_ =	shalt  }
0x77: {  	_ =	shalt  }
0x78: {  	_ =	shalt  }
0x79: {  	_ =	shalt  }
0x7a: {  	_ =	shalt  }
0x7b: {  	_ =	shalt  }
0x7c: {  	_ =	shalt  }
0x7d: {  	_ =	shalt  }
0x7e: {  	_ =	shalt  }
0x7f: {  	_ =	shalt  }
0x80: {  	_ =	shalt  }
0x81: {  	_ =	shalt  }
0x82: {  	_ =	shalt  }
0x83: {  	_ =	shalt  }
0x84: {  	_ =	shalt  }
0x85: {  	_ =	shalt  }
0x86: {  	_ =	shalt  }
0x87: {  	_ =	shalt  }
.Lfunc_end0:
.L_simem_size_0:
called_computation.2_lowered:
.L_overlay_start_0:
0x88: {  	s2 =	sld [smem:$0x3FD9]  }
0x89: {  	s3 =	sld [smem:$0x3FFE];
	_ =	sdelay $0x1  }
0x8a: {  	s1 =	srdreg.scid  }
0x8b: {  	s0 =	sand.u32 $0x1, s1  }
0x8c: {  	s17 =	sshll.u32 s0, $0xA;
	s2 =	sadd.s32 s3, s2  }
0x8d: {  	s2 =	sadd.s32 s2, s17  }
0x8e: {  	[smem:$0x3FC6] =	sst s2  }
0x8f: {  	_ = 	snop  }
0x90: {  	s2 =	sld [smem:$0x3FD0];
	(tm) =	ssettm $0x1  }
0x91: {  	s18 =	sld [smem:$0x3FFB];
	_ =	sdelay $0x3  }
0x92: {  	_ =	strace s18  }
0x93: {  	s3 =	sld [smem:$0x3FFC];
	_ =	sdelay $0x3  }
0x94: {  	_ =	strace s3  }
0x95: {  	s3 =	sld [smem:$0x3FFD];
	_ =	sdelay $0x3  }
0x96: {  	_ =	strace s3  }
0x97: {  	_ =	strace $0x8FFFFFFF  }
0x98: {  	s19 =	sld [smem:$0x3FDB];
	_ =	sdelay $0x1  }
0x99: {  	s4 =	simm.s32 $_scs_section_size  }
0x9a: {  	s5 =	simm.s32 $_size__tile_overlayer_lowered;
	s6 =	simm.s32 $_tile_overlayer_lowered  }
0x9b: {  	s22 =	simm.s32 $0x1BFF;
	s21 =	sshll.u32 s6, $0x1;
	s3 =	sadd.s32 s4, s19  }
0x9c: {  	s7 =	simm.s32 $0x0;
	s20 =	sshll.u32 s5, $0x1;
	s5 =	sadd.s32 s21, s3  }
0x9d: {  	[timem:s7], [sflag:s22] =	dma.local [hbm:s5], s20  }
0x9e: {  	_ =	swait.ge [sflag:s22], s20  }
0x9f: {  	s4 =	ssub.s32 $0x0, s20;
	[sflag:s22] =	ssyncset.done $0x0  }
0xa0: {  	[sflag:s22] =	ssyncadd.s32 s4;
	_ =	sdelay $0x1  }
0xa1: {  	s23 =	simm.s32 $0x1B8B  }
0xa2: {  	_ =	swait.ge [sflag:s23], $0x1  }
0xa3: {  	[sflag:s23] =	ssyncset.done $0x0  }
0xa4: {  	s25 =	simm.s32 $0x1B8E;
	s24 =	sld [smem:$0x3FFE];
	[sflag:s23] =	ssyncadd.s32 $0xFFFFFFFF  }
0xa5: {  	s26 =	simm.s32 $execute0_lowered;
	[smem:$0x3FD2] =	sst s25  }
0xa6: {  	s5 =	sshll.u32 s26, $0x1;
	_ =	strace $0x8000004C;
	[dreg:$0x1] =	wrdreg $0xFFFFFFFF  }
0xa7: {  	s28 =	simm.s32 $_size_execute0_lowered;
	s3 =	sadd.s32 s3, s5;
	[dreg:$0x0] =	wrdreg $0x0  }
0xa8: {  	s5 =	sshll.u32 s28, $0x1;
	[dreg:$0x2] =	wrdreg s3  }
0xa9: {  	[dreg:$0x3] =	wrdreg s5  }
0xaa: {  	[dreg:$0x4] =	wrdreg $0xC0  }
0xab: {  	_ =	task [dreg:s7], $0x5FFFF  }
0xac: {  	[dreg:$0x1] =	wrdreg $0xFFFFFFFF  }
0xad: {  	[dreg:$0x0] =	wrdreg $0x60  }
0xae: {  	[dreg:$0x2] =	wrdreg s24  }
0xaf: {  	[dreg:$0x3] =	wrdreg s2  }
0xb0: {  	[dreg:$0x4] =	wrdreg $0x9  }
0xb1: {  	_ =	task.clear_ibuf [dreg:s7], $0x5FFFF;
	_ =	strace $0x9000004C  }
0xb2: {  	s29 =	simm.s32 $0x9;
	_ =	strace $0x8000004E  }
0xb3: {  	_ =	swait.ge [sflag:s29], $0x1  }
0xb4: {  	[sflag:s29] =	ssyncadd.s32 $0xFFFFFFFF  }
0xb5: {  	_ =	strace $0x9000004E  }
0xb6: {  	_ =	sfence  }
0xb7: {  	s30 =	sld [smem:$0x0];
	_ =	sdelay $0x2  }
0xb8: {  	s31 =	sshll.u32 s1, $0xD;
	s1 =	sshrl.u32 s1, $0x2  }
0xb9: {  	s3 =	sand.u32 $0x4000, s31;
	s1 =	sadd.s32 s1, s30  }
0xba: {  	s0 =	sor.u32 s3, s0;
	s1 =	sshll.u32 s1, $0x11  }
0xbb: {  	s0 =	sor.u32 s1, s0  }
0xbc: {  	s0 =	sadd.s32 $0x8F2B, s0  }
0xbd: {  	[sflag:s0] =	ssyncadd.remote.s32 $0x1  }
0xbe: {  	_ =	sfence.sel $0xFFFF  }
0xbf: {  	[dreg:$0x0] =	wrdreg $0xFFFFFFFF;
	(pc) =	sbr.abs _section_cstart, $3  }
0xc0: {  	[dreg:$0x1] =	wrdreg $0xFFFFFFFF  }
0xc1: {  	_ =	task.clear_ibuf [dreg:s7], $0x2FFFF;
	_ =	strace $0x9FFFFFFF  }
0xc2: {  	(tm) =	ssettm $0x7FFFFFFF  }
0xc3: {  	_ =	shalt  }
tec
execute0_lowered:
.L_overlay_start_1:
0x0: {  	(tag) =	ssettag $0x1  }
0x1: {  	s0 =	rddreg [dreg:$0x0]  }
0x2: {  	s1 =	srdreg.scid;
	s2 =	stileid.u32;
	s3 =	simm.s32 $0x0  }
0x3: {  	s16 =	simm.s32 $0x3;
	s17 =	simm.s32 $0x2000;
	s18 =	simm.s32 $0x1  }
0x4: {  	s19 =	simm.s32 $0x4000;
	s20 =	simm.s32 $0x2;
	s21 =	simm.s32 $0x80  }
0x5: {  	s22 =	simm.s32 $0x400;
	s23 =	simm.s32 $0x14080;
	s24 =	simm.s32 $0x0  }
0x6: {  	s1 =	sand.u32 $0x1, s1;
	s4 =	sshll.u32 s2, $0x1;
	[smem:$0x7FF] =	sst s3  }
0x7: {  	s5 =	sshrl.u32 s2, $0x2;
	s12 =	sadd.s32 $0x191A00, s0;
	s14 =	sadd.s32 $0x1A00, s0  }
0x8: {  	s4 =	sor.u32 s1, s4;
	_ =	strace $0x8000004D;
	s7 =	sshll.u32 s5, $0x13  }
0x9: {  	s5 =	sshll.u32 s5, $0xA;
	s1 =	ssub.s32 $0x2, s1;
	s6 =	sshll.u32 s4, $0x7  }
0xa: {  	s10 =	smul.u32 $0xA800, s4;
	s29 =	sshrl.u32 s1, $0x1;
	s6 =	sand.u32 $0x380, s6  }
0xb: {  	s1 =	ssub.s32 s1, s29;
	s7 =	sor.u32 s7, s6;
	s5 =	sor.u32 s5, s6  }
0xc: {  	s30 =	sor.u32 $0x400, s10;
	s4 =	sadd.s32 s12, s10;
	s6 =	sadd.s32 s14, s10  }
0xd: {  	s31 =	sadd.s32 $0x800, s10;
	s15 =	sadd.s32 $0xC00, s10;
	s10 =	smax.u32 s1, $0x1  }
0xe: {  	s7 =	sshrl.u32 s7, $0x3;
	s28 =	sshrl.u32 s5, $0x3;
	s5 =	sadd.s32 s12, s30  }
0xf: {  	s11 =	sadd.s32 s12, s31;
	s12 =	sadd.s32 s12, s15;
	s13 =	sadd.s32 s14, s31  }
0x10: {  	s8 =	sadd.s32 s7, s0;
	s0 =	sadd.s32 s28, s0;
	s7 =	sadd.s32 s14, s30  }
0x11: {  	v0 =	vimm.s32 $0x0;
	v1 =	vimm.s32 $0x1;
	s14 =	sadd.s32 s14, s15;
	s8 =	sadd.s32 $0x2E1A00, s8;
	s9 =	sadd.s32 $0x151E00, s0  }
.LBB2_1:
0x12: {  	s0 =	rddreg [dreg:$0x1];
	s1 =	simm.s32 $0x14000  }
0x13: {  	[tilespmem:s1], [sflag:$0x3] =	stream.linear.gather [hbm4b:s0+s3], $0x80, $0x38;
	[tilespmem:$0x14100] =	vst v63  }
0x14: {  	_ =	swait.ge [sflag:s16], $0x80  }
0x15: {  	[sflag:s16] =	ssyncset.done $0x0  }
0x16: {  	[sflag:s16] =	ssyncadd.s32 $0xFFFFFF80  }
0x17: {  	v2 =	vld [tilespmem:$0x14000];
	_ =	sdelay $0x2  }
0x18: {  	s0 =	simm.s32 $0x40;
	s1 =	simm.s32 $0x0  }
.LBB2_2:
0x19: {  	p0 =	sne.s32 s0, $0x3FFC0;
	[tilespmem:s1+$0x4000] =	vst v0;
	s1 =	smov.u32 s0;
	s0 =	sadd.s32 $0x40, s0  }
.Ltmp0:
0x1a: {  	(pc) =	sbr.rel @p0 .LBB2_2-.Ltmp0, $2  }
0x1b: {  	_ =	sdelay $0x2  }
0x1c: {  	s1 =	sshra.s32 s1, $0x2  }
0x1d: {  	[tilespmem:s1+$0x4000] =	vst v0;
	s25 =	simm.s32 $0x0  }
0x1e: {  	[tilespmem:s25], [sflag:$0x1] =	stream.linear.gather [hbm4b:s4+s25], $0x2000, $0x38;
	[tilespmem:$0x14100] =	vst v63  }
0x1f: {  	s26 =	simm.s32 $0x0  }
0x20: {  	v4 =	vimm.f32 $0.0e+00;
	v3 =	vimm.f32 $+Inf;
	[tilespmem:s17], [sflag:$0x2] =	stream.linear.gather [hbm4b:s5+s25], $0x2000, $0x38;
	[tilespmem:$0x14100] =	vst v63  }
.LBB2_4:
0x21: {  	_ =	swait.ge [sflag:s18], $0x2000;
	s0 =	sand.u32 $0x1800, s25;
	s1 =	sand.u32 $0x400, s25  }
0x22: {  	s28 =	sand.u32 $0x380, s25;
	[sflag:s18] =	ssyncset.done $0x0;
	s0 =	sor.u32 s1, s0  }
0x23: {  	[sflag:s18] =	ssyncadd.s32 $0xFFFFE000;
	s0 =	sor.u32 s28, s0  }
0x24: {  	v5 =	vld [tilespmem:s0+$0x0]  }
0x25: {  	v6 =	vld [tilespmem:s0+$0x10]  }
0x26: {  	v7 =	vld [tilespmem:s0+$0x20]  }
0x27: {  	v9 =	vld [tilespmem:s0+$0x30];
	_ =	sdelay $0x2  }
0x28: {  	v8 =	vshrl.u32 v5, $0x10  }
0x29: {  	v10 =	vand.u32 $0xFFFF, v5;
	v12 =	vshrl.u32 v6, $0x10;
	v13 =	vshrl.u32 v7, $0x10  }
0x2a: {  	v15 =	vshrl.u32 v9, $0x10;
	vm0 =	vgt.s32 v8, v2;
	vm1 =	vgt.s32 v12, v2  }
0x2b: {  	vm6 =	veq.s32 v8, v2;
	v11 =	vnsel vm0, $0x0, v5;
	v5 =	vmin.f32 v3, v5  }
0x2c: {  	vm7 =	veq.s32 v12, v2;
	vm5 =	veq.s32 v13, v2;
	v3 =	vsel vm0, v5, v3  }
0x2d: {  	vm4 =	veq.s32 v15, v2;
	v4 =	vadd.f32 v11, v4;
	v11 =	vld [tilespmem:s0+$0x40];
	v14 =	vmin.f32 v3, v6  }
0x2e: {  	v5 =	vnsel vm1, $0x0, v6;
	vm0 =	vgt.s32 v13, v2;
	v3 =	vsel vm1, v14, v3  }
0x2f: {  	v13 =	vand.u32 $0xFFFF, v6;
	v4 =	vadd.f32 v5, v4;
	v5 =	vld [tilespmem:s0+$0x50];
	v16 =	vmin.f32 v3, v7  }
0x30: {  	v14 =	vnsel vm0, $0x0, v7;
	vm1 =	vgt.s32 v15, v2;
	v3 =	vsel vm0, v16, v3  }
0x31: {  	v15 =	vand.u32 $0xFFFF, v9;
	v4 =	vadd.f32 v14, v4;
	v14 =	vld [tilespmem:s0+$0x60];
	v18 =	vmin.f32 v3, v9  }
0x32: {  	v16 =	vnsel vm1, $0x0, v9;
	v17 =	vshrl.u32 v11, $0x10;
	v3 =	vsel vm1, v18, v3  }
0x33: {  	v4 =	vadd.f32 v16, v4;
	vm0 =	vgt.s32 v17, v2;
	v16 =	vld [tilespmem:s0+$0x70];
	v20 =	vmin.f32 v3, v11  }
0x34: {  	s2 =	simm.s32 $0x400;
	s15 =	simm.s32 $0x80;
	v18 =	vnsel vm0, $0x0, v11;
	v19 =	vshrl.u32 v5, $0x10;
	v3 =	vsel vm0, v20, v3  }
0x35: {  	s1 =	sand.u32 $0x1800, s15;
	s28 =	simm.s32 $0x40;
	s0 =	sand.u32 $0x400, s2;
	v4 =	vadd.f32 v18, v4;
	vm1 =	vgt.s32 v19, v2;
	v21 =	vmin.f32 v3, v5  }
0x36: {  	s28 =	sand.u32 $0x380, s28;
	s0 =	sor.u32 s0, s1;
	v18 =	vnsel vm1, $0x0, v5;
	v20 =	vshrl.u32 v14, $0x10;
	v3 =	vsel vm1, v21, v3  }
0x37: {  	s0 =	sor.u32 s28, s0;
	v4 =	vadd.f32 v18, v4;
	vm0 =	vgt.s32 v20, v2;
	v18 =	vmin.f32 v3, v14  }
0x38: {  	v7 =	vand.u32 $0xFFFF, v7;
	v62 =	vshrl.u32 v16, $0x10;
	v3 =	vsel vm0, v18, v3;
	v18 =	vld [tilespmem:s0+$0x0]  }
0x39: {  	v8 =	vnsel vm0, $0x0, v14;
	vm0 =	vgt.s32 v62, v2;
	v12 =	vmin.f32 v3, v16  }
0x3a: {  	vm3 =	veq.s32 v17, v2;
	v4 =	vadd.f32 v8, v4;
	v12 =	vsel vm0, v12, v3;
	v3 =	vld [tilespmem:s0+$0x10]  }
0x3b: {  	v17 =	vand.u32 $0xFFFF, v11;
	v9 =	vand.u32 $0xFFFF, v14;
	v8 =	vnsel vm0, $0x0, v16  }
0x3c: {  	vm1 =	veq.s32 v20, v2;
	v20 =	vand.u32 $0xFFFF, v5;
	v8 =	vadd.f32 v8, v4;
	v4 =	vld [tilespmem:s0+$0x20]  }
0x3d: {  	v5 =	vand.u32 $0xFFFF, v16;
	v6 =	vshrl.u32 v18, $0x10;
	v16 =	vand.u32 $0xFFFF, v18  }
0x3e: {  	v14 =	vmin.f32 v12, v18;
	vm15 =	veq.s32 v6, v2;
	vm8 =	vgt.s32 v6, v2;
	v6 =	vld [tilespmem:s0+$0x30]  }
0x3f: {  	[tilespmem:v10+s19+$0x0] =	vst.idx.add.s32.msk vm6, v1;
	v10 =	vnsel vm8, $0x0, v18;
	v11 =	vshrl.u32 v3, $0x10;
	v12 =	vsel vm8, v14, v12  }
0x40: {  	v10 =	vadd.f32 v10, v8;
	vm12 =	vgt.s32 v11, v2;
	v8 =	vld [tilespmem:s0+$0x40];
	v18 =	vmin.f32 v12, v3  }
0x41: {  	[tilespmem:v13+s19+$0x0] =	vst.idx.add.s32.msk vm7, v1;
	vm2 =	veq.s32 v19, v2;
	v13 =	vshrl.u32 v4, $0x10;
	v12 =	vsel vm12, v18, v12  }
0x42: {  	[tilespmem:v7+s19+$0x0] =	vst.idx.add.s32.msk vm5, v1;
	vm13 =	vgt.s32 v13, v2;
	v14 =	vnsel vm12, $0x0, v3;
	v19 =	vmin.f32 v12, v4  }
0x43: {  	v7 =	vadd.f32 v14, v10;
	v10 =	vld [tilespmem:s0+$0x50];
	v14 =	vshrl.u32 v6, $0x10;
	v12 =	vsel vm13, v19, v12  }
0x44: {  	[tilespmem:v15+s19+$0x0] =	vst.idx.add.s32.msk vm4, v1;
	v18 =	vnsel vm13, $0x0, v4;
	vm14 =	vgt.s32 v14, v2;
	v19 =	vmin.f32 v12, v6  }
0x45: {  	v18 =	vadd.f32 v18, v7;
	v7 =	vld [tilespmem:s0+$0x60];
	v15 =	vshrl.u32 v8, $0x10;
	v12 =	vsel vm14, v19, v12  }
0x46: {  	[tilespmem:v16+s19+$0x0] =	vst.idx.add.s32.msk vm15, v1;
	v16 =	vnsel vm14, $0x0, v6;
	vm15 =	vgt.s32 v15, v2;
	v63 =	vmin.f32 v12, v8  }
0x47: {  	v18 =	vadd.f32 v16, v18;
	v21 =	vsel vm15, v63, v12;
	v12 =	vld [tilespmem:s0+$0x70]  }
0x48: {  	vm0 =	veq.s32 v62, v2;
	v19 =	vnsel vm15, $0x0, v8;
	v16 =	vshrl.u32 v10, $0x10  }
0x49: {  	[tilespmem:v17+s19+$0x0] =	vst.idx.add.s32.msk vm3, v1;
	v17 =	vadd.f32 v19, v18;
	vm3 =	vgt.s32 v16, v2  }
0x4a: {  	s29 =	simm.s32 $0x80;
	[tilespmem:v20+s19+$0x0] =	vst.idx.add.s32.msk vm2, v1;
	v22 =	vmin.f32 v21, v10;
	v18 =	vnsel vm3, $0x0, v10;
	v19 =	vshrl.u32 v7, $0x10  }
0x4b: {  	s30 =	simm.s32 $0x800;
	s31 =	simm.s32 $0x100;
	s28 =	simm.s32 $0x8;
	v18 =	vadd.f32 v18, v17;
	v17 =	vsel vm3, v22, v21;
	vm2 =	vgt.s32 v19, v2  }
.LBB2_5:
0x4c: {  	s0 =	sand.u32 $0x1800, s31;
	s1 =	sand.u32 $0x400, s30;
	s28 =	sadd.s32 $0x8, s28;
	v20 =	vnsel vm2, $0x0, v7;
	v21 =	vmin.f32 v17, v7;
	v22 =	vshrl.u32 v12, $0x10;
	[tilespmem:v9+s19+$0x0] =	vst.idx.add.s32.msk vm1, v1  }
0x4d: {  	s2 =	sand.u32 $0x380, s29;
	s0 =	sor.u32 s1, s0;
	p0 =	slt.u32 s28, $0x1F8;
	v9 =	vadd.f32 v20, v18;
	v17 =	vsel vm2, v21, v17;
	vm1 =	vgt.s32 v22, v2  }
0x4e: {  	vm6 =	veq.s32 v11, v2;
	s0 =	sor.u32 s2, s0;
	v11 =	vnsel vm1, $0x0, v12;
	v18 =	vmin.f32 v17, v12;
	[tilespmem:v5+s19+$0x0] =	vst.idx.add.s32.msk vm0, v1  }
0x4f: {  	vm5 =	veq.s32 v13, v2;
	v20 =	vld [tilespmem:s0+$0x0];
	v13 =	vadd.f32 v11, v9;
	v17 =	vsel vm1, v18, v17  }
0x50: {  	vm4 =	veq.s32 v14, v2;
	vm3 =	veq.s32 v15, v2;
	vm2 =	veq.s32 v16, v2  }
0x51: {  	v14 =	vand.u32 $0xFFFF, v3;
	vm0 =	veq.s32 v22, v2;
	vm1 =	veq.s32 v19, v2;
	v3 =	vld [tilespmem:s0+$0x10]  }
0x52: {  	v15 =	vand.u32 $0xFFFF, v4;
	v16 =	vand.u32 $0xFFFF, v6;
	v18 =	vand.u32 $0xFFFF, v8  }
0x53: {  	v21 =	vand.u32 $0xFFFF, v10;
	v5 =	vand.u32 $0xFFFF, v12;
	v9 =	vand.u32 $0xFFFF, v7;
	v4 =	vld [tilespmem:s0+$0x20]  }
0x54: {  	v6 =	vshrl.u32 v20, $0x10;
	v12 =	vand.u32 $0xFFFF, v20  }
0x55: {  	vm7 =	veq.s32 v6, v2;
	vm8 =	vgt.s32 v6, v2;
	v6 =	vld [tilespmem:s0+$0x30]  }
0x56: {  	v8 =	vmin.f32 v17, v20;
	v7 =	vnsel vm8, $0x0, v20;
	v11 =	vshrl.u32 v3, $0x10;
	[tilespmem:v14+s19+$0x0] =	vst.idx.add.s32.msk vm6, v1  }
0x57: {  	v10 =	vsel vm8, v8, v17;
	v7 =	vadd.f32 v7, v13;
	vm6 =	vgt.s32 v11, v2;
	v8 =	vld [tilespmem:s0+$0x40]  }
0x58: {  	v17 =	vmin.f32 v10, v3;
	v14 =	vnsel vm6, $0x0, v3;
	v13 =	vshrl.u32 v4, $0x10;
	[tilespmem:v15+s19+$0x0] =	vst.idx.add.s32.msk vm5, v1  }
0x59: {  	v15 =	vsel vm6, v17, v10;
	v7 =	vadd.f32 v14, v7;
	vm5 =	vgt.s32 v13, v2;
	v10 =	vld [tilespmem:s0+$0x50]  }
0x5a: {  	v19 =	vmin.f32 v15, v4;
	v17 =	vnsel vm5, $0x0, v4;
	v14 =	vshrl.u32 v6, $0x10;
	[tilespmem:v16+s19+$0x0] =	vst.idx.add.s32.msk vm4, v1  }
0x5b: {  	v16 =	vadd.f32 v17, v7;
	v17 =	vsel vm5, v19, v15;
	vm4 =	vgt.s32 v14, v2;
	v7 =	vld [tilespmem:s0+$0x60]  }
0x5c: {  	[tilespmem:v12+s19+$0x0] =	vst.idx.add.s32.msk vm7, v1;
	v12 =	vnsel vm4, $0x0, v6;
	v19 =	vmin.f32 v17, v6;
	v15 =	vshrl.u32 v8, $0x10  }
.Ltmp1:
0x5d: {  	v20 =	vadd.f32 v12, v16;
	v17 =	vsel vm4, v19, v17;
	vm4 =	vgt.s32 v15, v2;
	v12 =	vld [tilespmem:s0+$0x70];
	(pc) =	sbr.rel @p0 .LBB2_5-.Ltmp1, $4  }
0x5e: {  	v19 =	vnsel vm4, $0x0, v8;
	v22 =	vmin.f32 v17, v8;
	v16 =	vshrl.u32 v10, $0x10;
	[tilespmem:v18+s19+$0x0] =	vst.idx.add.s32.msk vm3, v1  }
0x5f: {  	v18 =	vadd.f32 v19, v20;
	v17 =	vsel vm4, v22, v17;
	vm3 =	vgt.s32 v16, v2  }
0x60: {  	v20 =	vnsel vm3, $0x0, v10;
	v22 =	vmin.f32 v17, v10;
	v19 =	vshrl.u32 v7, $0x10;
	[tilespmem:v21+s19+$0x0] =	vst.idx.add.s32.msk vm2, v1  }
0x61: {  	s29 =	sadd.s32 $0x40, s29;
	s30 =	sadd.s32 $0x400, s30;
	s31 =	sadd.s32 $0x80, s31;
	v18 =	vadd.f32 v20, v18;
	v17 =	vsel vm3, v22, v17;
	vm2 =	vgt.s32 v19, v2  }
0x62: {  	_ = 	snop  }
0x63: {  	vm3 =	veq.s32 v11, v2  }
0x64: {  	vm4 =	veq.s32 v13, v2;
	v3 =	vand.u32 $0xFFFF, v3  }
0x65: {  	vm5 =	veq.s32 v14, v2;
	v4 =	vand.u32 $0xFFFF, v4  }
0x66: {  	vm6 =	veq.s32 v15, v2;
	v6 =	vand.u32 $0xFFFF, v6  }
0x67: {  	[tilespmem:v9+s19+$0x0] =	vst.idx.add.s32.msk vm1, v1;
	vm1 =	veq.s32 v16, v2;
	v8 =	vand.u32 $0xFFFF, v8  }
0x68: {  	v9 =	vshrl.u32 v12, $0x10;
	[tilespmem:v5+s19+$0x0] =	vst.idx.add.s32.msk vm0, v1;
	vm0 =	veq.s32 v19, v2;
	v5 =	vand.u32 $0xFFFF, v10  }
0x69: {  	v10 =	vand.u32 $0xFFFF, v7;
	vm7 =	veq.s32 v9, v2;
	[tilespmem:v3+s19+$0x0] =	vst.idx.add.s32.msk vm3, v1  }
0x6a: {  	v3 =	vand.u32 $0xFFFF, v12;
	[tilespmem:v4+s19+$0x0] =	vst.idx.add.s32.msk vm4, v1  }
0x6b: {  	[tilespmem:v6+s19+$0x0] =	vst.idx.add.s32.msk vm5, v1  }
0x6c: {  	[tilespmem:v8+s19+$0x0] =	vst.idx.add.s32.msk vm6, v1  }
0x6d: {  	p0 =	seq.s32 s26, $0x14;
	[tilespmem:v5+s19+$0x0] =	vst.idx.add.s32.msk vm1, v1  }
0x6e: {  	s28 =	sshll.u32 @!p0 s26, $0xB;
	[tilespmem:v10+s19+$0x0] =	vst.idx.add.s32.msk vm0, v1  }
0x6f: {  	s1 =	simm.s32 @!p0 $0x0;
	s0 =	sadd.s32 @!p0 s11, s28;
	[tilespmem:v3+s19+$0x0] =	vst.idx.add.s32.msk vm7, v1  }
0x70: {  	[tilespmem:s1], [sflag:$0x1] =	stream.linear.gather @!p0 [hbm4b:s0+s1], $0x2000, $0x38;
	[tilespmem:$0x14100] =	vst v63  }
0x71: {  	s1 =	simm.s32 $0x0  }
0x72: {  	_ =	swait.ge [sflag:s20], $0x2000;
	s15 =	sand.u32 $0x1800, s1;
	s2 =	sand.u32 $0x400, s1  }
0x73: {  	s0 =	sand.u32 $0x380, s1;
	[sflag:s20] =	ssyncset.done $0x0;
	s1 =	sor.u32 s2, s15  }
0x74: {  	[sflag:s20] =	ssyncadd.s32 $0xFFFFE000;
	s0 =	sor.u32 s0, s1  }
0x75: {  	v5 =	vnsel vm2, $0x0, v7;
	v3 =	vld [tilespmem:s0+$0x2000]  }
0x76: {  	vm0 =	vgt.s32 v9, v2;
	v5 =	vadd.f32 v5, v18;
	v4 =	vld [tilespmem:s0+$0x2010]  }
0x77: {  	v6 =	vmin.f32 v17, v7;
	v8 =	vnsel vm0, $0x0, v12;
	v7 =	vld [tilespmem:s0+$0x2020]  }
0x78: {  	v5 =	vadd.f32 v8, v5;
	v8 =	vld [tilespmem:s0+$0x2030]  }
0x79: {  	v6 =	vsel vm2, v6, v17  }
0x7a: {  	v9 =	vmin.f32 v6, v12  }
0x7b: {  	v6 =	vsel vm0, v9, v6  }
0x7c: {  	v10 =	vshrl.u32 v3, $0x10;
	v9 =	vand.u32 $0xFFFF, v3;
	v12 =	vshrl.u32 v4, $0x10  }
0x7d: {  	v13 =	vshrl.u32 v7, $0x10;
	v15 =	vshrl.u32 v8, $0x10;
	vm0 =	vgt.s32 v10, v2  }
0x7e: {  	vm1 =	vgt.s32 v12, v2;
	v11 =	vnsel vm0, $0x0, v3;
	v3 =	vmin.f32 v6, v3  }
0x7f: {  	vm11 =	veq.s32 v10, v2;
	vm12 =	veq.s32 v12, v2;
	v3 =	vsel vm0, v3, v6  }
0x80: {  	vm13 =	veq.s32 v13, v2;
	v5 =	vadd.f32 v11, v5;
	v11 =	vld [tilespmem:s0+$0x2040];
	v14 =	vmin.f32 v3, v4  }
0x81: {  	vm14 =	veq.s32 v15, v2;
	v6 =	vnsel vm1, $0x0, v4;
	v3 =	vsel vm1, v14, v3  }
0x82: {  	vm0 =	vgt.s32 v13, v2;
	v5 =	vadd.f32 v6, v5;
	v6 =	vld [tilespmem:s0+$0x2050];
	v16 =	vmin.f32 v3, v7  }
0x83: {  	v13 =	vand.u32 $0xFFFF, v4;
	v14 =	vnsel vm0, $0x0, v7;
	v3 =	vsel vm0, v16, v3  }
0x84: {  	vm1 =	vgt.s32 v15, v2;
	v5 =	vadd.f32 v14, v5;
	v14 =	vld [tilespmem:s0+$0x2060];
	v18 =	vmin.f32 v3, v8  }
0x85: {  	v16 =	vnsel vm1, $0x0, v8;
	v17 =	vshrl.u32 v11, $0x10;
	v3 =	vsel vm1, v18, v3  }
0x86: {  	v5 =	vadd.f32 v16, v5;
	vm0 =	vgt.s32 v17, v2;
	v16 =	vld [tilespmem:s0+$0x2070];
	v20 =	vmin.f32 v3, v11  }
0x87: {  	s2 =	simm.s32 $0x80;
	s0 =	simm.s32 $0x400;
	v18 =	vnsel vm0, $0x0, v11;
	v19 =	vshrl.u32 v6, $0x10;
	v3 =	vsel vm0, v20, v3  }
0x88: {  	s15 =	simm.s32 $0x40;
	s1 =	sand.u32 $0x1800, s2;
	s0 =	sand.u32 $0x400, s0;
	v5 =	vadd.f32 v18, v5;
	vm1 =	vgt.s32 v19, v2;
	v21 =	vmin.f32 v3, v6  }
0x89: {  	s2 =	sand.u32 $0x380, s15;
	s0 =	sor.u32 s0, s1;
	v18 =	vnsel vm1, $0x0, v6;
	v20 =	vshrl.u32 v14, $0x10;
	v3 =	vsel vm1, v21, v3  }
0x8a: {  	s0 =	sor.u32 s2, s0;
	v5 =	vadd.f32 v18, v5;
	vm0 =	vgt.s32 v20, v2;
	v18 =	vmin.f32 v3, v14  }
0x8b: {  	v15 =	vand.u32 $0xFFFF, v7;
	v62 =	vshrl.u32 v16, $0x10;
	v3 =	vsel vm0, v18, v3;
	v18 =	vld [tilespmem:s0+$0x2000]  }
0x8c: {  	v10 =	vnsel vm0, $0x0, v14;
	vm0 =	vgt.s32 v62, v2;
	v12 =	vmin.f32 v3, v16  }
0x8d: {  	vm3 =	veq.s32 v17, v2;
	v17 =	vand.u32 $0xFFFF, v8;
	v12 =	vsel vm0, v12, v3;
	v3 =	vld [tilespmem:s0+$0x2010]  }
0x8e: {  	vm2 =	veq.s32 v19, v2;
	v19 =	vand.u32 $0xFFFF, v11;
	v5 =	vadd.f32 v10, v5  }
0x8f: {  	[tilespmem:v9+s19+$0x0] =	vst.idx.add.s32.msk vm11, v1;
	v8 =	vand.u32 $0xFFFF, v14;
	vm1 =	veq.s32 v20, v2;
	v10 =	vnsel vm0, $0x0, v16  }
0x90: {  	v4 =	vld [tilespmem:s0+$0x2020];
	v20 =	vand.u32 $0xFFFF, v6;
	v10 =	vadd.f32 v10, v5;
	v6 =	vshrl.u32 v18, $0x10  }
0x91: {  	[tilespmem:v13+s19+$0x0] =	vst.idx.add.s32.msk vm12, v1;
	v5 =	vand.u32 $0xFFFF, v16;
	v9 =	vmin.f32 v12, v18;
	vm8 =	vgt.s32 v6, v2  }
0x92: {  	vm15 =	veq.s32 v6, v2;
	v6 =	vld [tilespmem:s0+$0x2030];
	v7 =	vnsel vm8, $0x0, v18;
	v11 =	vshrl.u32 v3, $0x10  }
0x93: {  	v9 =	vsel vm8, v9, v12;
	v10 =	vadd.f32 v7, v10;
	vm12 =	vgt.s32 v11, v2  }
0x94: {  	v16 =	vand.u32 $0xFFFF, v18;
	v7 =	vld [tilespmem:s0+$0x2040];
	v14 =	vmin.f32 v9, v3;
	v13 =	vnsel vm12, $0x0, v3  }
0x95: {  	v12 =	vshrl.u32 v4, $0x10;
	v10 =	vadd.f32 v13, v10;
	v13 =	vsel vm12, v14, v9  }
0x96: {  	[tilespmem:v15+s19+$0x0] =	vst.idx.add.s32.msk vm13, v1;
	vm13 =	vgt.s32 v12, v2;
	v18 =	vmin.f32 v13, v4  }
0x97: {  	v9 =	vld [tilespmem:s0+$0x2050];
	v14 =	vshrl.u32 v6, $0x10;
	v13 =	vsel vm13, v18, v13  }
0x98: {  	[tilespmem:v17+s19+$0x0] =	vst.idx.add.s32.msk vm14, v1;
	v15 =	vnsel vm13, $0x0, v4;
	vm14 =	vgt.s32 v14, v2;
	v18 =	vmin.f32 v13, v6  }
0x99: {  	v17 =	vadd.f32 v15, v10;
	v10 =	vld [tilespmem:s0+$0x2060];
	v15 =	vshrl.u32 v7, $0x10;
	v13 =	vsel vm14, v18, v13  }
0x9a: {  	[tilespmem:v16+s19+$0x0] =	vst.idx.add.s32.msk vm15, v1;
	v16 =	vnsel vm14, $0x0, v6;
	vm15 =	vgt.s32 v15, v2;
	v63 =	vmin.f32 v13, v7  }
0x9b: {  	v17 =	vadd.f32 v16, v17;
	v21 =	vsel vm15, v63, v13;
	v13 =	vld [tilespmem:s0+$0x2070]  }
0x9c: {  	vm0 =	veq.s32 v62, v2;
	v18 =	vnsel vm15, $0x0, v7;
	v16 =	vshrl.u32 v9, $0x10  }
0x9d: {  	[tilespmem:v19+s19+$0x0] =	vst.idx.add.s32.msk vm3, v1;
	v18 =	vadd.f32 v18, v17;
	vm3 =	vgt.s32 v16, v2  }
0x9e: {  	s29 =	simm.s32 $0x8;
	s30 =	simm.s32 $0x80;
	[tilespmem:v20+s19+$0x0] =	vst.idx.add.s32.msk vm2, v1;
	v19 =	vnsel vm3, $0x0, v9;
	v22 =	vmin.f32 v21, v9;
	v17 =	vshrl.u32 v10, $0x10  }
0x9f: {  	s31 =	simm.s32 $0x800;
	s26 =	sadd.s32 $0x1, s26;
	s0 =	simm.s32 $0x100;
	v19 =	vadd.f32 v19, v18;
	v18 =	vsel vm3, v22, v21;
	vm2 =	vgt.s32 v17, v2  }
.LBB2_7:
0xa0: {  	s1 =	sand.u32 $0x1800, s0;
	s2 =	sand.u32 $0x400, s31;
	s29 =	sadd.s32 $0x8, s29;
	v20 =	vnsel vm2, $0x0, v10;
	v21 =	vmin.f32 v18, v10;
	v22 =	vshrl.u32 v13, $0x10;
	[tilespmem:v8+s19+$0x0] =	vst.idx.add.s32.msk vm1, v1  }
0xa1: {  	s15 =	sand.u32 $0x380, s30;
	s1 =	sor.u32 s2, s1;
	p1 =	slt.u32 s29, $0x1F8;
	v8 =	vadd.f32 v20, v19;
	v18 =	vsel vm2, v21, v18;
	vm1 =	vgt.s32 v22, v2  }
0xa2: {  	vm6 =	veq.s32 v11, v2;
	s1 =	sor.u32 s15, s1;
	v11 =	vnsel vm1, $0x0, v13;
	v19 =	vmin.f32 v18, v13;
	[tilespmem:v5+s19+$0x0] =	vst.idx.add.s32.msk vm0, v1  }
0xa3: {  	vm5 =	veq.s32 v12, v2;
	v20 =	vld [tilespmem:s1+$0x2000];
	v12 =	vadd.f32 v11, v8;
	v18 =	vsel vm1, v19, v18  }
0xa4: {  	vm4 =	veq.s32 v14, v2;
	vm3 =	veq.s32 v15, v2;
	vm2 =	veq.s32 v16, v2  }
0xa5: {  	v14 =	vand.u32 $0xFFFF, v3;
	vm0 =	veq.s32 v22, v2;
	vm1 =	veq.s32 v17, v2;
	v3 =	vld [tilespmem:s1+$0x2010]  }
0xa6: {  	v15 =	vand.u32 $0xFFFF, v4;
	v16 =	vand.u32 $0xFFFF, v6;
	v17 =	vand.u32 $0xFFFF, v7  }
0xa7: {  	v5 =	vand.u32 $0xFFFF, v13;
	v19 =	vand.u32 $0xFFFF, v9;
	v8 =	vand.u32 $0xFFFF, v10;
	v4 =	vld [tilespmem:s1+$0x2020]  }
0xa8: {  	v6 =	vshrl.u32 v20, $0x10;
	v13 =	vand.u32 $0xFFFF, v20  }
0xa9: {  	vm7 =	veq.s32 v6, v2;
	vm8 =	vgt.s32 v6, v2;
	v6 =	vld [tilespmem:s1+$0x2030]  }
0xaa: {  	v9 =	vmin.f32 v18, v20;
	v7 =	vnsel vm8, $0x0, v20;
	v11 =	vshrl.u32 v3, $0x10;
	[tilespmem:v14+s19+$0x0] =	vst.idx.add.s32.msk vm6, v1  }
0xab: {  	v9 =	vsel vm8, v9, v18;
	v10 =	vadd.f32 v7, v12;
	vm6 =	vgt.s32 v11, v2;
	v7 =	vld [tilespmem:s1+$0x2040]  }
0xac: {  	v18 =	vmin.f32 v9, v3;
	v14 =	vnsel vm6, $0x0, v3;
	v12 =	vshrl.u32 v4, $0x10;
	[tilespmem:v15+s19+$0x0] =	vst.idx.add.s32.msk vm5, v1  }
0xad: {  	v15 =	vsel vm6, v18, v9;
	v10 =	vadd.f32 v14, v10;
	vm5 =	vgt.s32 v12, v2;
	v9 =	vld [tilespmem:s1+$0x2050]  }
0xae: {  	v20 =	vmin.f32 v15, v4;
	v18 =	vnsel vm5, $0x0, v4;
	v14 =	vshrl.u32 v6, $0x10;
	[tilespmem:v16+s19+$0x0] =	vst.idx.add.s32.msk vm4, v1  }
0xaf: {  	v16 =	vadd.f32 v18, v10;
	v18 =	vsel vm5, v20, v15;
	vm4 =	vgt.s32 v14, v2;
	v10 =	vld [tilespmem:s1+$0x2060]  }
0xb0: {  	[tilespmem:v13+s19+$0x0] =	vst.idx.add.s32.msk vm7, v1;
	v13 =	vnsel vm4, $0x0, v6;
	v20 =	vmin.f32 v18, v6;
	v15 =	vshrl.u32 v7, $0x10  }
.Ltmp2:
0xb1: {  	v21 =	vadd.f32 v13, v16;
	v18 =	vsel vm4, v20, v18;
	vm4 =	vgt.s32 v15, v2;
	v13 =	vld [tilespmem:s1+$0x2070];
	(pc) =	sbr.rel @p1 .LBB2_7-.Ltmp2, $4  }
0xb2: {  	v20 =	vnsel vm4, $0x0, v7;
	v22 =	vmin.f32 v18, v7;
	v16 =	vshrl.u32 v9, $0x10;
	[tilespmem:v17+s19+$0x0] =	vst.idx.add.s32.msk vm3, v1  }
0xb3: {  	v20 =	vadd.f32 v20, v21;
	v18 =	vsel vm4, v22, v18;
	vm3 =	vgt.s32 v16, v2  }
0xb4: {  	v21 =	vnsel vm3, $0x0, v9;
	v22 =	vmin.f32 v18, v9;
	v17 =	vshrl.u32 v10, $0x10;
	[tilespmem:v19+s19+$0x0] =	vst.idx.add.s32.msk vm2, v1  }
0xb5: {  	s30 =	sadd.s32 $0x40, s30;
	s31 =	sadd.s32 $0x400, s31;
	s0 =	sadd.s32 $0x80, s0;
	v19 =	vadd.f32 v21, v20;
	v18 =	vsel vm3, v22, v18;
	vm2 =	vgt.s32 v17, v2  }
0xb6: {  	_ = 	snop  }
0xb7: {  	vm3 =	veq.s32 v11, v2  }
0xb8: {  	vm4 =	veq.s32 v12, v2;
	v3 =	vand.u32 $0xFFFF, v3  }
0xb9: {  	vm5 =	veq.s32 v14, v2;
	v4 =	vand.u32 $0xFFFF, v4  }
0xba: {  	vm6 =	veq.s32 v15, v2;
	v6 =	vand.u32 $0xFFFF, v6  }
0xbb: {  	[tilespmem:v8+s19+$0x0] =	vst.idx.add.s32.msk vm1, v1;
	vm12 =	veq.s32 v16, v2;
	v7 =	vand.u32 $0xFFFF, v7;
	v62 =	vshrl.u32 v13, $0x10  }
0xbc: {  	[tilespmem:v5+s19+$0x0] =	vst.idx.add.s32.msk vm0, v1;
	v5 =	vand.u32 $0xFFFF, v9;
	vm14 =	veq.s32 v62, v2  }
0xbd: {  	vm13 =	veq.s32 v17, v2;
	v63 =	vand.u32 $0xFFFF, v13;
	[tilespmem:v3+s19+$0x0] =	vst.idx.add.s32.msk vm3, v1  }
0xbe: {  	v3 =	vand.u32 $0xFFFF, v10;
	[tilespmem:v4+s19+$0x0] =	vst.idx.add.s32.msk vm4, v1  }
0xbf: {  	[tilespmem:v6+s19+$0x0] =	vst.idx.add.s32.msk vm5, v1  }
0xc0: {  	[tilespmem:v7+s19+$0x0] =	vst.idx.add.s32.msk vm6, v1  }
0xc1: {  	[tilespmem:v5+s19+$0x0] =	vst.idx.add.s32.msk vm12, v1  }
0xc2: {  	s0 =	sadd.s32 @!p0 s12, s28;
	[tilespmem:v63+s19+$0x0] =	vst.idx.add.s32.msk vm14, v1  }
0xc3: {  	s1 =	simm.s32 @!p0 $0x0;
	s2 =	simm.s32 @!p0 $0x2000;
	p1 =	sne.s32 @!p0 s26, $0x15;
	[tilespmem:v3+s19+$0x0] =	vst.idx.add.s32.msk vm13, v1  }
0xc4: {  	[tilespmem:s2], [sflag:$0x2] =	stream.linear.gather @!p0 [hbm4b:s0+s1], $0x2000, $0x38;
	[tilespmem:$0x14100] =	vst v63  }
0xc5: {  	p0 =	por p0, !p1  }
.Ltmp3:
0xc6: {  	_ = 	snop;
	(pc) =	sbr.rel @!p0 .LBB2_4-.Ltmp3, $4  }
0xc7: {  	v4 =	vmin.f32 v18, v10;
	v3 =	vnsel vm2, $0x0, v10  }
0xc8: {  	vm15 =	vgt.s32 v62, v2;
	v5 =	vsel vm2, v4, v18;
	v3 =	vadd.f32 v3, v19  }
0xc9: {  	v4 =	vnsel vm15, $0x0, v13;
	v6 =	vmin.f32 v5, v13  }
0xca: {  	v4 =	vadd.f32 v4, v3;
	v3 =	vsel vm15, v6, v5  }
0xcb: {  	s25 =	simm.s32 $0x0  }
0xcc: {  	[tilespmem:s25], [sflag:$0x1] =	stream.linear.gather [hbm4b:s6+s25], $0x2000, $0x38;
	[tilespmem:$0x14100] =	vst v63  }
0xcd: {  	s26 =	simm.s32 $0x0  }
0xce: {  	[tilespmem:s17], [sflag:$0x2] =	stream.linear.gather [hbm4b:s7+s25], $0x2000, $0x38;
	[tilespmem:$0x14100] =	vst v63  }
.LBB2_10:
0xcf: {  	_ =	swait.ge [sflag:s18], $0x2000;
	s0 =	sand.u32 $0x1800, s25;
	s1 =	sand.u32 $0x400, s25  }
0xd0: {  	s2 =	sand.u32 $0x380, s25;
	[sflag:s18] =	ssyncset.done $0x0;
	s0 =	sor.u32 s1, s0  }
0xd1: {  	[sflag:s18] =	ssyncadd.s32 $0xFFFFE000;
	s0 =	sor.u32 s2, s0  }
0xd2: {  	v5 =	vld [tilespmem:s0+$0x0]  }
0xd3: {  	v6 =	vld [tilespmem:s0+$0x10]  }
0xd4: {  	v7 =	vld [tilespmem:s0+$0x20]  }
0xd5: {  	v9 =	vld [tilespmem:s0+$0x30];
	_ =	sdelay $0x2  }
0xd6: {  	v8 =	vshrl.u32 v5, $0x10  }
0xd7: {  	v10 =	vand.u32 $0xFFFF, v5;
	v12 =	vshrl.u32 v6, $0x10;
	v13 =	vshrl.u32 v7, $0x10  }
0xd8: {  	v15 =	vshrl.u32 v9, $0x10;
	vm0 =	vgt.s32 v8, v2;
	vm1 =	vgt.s32 v12, v2  }
0xd9: {  	vm6 =	veq.s32 v8, v2;
	v11 =	vnsel vm0, $0x0, v5;
	v5 =	vmin.f32 v3, v5  }
0xda: {  	vm7 =	veq.s32 v12, v2;
	vm5 =	veq.s32 v13, v2;
	v3 =	vsel vm0, v5, v3  }
0xdb: {  	vm4 =	veq.s32 v15, v2;
	v4 =	vadd.f32 v11, v4;
	v11 =	vld [tilespmem:s0+$0x40];
	v14 =	vmin.f32 v3, v6  }
0xdc: {  	v5 =	vnsel vm1, $0x0, v6;
	vm0 =	vgt.s32 v13, v2;
	v3 =	vsel vm1, v14, v3  }
0xdd: {  	v13 =	vand.u32 $0xFFFF, v6;
	v4 =	vadd.f32 v5, v4;
	v5 =	vld [tilespmem:s0+$0x50];
	v16 =	vmin.f32 v3, v7  }
0xde: {  	v14 =	vnsel vm0, $0x0, v7;
	vm1 =	vgt.s32 v15, v2;
	v3 =	vsel vm0, v16, v3  }
0xdf: {  	v15 =	vand.u32 $0xFFFF, v9;
	v4 =	vadd.f32 v14, v4;
	v14 =	vld [tilespmem:s0+$0x60];
	v18 =	vmin.f32 v3, v9  }
0xe0: {  	v16 =	vnsel vm1, $0x0, v9;
	v17 =	vshrl.u32 v11, $0x10;
	v3 =	vsel vm1, v18, v3  }
0xe1: {  	v4 =	vadd.f32 v16, v4;
	vm0 =	vgt.s32 v17, v2;
	v16 =	vld [tilespmem:s0+$0x70];
	v20 =	vmin.f32 v3, v11  }
0xe2: {  	s15 =	simm.s32 $0x80;
	s2 =	simm.s32 $0x400;
	v18 =	vnsel vm0, $0x0, v11;
	v19 =	vshrl.u32 v5, $0x10;
	v3 =	vsel vm0, v20, v3  }
0xe3: {  	s31 =	simm.s32 $0x40;
	s1 =	sand.u32 $0x1800, s15;
	s0 =	sand.u32 $0x400, s2;
	v4 =	vadd.f32 v18, v4;
	vm1 =	vgt.s32 v19, v2;
	v21 =	vmin.f32 v3, v5  }
0xe4: {  	s2 =	sand.u32 $0x380, s31;
	s0 =	sor.u32 s0, s1;
	v18 =	vnsel vm1, $0x0, v5;
	v20 =	vshrl.u32 v14, $0x10;
	v3 =	vsel vm1, v21, v3  }
0xe5: {  	s0 =	sor.u32 s2, s0;
	v4 =	vadd.f32 v18, v4;
	vm0 =	vgt.s32 v20, v2;
	v18 =	vmin.f32 v3, v14  }
0xe6: {  	v7 =	vand.u32 $0xFFFF, v7;
	v62 =	vshrl.u32 v16, $0x10;
	v3 =	vsel vm0, v18, v3;
	v18 =	vld [tilespmem:s0+$0x0]  }
0xe7: {  	v8 =	vnsel vm0, $0x0, v14;
	vm0 =	vgt.s32 v62, v2;
	v12 =	vmin.f32 v3, v16  }
0xe8: {  	vm3 =	veq.s32 v17, v2;
	v4 =	vadd.f32 v8, v4;
	v12 =	vsel vm0, v12, v3;
	v3 =	vld [tilespmem:s0+$0x10]  }
0xe9: {  	v17 =	vand.u32 $0xFFFF, v11;
	v9 =	vand.u32 $0xFFFF, v14;
	v8 =	vnsel vm0, $0x0, v16  }
0xea: {  	vm1 =	veq.s32 v20, v2;
	v20 =	vand.u32 $0xFFFF, v5;
	v8 =	vadd.f32 v8, v4;
	v4 =	vld [tilespmem:s0+$0x20]  }
0xeb: {  	v5 =	vand.u32 $0xFFFF, v16;
	v6 =	vshrl.u32 v18, $0x10;
	v16 =	vand.u32 $0xFFFF, v18  }
0xec: {  	v14 =	vmin.f32 v12, v18;
	vm15 =	veq.s32 v6, v2;
	vm8 =	vgt.s32 v6, v2;
	v6 =	vld [tilespmem:s0+$0x30]  }
0xed: {  	[tilespmem:v10+s19+$0x0] =	vst.idx.add.s32.msk vm6, v1;
	v10 =	vnsel vm8, $0x0, v18;
	v11 =	vshrl.u32 v3, $0x10;
	v12 =	vsel vm8, v14, v12  }
0xee: {  	v10 =	vadd.f32 v10, v8;
	vm12 =	vgt.s32 v11, v2;
	v8 =	vld [tilespmem:s0+$0x40];
	v18 =	vmin.f32 v12, v3  }
0xef: {  	[tilespmem:v13+s19+$0x0] =	vst.idx.add.s32.msk vm7, v1;
	vm2 =	veq.s32 v19, v2;
	v13 =	vshrl.u32 v4, $0x10;
	v12 =	vsel vm12, v18, v12  }
0xf0: {  	[tilespmem:v7+s19+$0x0] =	vst.idx.add.s32.msk vm5, v1;
	vm13 =	vgt.s32 v13, v2;
	v14 =	vnsel vm12, $0x0, v3;
	v19 =	vmin.f32 v12, v4  }
0xf1: {  	v7 =	vadd.f32 v14, v10;
	v10 =	vld [tilespmem:s0+$0x50];
	v14 =	vshrl.u32 v6, $0x10;
	v12 =	vsel vm13, v19, v12  }
0xf2: {  	[tilespmem:v15+s19+$0x0] =	vst.idx.add.s32.msk vm4, v1;
	v18 =	vnsel vm13, $0x0, v4;
	vm14 =	vgt.s32 v14, v2;
	v19 =	vmin.f32 v12, v6  }
0xf3: {  	v18 =	vadd.f32 v18, v7;
	v7 =	vld [tilespmem:s0+$0x60];
	v15 =	vshrl.u32 v8, $0x10;
	v12 =	vsel vm14, v19, v12  }
0xf4: {  	[tilespmem:v16+s19+$0x0] =	vst.idx.add.s32.msk vm15, v1;
	v16 =	vnsel vm14, $0x0, v6;
	vm15 =	vgt.s32 v15, v2;
	v63 =	vmin.f32 v12, v8  }
0xf5: {  	v18 =	vadd.f32 v16, v18;
	v21 =	vsel vm15, v63, v12;
	v12 =	vld [tilespmem:s0+$0x70]  }
0xf6: {  	vm0 =	veq.s32 v62, v2;
	v19 =	vnsel vm15, $0x0, v8;
	v16 =	vshrl.u32 v10, $0x10  }
0xf7: {  	[tilespmem:v17+s19+$0x0] =	vst.idx.add.s32.msk vm3, v1;
	v17 =	vadd.f32 v19, v18;
	vm3 =	vgt.s32 v16, v2  }
0xf8: {  	s28 =	simm.s32 $0x8;
	[tilespmem:v20+s19+$0x0] =	vst.idx.add.s32.msk vm2, v1;
	v22 =	vmin.f32 v21, v10;
	v18 =	vnsel vm3, $0x0, v10;
	v19 =	vshrl.u32 v7, $0x10  }
0xf9: {  	s29 =	simm.s32 $0x80;
	s30 =	simm.s32 $0x800;
	s0 =	simm.s32 $0x100;
	v18 =	vadd.f32 v18, v17;
	v17 =	vsel vm3, v22, v21;
	vm2 =	vgt.s32 v19, v2  }
.LBB2_11:
0xfa: {  	s1 =	sand.u32 $0x1800, s0;
	s2 =	sand.u32 $0x400, s30;
	s28 =	sadd.s32 $0x8, s28;
	v20 =	vnsel vm2, $0x0, v7;
	v21 =	vmin.f32 v17, v7;
	v22 =	vshrl.u32 v12, $0x10;
	[tilespmem:v9+s19+$0x0] =	vst.idx.add.s32.msk vm1, v1  }
0xfb: {  	s15 =	sand.u32 $0x380, s29;
	s1 =	sor.u32 s2, s1;
	p0 =	slt.u32 s28, $0x1F8;
	v9 =	vadd.f32 v20, v18;
	v17 =	vsel vm2, v21, v17;
	vm1 =	vgt.s32 v22, v2  }
0xfc: {  	vm6 =	veq.s32 v11, v2;
	s1 =	sor.u32 s15, s1;
	v11 =	vnsel vm1, $0x0, v12;
	v18 =	vmin.f32 v17, v12;
	[tilespmem:v5+s19+$0x0] =	vst.idx.add.s32.msk vm0, v1  }
0xfd: {  	vm5 =	veq.s32 v13, v2;
	v20 =	vld [tilespmem:s1+$0x0];
	v13 =	vadd.f32 v11, v9;
	v17 =	vsel vm1, v18, v17  }
0xfe: {  	vm4 =	veq.s32 v14, v2;
	vm3 =	veq.s32 v15, v2;
	vm2 =	veq.s32 v16, v2  }
0xff: {  	v14 =	vand.u32 $0xFFFF, v3;
	vm0 =	veq.s32 v22, v2;
	vm1 =	veq.s32 v19, v2;
	v3 =	vld [tilespmem:s1+$0x10]  }
0x100: {  	v15 =	vand.u32 $0xFFFF, v4;
	v16 =	vand.u32 $0xFFFF, v6;
	v18 =	vand.u32 $0xFFFF, v8  }
0x101: {  	v21 =	vand.u32 $0xFFFF, v10;
	v5 =	vand.u32 $0xFFFF, v12;
	v9 =	vand.u32 $0xFFFF, v7;
	v4 =	vld [tilespmem:s1+$0x20]  }
0x102: {  	v6 =	vshrl.u32 v20, $0x10;
	v12 =	vand.u32 $0xFFFF, v20  }
0x103: {  	vm7 =	veq.s32 v6, v2;
	vm8 =	vgt.s32 v6, v2;
	v6 =	vld [tilespmem:s1+$0x30]  }
0x104: {  	v8 =	vmin.f32 v17, v20;
	v7 =	vnsel vm8, $0x0, v20;
	v11 =	vshrl.u32 v3, $0x10;
	[tilespmem:v14+s19+$0x0] =	vst.idx.add.s32.msk vm6, v1  }
0x105: {  	v10 =	vsel vm8, v8, v17;
	v7 =	vadd.f32 v7, v13;
	vm6 =	vgt.s32 v11, v2;
	v8 =	vld [tilespmem:s1+$0x40]  }
0x106: {  	v17 =	vmin.f32 v10, v3;
	v14 =	vnsel vm6, $0x0, v3;
	v13 =	vshrl.u32 v4, $0x10;
	[tilespmem:v15+s19+$0x0] =	vst.idx.add.s32.msk vm5, v1  }
0x107: {  	v15 =	vsel vm6, v17, v10;
	v7 =	vadd.f32 v14, v7;
	vm5 =	vgt.s32 v13, v2;
	v10 =	vld [tilespmem:s1+$0x50]  }
0x108: {  	v19 =	vmin.f32 v15, v4;
	v17 =	vnsel vm5, $0x0, v4;
	v14 =	vshrl.u32 v6, $0x10;
	[tilespmem:v16+s19+$0x0] =	vst.idx.add.s32.msk vm4, v1  }
0x109: {  	v16 =	vadd.f32 v17, v7;
	v17 =	vsel vm5, v19, v15;
	vm4 =	vgt.s32 v14, v2;
	v7 =	vld [tilespmem:s1+$0x60]  }
0x10a: {  	[tilespmem:v12+s19+$0x0] =	vst.idx.add.s32.msk vm7, v1;
	v12 =	vnsel vm4, $0x0, v6;
	v19 =	vmin.f32 v17, v6;
	v15 =	vshrl.u32 v8, $0x10  }
.Ltmp4:
0x10b: {  	v20 =	vadd.f32 v12, v16;
	v17 =	vsel vm4, v19, v17;
	vm4 =	vgt.s32 v15, v2;
	v12 =	vld [tilespmem:s1+$0x70];
	(pc) =	sbr.rel @p0 .LBB2_11-.Ltmp4, $4  }
0x10c: {  	v19 =	vnsel vm4, $0x0, v8;
	v22 =	vmin.f32 v17, v8;
	v16 =	vshrl.u32 v10, $0x10;
	[tilespmem:v18+s19+$0x0] =	vst.idx.add.s32.msk vm3, v1  }
0x10d: {  	v18 =	vadd.f32 v19, v20;
	v17 =	vsel vm4, v22, v17;
	vm3 =	vgt.s32 v16, v2  }
0x10e: {  	v20 =	vnsel vm3, $0x0, v10;
	v22 =	vmin.f32 v17, v10;
	v19 =	vshrl.u32 v7, $0x10;
	[tilespmem:v21+s19+$0x0] =	vst.idx.add.s32.msk vm2, v1  }
0x10f: {  	s29 =	sadd.s32 $0x40, s29;
	s30 =	sadd.s32 $0x400, s30;
	s0 =	sadd.s32 $0x80, s0;
	v18 =	vadd.f32 v20, v18;
	v17 =	vsel vm3, v22, v17;
	vm2 =	vgt.s32 v19, v2  }
0x110: {  	_ = 	snop  }
0x111: {  	vm3 =	veq.s32 v11, v2  }
0x112: {  	vm4 =	veq.s32 v13, v2;
	v3 =	vand.u32 $0xFFFF, v3  }
0x113: {  	vm5 =	veq.s32 v14, v2;
	v4 =	vand.u32 $0xFFFF, v4  }
0x114: {  	vm6 =	veq.s32 v15, v2;
	v6 =	vand.u32 $0xFFFF, v6  }
0x115: {  	[tilespmem:v9+s19+$0x0] =	vst.idx.add.s32.msk vm1, v1;
	vm1 =	veq.s32 v16, v2;
	v8 =	vand.u32 $0xFFFF, v8  }
0x116: {  	v9 =	vshrl.u32 v12, $0x10;
	[tilespmem:v5+s19+$0x0] =	vst.idx.add.s32.msk vm0, v1;
	vm0 =	veq.s32 v19, v2;
	v5 =	vand.u32 $0xFFFF, v10  }
0x117: {  	v10 =	vand.u32 $0xFFFF, v7;
	vm7 =	veq.s32 v9, v2;
	[tilespmem:v3+s19+$0x0] =	vst.idx.add.s32.msk vm3, v1  }
0x118: {  	v3 =	vand.u32 $0xFFFF, v12;
	[tilespmem:v4+s19+$0x0] =	vst.idx.add.s32.msk vm4, v1  }
0x119: {  	[tilespmem:v6+s19+$0x0] =	vst.idx.add.s32.msk vm5, v1  }
0x11a: {  	[tilespmem:v8+s19+$0x0] =	vst.idx.add.s32.msk vm6, v1  }
0x11b: {  	p0 =	seq.s32 s26, $0x14;
	[tilespmem:v5+s19+$0x0] =	vst.idx.add.s32.msk vm1, v1  }
0x11c: {  	s28 =	sshll.u32 @!p0 s26, $0xB;
	[tilespmem:v10+s19+$0x0] =	vst.idx.add.s32.msk vm0, v1  }
0x11d: {  	s1 =	simm.s32 @!p0 $0x0;
	s0 =	sadd.s32 @!p0 s13, s28;
	[tilespmem:v3+s19+$0x0] =	vst.idx.add.s32.msk vm7, v1  }
0x11e: {  	[tilespmem:s1], [sflag:$0x1] =	stream.linear.gather @!p0 [hbm4b:s0+s1], $0x2000, $0x38;
	[tilespmem:$0x14100] =	vst v63  }
0x11f: {  	s1 =	simm.s32 $0x0  }
0x120: {  	_ =	swait.ge [sflag:s20], $0x2000;
	s15 =	sand.u32 $0x1800, s1;
	s2 =	sand.u32 $0x400, s1  }
0x121: {  	s0 =	sand.u32 $0x380, s1;
	[sflag:s20] =	ssyncset.done $0x0;
	s1 =	sor.u32 s2, s15  }
0x122: {  	[sflag:s20] =	ssyncadd.s32 $0xFFFFE000;
	s0 =	sor.u32 s0, s1  }
0x123: {  	v5 =	vnsel vm2, $0x0, v7;
	v3 =	vld [tilespmem:s0+$0x2000]  }
0x124: {  	vm0 =	vgt.s32 v9, v2;
	v5 =	vadd.f32 v5, v18;
	v4 =	vld [tilespmem:s0+$0x2010]  }
0x125: {  	v6 =	vmin.f32 v17, v7;
	v8 =	vnsel vm0, $0x0, v12;
	v7 =	vld [tilespmem:s0+$0x2020]  }
0x126: {  	v5 =	vadd.f32 v8, v5;
	v8 =	vld [tilespmem:s0+$0x2030]  }
0x127: {  	v6 =	vsel vm2, v6, v17  }
0x128: {  	v9 =	vmin.f32 v6, v12  }
0x129: {  	v6 =	vsel vm0, v9, v6  }
0x12a: {  	v10 =	vshrl.u32 v3, $0x10;
	v9 =	vand.u32 $0xFFFF, v3;
	v12 =	vshrl.u32 v4, $0x10  }
0x12b: {  	v13 =	vshrl.u32 v7, $0x10;
	v15 =	vshrl.u32 v8, $0x10;
	vm0 =	vgt.s32 v10, v2  }
0x12c: {  	vm1 =	vgt.s32 v12, v2;
	v11 =	vnsel vm0, $0x0, v3;
	v3 =	vmin.f32 v6, v3  }
0x12d: {  	vm11 =	veq.s32 v10, v2;
	vm12 =	veq.s32 v12, v2;
	v3 =	vsel vm0, v3, v6  }
0x12e: {  	vm13 =	veq.s32 v13, v2;
	v5 =	vadd.f32 v11, v5;
	v11 =	vld [tilespmem:s0+$0x2040];
	v14 =	vmin.f32 v3, v4  }
0x12f: {  	vm14 =	veq.s32 v15, v2;
	v6 =	vnsel vm1, $0x0, v4;
	v3 =	vsel vm1, v14, v3  }
0x130: {  	vm0 =	vgt.s32 v13, v2;
	v5 =	vadd.f32 v6, v5;
	v6 =	vld [tilespmem:s0+$0x2050];
	v16 =	vmin.f32 v3, v7  }
0x131: {  	v13 =	vand.u32 $0xFFFF, v4;
	v14 =	vnsel vm0, $0x0, v7;
	v3 =	vsel vm0, v16, v3  }
0x132: {  	vm1 =	vgt.s32 v15, v2;
	v5 =	vadd.f32 v14, v5;
	v14 =	vld [tilespmem:s0+$0x2060];
	v18 =	vmin.f32 v3, v8  }
0x133: {  	v16 =	vnsel vm1, $0x0, v8;
	v17 =	vshrl.u32 v11, $0x10;
	v3 =	vsel vm1, v18, v3  }
0x134: {  	v5 =	vadd.f32 v16, v5;
	vm0 =	vgt.s32 v17, v2;
	v16 =	vld [tilespmem:s0+$0x2070];
	v20 =	vmin.f32 v3, v11  }
0x135: {  	s2 =	simm.s32 $0x80;
	s0 =	simm.s32 $0x400;
	v18 =	vnsel vm0, $0x0, v11;
	v19 =	vshrl.u32 v6, $0x10;
	v3 =	vsel vm0, v20, v3  }
0x136: {  	s15 =	simm.s32 $0x40;
	s1 =	sand.u32 $0x1800, s2;
	s0 =	sand.u32 $0x400, s0;
	v5 =	vadd.f32 v18, v5;
	vm1 =	vgt.s32 v19, v2;
	v21 =	vmin.f32 v3, v6  }
0x137: {  	s2 =	sand.u32 $0x380, s15;
	s0 =	sor.u32 s0, s1;
	v18 =	vnsel vm1, $0x0, v6;
	v20 =	vshrl.u32 v14, $0x10;
	v3 =	vsel vm1, v21, v3  }
0x138: {  	s0 =	sor.u32 s2, s0;
	v5 =	vadd.f32 v18, v5;
	vm0 =	vgt.s32 v20, v2;
	v18 =	vmin.f32 v3, v14  }
0x139: {  	v15 =	vand.u32 $0xFFFF, v7;
	v62 =	vshrl.u32 v16, $0x10;
	v3 =	vsel vm0, v18, v3;
	v18 =	vld [tilespmem:s0+$0x2000]  }
0x13a: {  	v10 =	vnsel vm0, $0x0, v14;
	vm0 =	vgt.s32 v62, v2;
	v12 =	vmin.f32 v3, v16  }
0x13b: {  	vm3 =	veq.s32 v17, v2;
	v17 =	vand.u32 $0xFFFF, v8;
	v12 =	vsel vm0, v12, v3;
	v3 =	vld [tilespmem:s0+$0x2010]  }
0x13c: {  	vm2 =	veq.s32 v19, v2;
	v19 =	vand.u32 $0xFFFF, v11;
	v5 =	vadd.f32 v10, v5  }
0x13d: {  	[tilespmem:v9+s19+$0x0] =	vst.idx.add.s32.msk vm11, v1;
	v8 =	vand.u32 $0xFFFF, v14;
	vm1 =	veq.s32 v20, v2;
	v10 =	vnsel vm0, $0x0, v16  }
0x13e: {  	v4 =	vld [tilespmem:s0+$0x2020];
	v20 =	vand.u32 $0xFFFF, v6;
	v10 =	vadd.f32 v10, v5;
	v6 =	vshrl.u32 v18, $0x10  }
0x13f: {  	[tilespmem:v13+s19+$0x0] =	vst.idx.add.s32.msk vm12, v1;
	v5 =	vand.u32 $0xFFFF, v16;
	v9 =	vmin.f32 v12, v18;
	vm8 =	vgt.s32 v6, v2  }
0x140: {  	vm15 =	veq.s32 v6, v2;
	v6 =	vld [tilespmem:s0+$0x2030];
	v7 =	vnsel vm8, $0x0, v18;
	v11 =	vshrl.u32 v3, $0x10  }
0x141: {  	v9 =	vsel vm8, v9, v12;
	v10 =	vadd.f32 v7, v10;
	vm12 =	vgt.s32 v11, v2  }
0x142: {  	v16 =	vand.u32 $0xFFFF, v18;
	v7 =	vld [tilespmem:s0+$0x2040];
	v14 =	vmin.f32 v9, v3;
	v13 =	vnsel vm12, $0x0, v3  }
0x143: {  	v12 =	vshrl.u32 v4, $0x10;
	v10 =	vadd.f32 v13, v10;
	v13 =	vsel vm12, v14, v9  }
0x144: {  	[tilespmem:v15+s19+$0x0] =	vst.idx.add.s32.msk vm13, v1;
	vm13 =	vgt.s32 v12, v2;
	v18 =	vmin.f32 v13, v4  }
0x145: {  	v9 =	vld [tilespmem:s0+$0x2050];
	v14 =	vshrl.u32 v6, $0x10;
	v13 =	vsel vm13, v18, v13  }
0x146: {  	[tilespmem:v17+s19+$0x0] =	vst.idx.add.s32.msk vm14, v1;
	v15 =	vnsel vm13, $0x0, v4;
	vm14 =	vgt.s32 v14, v2;
	v18 =	vmin.f32 v13, v6  }
0x147: {  	v17 =	vadd.f32 v15, v10;
	v10 =	vld [tilespmem:s0+$0x2060];
	v15 =	vshrl.u32 v7, $0x10;
	v13 =	vsel vm14, v18, v13  }
0x148: {  	[tilespmem:v16+s19+$0x0] =	vst.idx.add.s32.msk vm15, v1;
	v16 =	vnsel vm14, $0x0, v6;
	vm15 =	vgt.s32 v15, v2;
	v63 =	vmin.f32 v13, v7  }
0x149: {  	v17 =	vadd.f32 v16, v17;
	v21 =	vsel vm15, v63, v13;
	v13 =	vld [tilespmem:s0+$0x2070]  }
0x14a: {  	vm0 =	veq.s32 v62, v2;
	v18 =	vnsel vm15, $0x0, v7;
	v16 =	vshrl.u32 v9, $0x10  }
0x14b: {  	[tilespmem:v19+s19+$0x0] =	vst.idx.add.s32.msk vm3, v1;
	v18 =	vadd.f32 v18, v17;
	vm3 =	vgt.s32 v16, v2  }
0x14c: {  	s29 =	simm.s32 $0x8;
	s30 =	simm.s32 $0x80;
	[tilespmem:v20+s19+$0x0] =	vst.idx.add.s32.msk vm2, v1;
	v19 =	vnsel vm3, $0x0, v9;
	v22 =	vmin.f32 v21, v9;
	v17 =	vshrl.u32 v10, $0x10  }
0x14d: {  	s31 =	simm.s32 $0x800;
	s26 =	sadd.s32 $0x1, s26;
	s0 =	simm.s32 $0x100;
	v19 =	vadd.f32 v19, v18;
	v18 =	vsel vm3, v22, v21;
	vm2 =	vgt.s32 v17, v2  }
.LBB2_13:
0x14e: {  	s1 =	sand.u32 $0x1800, s0;
	s2 =	sand.u32 $0x400, s31;
	s29 =	sadd.s32 $0x8, s29;
	v20 =	vnsel vm2, $0x0, v10;
	v21 =	vmin.f32 v18, v10;
	v22 =	vshrl.u32 v13, $0x10;
	[tilespmem:v8+s19+$0x0] =	vst.idx.add.s32.msk vm1, v1  }
0x14f: {  	s15 =	sand.u32 $0x380, s30;
	s1 =	sor.u32 s2, s1;
	p1 =	slt.u32 s29, $0x1F8;
	v8 =	vadd.f32 v20, v19;
	v18 =	vsel vm2, v21, v18;
	vm1 =	vgt.s32 v22, v2  }
0x150: {  	vm6 =	veq.s32 v11, v2;
	s1 =	sor.u32 s15, s1;
	v11 =	vnsel vm1, $0x0, v13;
	v19 =	vmin.f32 v18, v13;
	[tilespmem:v5+s19+$0x0] =	vst.idx.add.s32.msk vm0, v1  }
0x151: {  	vm5 =	veq.s32 v12, v2;
	v20 =	vld [tilespmem:s1+$0x2000];
	v12 =	vadd.f32 v11, v8;
	v18 =	vsel vm1, v19, v18  }
0x152: {  	vm4 =	veq.s32 v14, v2;
	vm3 =	veq.s32 v15, v2;
	vm2 =	veq.s32 v16, v2  }
0x153: {  	v14 =	vand.u32 $0xFFFF, v3;
	vm0 =	veq.s32 v22, v2;
	vm1 =	veq.s32 v17, v2;
	v3 =	vld [tilespmem:s1+$0x2010]  }
0x154: {  	v15 =	vand.u32 $0xFFFF, v4;
	v16 =	vand.u32 $0xFFFF, v6;
	v17 =	vand.u32 $0xFFFF, v7  }
0x155: {  	v5 =	vand.u32 $0xFFFF, v13;
	v19 =	vand.u32 $0xFFFF, v9;
	v8 =	vand.u32 $0xFFFF, v10;
	v4 =	vld [tilespmem:s1+$0x2020]  }
0x156: {  	v6 =	vshrl.u32 v20, $0x10;
	v13 =	vand.u32 $0xFFFF, v20  }
0x157: {  	vm7 =	veq.s32 v6, v2;
	vm8 =	vgt.s32 v6, v2;
	v6 =	vld [tilespmem:s1+$0x2030]  }
0x158: {  	v9 =	vmin.f32 v18, v20;
	v7 =	vnsel vm8, $0x0, v20;
	v11 =	vshrl.u32 v3, $0x10;
	[tilespmem:v14+s19+$0x0] =	vst.idx.add.s32.msk vm6, v1  }
0x159: {  	v9 =	vsel vm8, v9, v18;
	v10 =	vadd.f32 v7, v12;
	vm6 =	vgt.s32 v11, v2;
	v7 =	vld [tilespmem:s1+$0x2040]  }
0x15a: {  	v18 =	vmin.f32 v9, v3;
	v14 =	vnsel vm6, $0x0, v3;
	v12 =	vshrl.u32 v4, $0x10;
	[tilespmem:v15+s19+$0x0] =	vst.idx.add.s32.msk vm5, v1  }
0x15b: {  	v15 =	vsel vm6, v18, v9;
	v10 =	vadd.f32 v14, v10;
	vm5 =	vgt.s32 v12, v2;
	v9 =	vld [tilespmem:s1+$0x2050]  }
0x15c: {  	v20 =	vmin.f32 v15, v4;
	v18 =	vnsel vm5, $0x0, v4;
	v14 =	vshrl.u32 v6, $0x10;
	[tilespmem:v16+s19+$0x0] =	vst.idx.add.s32.msk vm4, v1  }
0x15d: {  	v16 =	vadd.f32 v18, v10;
	v18 =	vsel vm5, v20, v15;
	vm4 =	vgt.s32 v14, v2;
	v10 =	vld [tilespmem:s1+$0x2060]  }
0x15e: {  	[tilespmem:v13+s19+$0x0] =	vst.idx.add.s32.msk vm7, v1;
	v13 =	vnsel vm4, $0x0, v6;
	v20 =	vmin.f32 v18, v6;
	v15 =	vshrl.u32 v7, $0x10  }
.Ltmp5:
0x15f: {  	v21 =	vadd.f32 v13, v16;
	v18 =	vsel vm4, v20, v18;
	vm4 =	vgt.s32 v15, v2;
	v13 =	vld [tilespmem:s1+$0x2070];
	(pc) =	sbr.rel @p1 .LBB2_13-.Ltmp5, $4  }
0x160: {  	v20 =	vnsel vm4, $0x0, v7;
	v22 =	vmin.f32 v18, v7;
	v16 =	vshrl.u32 v9, $0x10;
	[tilespmem:v17+s19+$0x0] =	vst.idx.add.s32.msk vm3, v1  }
0x161: {  	v20 =	vadd.f32 v20, v21;
	v18 =	vsel vm4, v22, v18;
	vm3 =	vgt.s32 v16, v2  }
0x162: {  	v21 =	vnsel vm3, $0x0, v9;
	v22 =	vmin.f32 v18, v9;
	v17 =	vshrl.u32 v10, $0x10;
	[tilespmem:v19+s19+$0x0] =	vst.idx.add.s32.msk vm2, v1  }
0x163: {  	s30 =	sadd.s32 $0x40, s30;
	s31 =	sadd.s32 $0x400, s31;
	s0 =	sadd.s32 $0x80, s0;
	v19 =	vadd.f32 v21, v20;
	v18 =	vsel vm3, v22, v18;
	vm2 =	vgt.s32 v17, v2  }
0x164: {  	_ = 	snop  }
0x165: {  	vm3 =	veq.s32 v11, v2  }
0x166: {  	vm4 =	veq.s32 v12, v2;
	v3 =	vand.u32 $0xFFFF, v3  }
0x167: {  	vm5 =	veq.s32 v14, v2;
	v4 =	vand.u32 $0xFFFF, v4  }
0x168: {  	vm6 =	veq.s32 v15, v2;
	v6 =	vand.u32 $0xFFFF, v6  }
0x169: {  	[tilespmem:v8+s19+$0x0] =	vst.idx.add.s32.msk vm1, v1;
	vm12 =	veq.s32 v16, v2;
	v7 =	vand.u32 $0xFFFF, v7;
	v62 =	vshrl.u32 v13, $0x10  }
0x16a: {  	[tilespmem:v5+s19+$0x0] =	vst.idx.add.s32.msk vm0, v1;
	v5 =	vand.u32 $0xFFFF, v9;
	vm14 =	veq.s32 v62, v2  }
0x16b: {  	vm13 =	veq.s32 v17, v2;
	v63 =	vand.u32 $0xFFFF, v13;
	[tilespmem:v3+s19+$0x0] =	vst.idx.add.s32.msk vm3, v1  }
0x16c: {  	v3 =	vand.u32 $0xFFFF, v10;
	[tilespmem:v4+s19+$0x0] =	vst.idx.add.s32.msk vm4, v1  }
0x16d: {  	[tilespmem:v6+s19+$0x0] =	vst.idx.add.s32.msk vm5, v1  }
0x16e: {  	[tilespmem:v7+s19+$0x0] =	vst.idx.add.s32.msk vm6, v1  }
0x16f: {  	[tilespmem:v5+s19+$0x0] =	vst.idx.add.s32.msk vm12, v1  }
0x170: {  	s0 =	sadd.s32 @!p0 s14, s28;
	[tilespmem:v63+s19+$0x0] =	vst.idx.add.s32.msk vm14, v1  }
0x171: {  	s1 =	simm.s32 @!p0 $0x0;
	s2 =	simm.s32 @!p0 $0x2000;
	p1 =	sne.s32 @!p0 s26, $0x15;
	[tilespmem:v3+s19+$0x0] =	vst.idx.add.s32.msk vm13, v1  }
0x172: {  	[tilespmem:s2], [sflag:$0x2] =	stream.linear.gather @!p0 [hbm4b:s0+s1], $0x2000, $0x38;
	[tilespmem:$0x14100] =	vst v63  }
0x173: {  	p0 =	por p0, !p1  }
.Ltmp6:
0x174: {  	_ = 	snop;
	(pc) =	sbr.rel @!p0 .LBB2_10-.Ltmp6, $4  }
0x175: {  	v4 =	vmin.f32 v18, v10;
	v3 =	vnsel vm2, $0x0, v10  }
0x176: {  	vm15 =	vgt.s32 v62, v2;
	v5 =	vsel vm2, v4, v18;
	v3 =	vadd.f32 v3, v19  }
0x177: {  	v4 =	vnsel vm15, $0x0, v13;
	v6 =	vmin.f32 v5, v13  }
0x178: {  	v4 =	vadd.f32 v4, v3;
	v3 =	vsel vm15, v6, v5  }
0x179: {  	[tilespmem:$0x14090] =	vst v3  }
0x17a: {  	[tilespmem:$0x14080] =	vst v4  }
0x17b: {  	[hbm4b:s8+s21] =	stream.strided.scatter [tilespmem:s19], [sflag:$0x3], $0x10000, s22, s21, $0x38;
	[tilespmem:$0x14100] =	vst v63  }
0x17c: {  	s24 =	sadd.s32 $0x1, s24;
	_ =	swait.ge [sflag:s16], $0x10000  }
0x17d: {  	p0 =	sne.s32 s24, s10;
	[sflag:s16] =	ssyncset.done $0x0  }
.Ltmp7:
0x17e: {  	[sflag:s16] =	ssyncadd.s32 $0xFFFF0000;
	(pc) =	sbr.rel @p0 .LBB2_1-.Ltmp7, $4  }
0x17f: {  	[hbm4b:s9+s3] =	stream.linear.scatter [tilespmem:s23], [sflag:$0x3], $0x80, $0x38;
	[tilespmem:$0x14100] =	vst v63  }
0x180: {  	_ =	swait.ge [sflag:s16], $0x80  }
0x181: {  	[sflag:s16] =	ssyncset.done $0x0  }
0x182: {  	[sflag:s16] =	ssyncadd.s32 $0xFFFFFF80  }
0x183: {  	_ =	sfence.sel $0x180000  }
0x184: {  	[bflag:$0x0] =	sbarrier.arrive $0xFFFF  }
0x185: {  	_ =	strace $0x9000004D  }
0x186: {  	s0 =	stileid.u32;
	[bflag:$0x2] =	sbarrier.arrive $0xFFFF  }
0x187: {  	p0 =	sne.s32 s0, $0x0;
	s0 =	rddreg [dreg:$0x2]  }
0x188: {  	s0 =	sadd.s32 @!p0 $0x100000, s0  }
0x189: {  	[sflag:s0] =	ssyncadd.tile.s32 @!p0 $0x1;
	_ =	shalt  }
.Lfunc_end2:
_tile_overlayer_lowered:
.L_overlay_start_2:
0x18a: {  	(tag) =	ssettag $0x2  }
0x18b: {  	s0 =	rddreg [dreg:$0x0];
	s2 =	stileid.u32  }
0x18c: {  	s1 =	rddreg [dreg:$0x1];
	p0 =	sne.s32 s2, $0x0  }
0x18d: {  	s3 =	rddreg [dreg:$0x2];
	[bflag:$0x3] =	sbarrier.arrive $0xFFFF;
	s2 =	simm.s32 @!p0 $0x1C03  }
0x18e: {  	[timem:s3], [sflag:s2] =	dma.local @!p0 [hbm:s0], s1  }
0x18f: {  	s0 =	simm.s32 @!p0 $0x3  }
0x190: {  	_ =	swait.ge @!p0 [sflag:s0], s1  }
0x191: {  	s1 =	ssub.s32 @!p0 $0x0, s1;
	[sflag:s0] =	ssyncset.done @!p0 $0x0  }
0x192: {  	[sflag:s0] =	ssyncadd.s32 @!p0 s1  }
0x193: {  	[bflag:$0x3] =	sbarrier.arrive $0xFFFF  }
0x194: {  	_ =	shalt  }

// kernel: kernel.9.cloned.1.call-start
scs
__scs_entry_jumppad:
0x0: {  	(pc) =	sbr.rel $0x88, $3  }
0x1: {  	(tag) =	ssettag $0x0;
	lr =	simm.s32 $0x1  }
0x2: {  	[smem:$0x3F9F] =	sst lr;
	_ =	strace $0xD0000000  }
0x3: {  	_ = 	snop  }
0x4: {  	_ = 	snop  }
0x5: {  	_ = 	snop  }
0x6: {  	_ = 	snop  }
0x7: {  	_ = 	snop  }
__scs_overlays_trampoline_lowered:
0x8: {  	[smem:$0x3FAE] =	sst s0  }
0x9: {  	[smem:$0x3FAF] =	sst s1  }
0xa: {  	[smem:$0x3FB0] =	sst s2  }
0xb: {  	[smem:$0x3FB1] =	sst s3  }
0xc: {  	[smem:$0x3FB2] =	sst s4  }
0xd: {  	[smem:$0x3FB3] =	sst s5  }
0xe: {  	[smem:$0x3FB4] =	sst s6  }
0xf: {  	[smem:$0x3FB5] =	sst s7  }
0x10: {  	[smem:$0x3FB6] =	sst s8  }
0x11: {  	[smem:$0x3FB7] =	sst s9;
	s0 =	simm.s32 @!p0 $0x0  }
0x12: {  	s1 =	sld [smem:$0x3F9D];
	s0 =	simm.s32 @p0 $0x1  }
0x13: {  	[smem:$0x3FB8] =	sst s0;
	s0 =	simm.s32 @!p1 $0x0  }
0x14: {  	s2 =	sld [smem:$0x3F9C];
	s0 =	simm.s32 @p1 $0x1  }
0x15: {  	[smem:$0x3FB9] =	sst s0;
	s0 =	simm.s32 @!p2 $0x0  }
0x16: {  	s3 =	sld [smem:$0x3FDB];
	s0 =	simm.s32 @p2 $0x1  }
0x17: {  	s4 =	simm.s32 $0x1BF5;
	[smem:$0x3FBB] =	sst s0  }
0x18: {  	s0 =	sld [smem:$0x3F9E];
	_ =	swait.ge [sflag:s4], $0x0  }
0x19: {  	s7 =	sld [smem:$0x3F9F]  }
0x1a: {  	s8 =	sadd.s32 $0xFFFFE003, lr  }
0x1b: {  	s9 =	sadd.s32 $0xFFFFFEF7, lr;
	s5 =	simm.s32 $0xFFFFFFFF;
	p2 =	slt.u32 s8, $0xFFFFF086  }
0x1c: {  	p1 =	slt.u32 s9, $0xF7A;
	s5 =	simm.s32 @!p2 $0x0  }
0x1d: {  	s5 =	simm.s32 @p1 $0x1;
	p0 =	seq.s32 s7, s2  }
0x1e: {  	s7 =	smul.u32 @!p0 $0xF7A, s2;
	p2 =	seq.s32 @!p0 s5, $0x0  }
0x1f: {  	s9 =	smul.u32 $0xF7A, s1;
	s8 =	simm.s32 @!p0 $0x1BF5;
	p2 =	por !p2, p0  }
0x20: {  	[sflag:s8] =	ssyncset.s32 @!p0 $0xFFFFF086;
	s6 =	sadd.s32 @!p0 s3, s7;
	s7 =	simm.s32 @!p0 $0x108  }
0x21: {  	s3 =	sadd.s32 s3, s9;
	s6 =	sadd.s32 @!p0 $0x88, s6;
	s7 =	simm.s32 @p2 $0x1082  }
0x22: {  	[simem:s7], [sflag:s8] =	dma.local @!p0 [hbm:s6], $0xF7A  }
0x23: {  	s9 =	sor.u32 $0xD0000000, s2;
	s6 =	simm.s32 $0x108;
	_ =	swait.ge @!p0 [sflag:s8], $0x0  }
0x24: {  	s3 =	sadd.s32 $0x88, s3;
	s6 =	simm.s32 @!p1 $0x1082;
	[sflag:s4] =	ssyncset.s32 $0xFFFFF086  }
0x25: {  	[simem:s6], [sflag:s4] =	dma.local [hbm:s3], $0xF7A  }
0x26: {  	[smem:$0x3F9F] =	sst s1;
	(tag) =	ssettag s2;
	_ =	strace s9  }
0x27: {  	s1 =	sld [smem:$0x3FAF]  }
0x28: {  	s2 =	sld [smem:$0x3FB0]  }
0x29: {  	s4 =	sld [smem:$0x3FB2]  }
0x2a: {  	p0 =	seq.s32 s5, $0x0;
	s5 =	sld [smem:$0x3FB3]  }
0x2b: {  	s6 =	sld [smem:$0x3FB4]  }
0x2c: {  	s7 =	sld [smem:$0x3FB5]  }
0x2d: {  	s3 =	simm.s32 $0x108;
	s8 =	sld [smem:$0x3FB6]  }
0x2e: {  	s3 =	simm.s32 @!p0 $0x1082;
	s9 =	sld [smem:$0x3FB7]  }
0x2f: {  	lr =	sadd.s32 s0, s3;
	s0 =	sld [smem:$0x3FAE]  }
0x30: {  	s3 =	sld [smem:$0x3FB1]  }
0x31: {  	[smem:$0x3FBA] =	sst s10  }
0x32: {  	s10 =	sld [smem:$0x3FB8];
	_ =	sdelay $0x3  }
0x33: {  	p0 =	seq.s32 s10, $0x1;
	s10 =	sld [smem:$0x3FBA];
	_ =	sdelay $0x3  }
0x34: {  	[smem:$0x3FBA] =	sst s10  }
0x35: {  	s10 =	sld [smem:$0x3FB9];
	_ =	sdelay $0x3  }
0x36: {  	p1 =	seq.s32 s10, $0x1;
	s10 =	sld [smem:$0x3FBA];
	_ =	sdelay $0x3  }
0x37: {  	[smem:$0x3FBA] =	sst s10  }
0x38: {  	s10 =	sld [smem:$0x3FBB]  }
0x39: {  	_ = 	snop;
	(pc) =	sbr.ind lr, $3  }
0x3a: {  	_ = 	snop  }
0x3b: {  	_ = 	snop  }
0x3c: {  	p2 =	seq.s32 s10, $0x1;
	s10 =	sld [smem:$0x3FBA]  }
0x3d: {  	_ =	shalt  }
0x3e: {  	_ =	shalt  }
0x3f: {  	_ =	shalt  }
0x40: {  	_ =	shalt  }
0x41: {  	_ =	shalt  }
0x42: {  	_ =	shalt  }
0x43: {  	_ =	shalt  }
0x44: {  	_ =	shalt  }
0x45: {  	_ =	shalt  }
0x46: {  	_ =	shalt  }
0x47: {  	_ =	shalt  }
0x48: {  	_ =	shalt  }
0x49: {  	_ =	shalt  }
0x4a: {  	_ =	shalt  }
0x4b: {  	_ =	shalt  }
0x4c: {  	_ =	shalt  }
0x4d: {  	_ =	shalt  }
0x4e: {  	_ =	shalt  }
0x4f: {  	_ =	shalt  }
0x50: {  	_ =	shalt  }
0x51: {  	_ =	shalt  }
0x52: {  	_ =	shalt  }
0x53: {  	_ =	shalt  }
0x54: {  	_ =	shalt  }
0x55: {  	_ =	shalt  }
0x56: {  	_ =	shalt  }
0x57: {  	_ =	shalt  }
0x58: {  	_ =	shalt  }
0x59: {  	_ =	shalt  }
0x5a: {  	_ =	shalt  }
0x5b: {  	_ =	shalt  }
0x5c: {  	_ =	shalt  }
0x5d: {  	_ =	shalt  }
0x5e: {  	_ =	shalt  }
0x5f: {  	_ =	shalt  }
0x60: {  	_ =	shalt  }
0x61: {  	_ =	shalt  }
0x62: {  	_ =	shalt  }
0x63: {  	_ =	shalt  }
0x64: {  	_ =	shalt  }
0x65: {  	_ =	shalt  }
0x66: {  	_ =	shalt  }
0x67: {  	_ =	shalt  }
0x68: {  	_ =	shalt  }
0x69: {  	_ =	shalt  }
0x6a: {  	_ =	shalt  }
0x6b: {  	_ =	shalt  }
0x6c: {  	_ =	shalt  }
0x6d: {  	_ =	shalt  }
0x6e: {  	_ =	shalt  }
0x6f: {  	_ =	shalt  }
0x70: {  	_ =	shalt  }
0x71: {  	_ =	shalt  }
0x72: {  	_ =	shalt  }
0x73: {  	_ =	shalt  }
0x74: {  	_ =	shalt  }
0x75: {  	_ =	shalt  }
0x76: {  	_ =	shalt  }
0x77: {  	_ =	shalt  }
0x78: {  	_ =	shalt  }
0x79: {  	_ =	shalt  }
0x7a: {  	_ =	shalt  }
0x7b: {  	_ =	shalt  }
0x7c: {  	_ =	shalt  }
0x7d: {  	_ =	shalt  }
0x7e: {  	_ =	shalt  }
0x7f: {  	_ =	shalt  }
0x80: {  	_ =	shalt  }
0x81: {  	_ =	shalt  }
0x82: {  	_ =	shalt  }
0x83: {  	_ =	shalt  }
0x84: {  	_ =	shalt  }
0x85: {  	_ =	shalt  }
0x86: {  	_ =	shalt  }
0x87: {  	_ =	shalt  }
.Lfunc_end0:
.L_simem_size_0:
called_computation_lowered:
.L_overlay_start_0:
0x88: {  	s2 =	sld [smem:$0x3FD9]  }
0x89: {  	s3 =	sld [smem:$0x3FFE];
	_ =	sdelay $0x1  }
0x8a: {  	s1 =	srdreg.scid  }
0x8b: {  	s0 =	sand.u32 $0x1, s1  }
0x8c: {  	s17 =	sshll.u32 s0, $0xA;
	s2 =	sadd.s32 s3, s2  }
0x8d: {  	s2 =	sadd.s32 s2, s17  }
0x8e: {  	[smem:$0x3FC6] =	sst s2  }
0x8f: {  	_ = 	snop  }
0x90: {  	(tm) =	ssettm $0x1  }
0x91: {  	s18 =	sld [smem:$0x3FFB];
	_ =	sdelay $0x3  }
0x92: {  	_ =	strace s18  }
0x93: {  	s2 =	sld [smem:$0x3FFC];
	_ =	sdelay $0x3  }
0x94: {  	_ =	strace s2  }
0x95: {  	s2 =	sld [smem:$0x3FFD];
	_ =	sdelay $0x3  }
0x96: {  	_ =	strace s2  }
0x97: {  	_ =	strace $0x8FFFFFFF  }
0x98: {  	s19 =	sld [smem:$0x3FDB];
	_ =	sdelay $0x1  }
0x99: {  	s20 =	simm.s32 $_scs_section_size  }
0x9a: {  	s4 =	simm.s32 $_size__tile_overlayer_lowered;
	s5 =	simm.s32 $_tile_overlayer_lowered  }
0x9b: {  	s6 =	simm.s32 $0x1BFF;
	s21 =	sshll.u32 s5, $0x1;
	s3 =	sadd.s32 s20, s19  }
0x9c: {  	s22 =	simm.s32 $0x0;
	s4 =	sshll.u32 s4, $0x1;
	s5 =	sadd.s32 s21, s3  }
0x9d: {  	[timem:s22], [sflag:s6] =	dma.local [hbm:s5], s4  }
0x9e: {  	_ =	swait.ge [sflag:s6], s4  }
0x9f: {  	s4 =	ssub.s32 $0x0, s4;
	[sflag:s6] =	ssyncset.done $0x0  }
0xa0: {  	[sflag:s6] =	ssyncadd.s32 s4;
	_ =	sdelay $0x1  }
0xa1: {  	s23 =	simm.s32 $0x1B8B  }
0xa2: {  	_ =	swait.ge [sflag:s23], $0x1  }
0xa3: {  	[sflag:s23] =	ssyncset.done $0x0  }
0xa4: {  	[sflag:s23] =	ssyncadd.s32 $0xFFFFFFFF  }
0xa5: {  	s4 =	sld [smem:$0x0]  }
0xa6: {  	s5 =	sand.u32 $0xFFFFFFFE, s1  }
0xa7: {  	p0 =	sne.s32 s1, s5  }
0xa8: {  	s5 =	sshll.u32 @p0 s5, $0xE  }
0xa9: {  	s5 =	sadd.s32 @p0 $0x11B8D, s5;
	s6 =	sshll.u32 @p0 s4, $0x11  }
0xaa: {  	s5 =	sor.u32 @p0 s6, s5  }
0xab: {  	[sflag:s5] =	ssyncadd.remote.s32 @p0 $0x1;
	_ =	sdelay $0x1  }
0xac: {  	s5 =	simm.s32 @p0 $0x1B8D  }
0xad: {  	_ =	swait.eq @p0 [sflag:s5], $0x1  }
0xae: {  	[sflag:s5] =	ssyncadd.s32 @p0 $0xFFFFFFFF  }
0xaf: {  	s6 =	sshll.u32 @!p0 s1, $0xE  }
0xb0: {  	s6 =	sor.u32 @!p0 $0x4000, s6;
	s5 =	simm.s32 @!p0 $0x1B8D  }
0xb1: {  	s4 =	sshll.u32 @!p0 s4, $0x11;
	s6 =	sadd.s32 @!p0 $0x11B8D, s6;
	_ =	swait.eq @!p0 [sflag:s5], $0x1  }
0xb2: {  	s4 =	sor.u32 @!p0 s4, s6;
	[sflag:s5] =	ssyncadd.s32 @!p0 $0xFFFFFFFF  }
0xb3: {  	s25 =	simm.s32 $0x1B8E;
	s24 =	sld [smem:$0x3FFE];
	[sflag:s4] =	ssyncadd.remote.s32 @!p0 $0x1  }
0xb4: {  	s26 =	simm.s32 $execute0_lowered;
	[smem:$0x3FD2] =	sst s25  }
0xb5: {  	s5 =	sshll.u32 s26, $0x1;
	_ =	strace $0x80000049;
	[dreg:$0x1] =	wrdreg $0xFFFFFFFF  }
0xb6: {  	s28 =	simm.s32 $_size_execute0_lowered;
	s3 =	sadd.s32 s3, s5;
	[dreg:$0x0] =	wrdreg $0x0  }
0xb7: {  	s5 =	sshll.u32 s28, $0x1;
	[dreg:$0x2] =	wrdreg s3  }
0xb8: {  	[dreg:$0x3] =	wrdreg s5  }
0xb9: {  	[dreg:$0x4] =	wrdreg $0xC0  }
0xba: {  	_ =	task [dreg:s22], $0x5FFFF  }
0xbb: {  	[dreg:$0x1] =	wrdreg $0xFFFFFFFF  }
0xbc: {  	[dreg:$0x0] =	wrdreg $0x60  }
0xbd: {  	[dreg:$0x2] =	wrdreg s24  }
0xbe: {  	[dreg:$0x3] =	wrdreg $0x9  }
0xbf: {  	_ =	task.clear_ibuf [dreg:s22], $0x4FFFF;
	_ =	strace $0x90000049  }
0xc0: {  	s29 =	simm.s32 $0x9;
	_ =	strace $0x8000004B  }
0xc1: {  	_ =	swait.ge [sflag:s29], $0x1  }
0xc2: {  	[sflag:s29] =	ssyncadd.s32 $0xFFFFFFFF  }
0xc3: {  	_ =	strace $0x9000004B  }
0xc4: {  	_ =	sfence  }
0xc5: {  	s30 =	sld [smem:$0x0];
	_ =	sdelay $0x2  }
0xc6: {  	s31 =	sshll.u32 s1, $0xD;
	s1 =	sshrl.u32 s1, $0x2  }
0xc7: {  	s4 =	sand.u32 $0x4000, s31;
	s1 =	sadd.s32 s1, s30  }
0xc8: {  	s0 =	sor.u32 s4, s0;
	s1 =	sshll.u32 s1, $0x11  }
0xc9: {  	s0 =	sor.u32 s1, s0  }
0xca: {  	s0 =	sadd.s32 $0x8F2B, s0  }
0xcb: {  	[sflag:s0] =	ssyncadd.remote.s32 $0x1  }
0xcc: {  	_ =	sfence.sel $0xFFFF  }
0xcd: {  	[dreg:$0x0] =	wrdreg $0xFFFFFFFF;
	(pc) =	sbr.abs _section_cstart, $3  }
0xce: {  	[dreg:$0x1] =	wrdreg $0xFFFFFFFF  }
0xcf: {  	_ =	task.clear_ibuf [dreg:s22], $0x2FFFF;
	_ =	strace $0x9FFFFFFF  }
0xd0: {  	(tm) =	ssettm $0x7FFFFFFF  }
0xd1: {  	_ =	shalt  }
tec
execute0_lowered:
.L_overlay_start_1:
0x0: {  	(tag) =	ssettag $0x1  }
0x1: {  	s1 =	srdreg.scid;
	s0 =	stileid.u32  }
0x2: {  	s3 =	rddreg [dreg:$0x0];
	s2 =	simm.s32 $0x0;
	s9 =	simm.s32 $0x2000  }
0x3: {  	s10 =	simm.s32 $0x1;
	s11 =	simm.s32 $0x4000;
	s12 =	simm.s32 $0x2  }
0x4: {  	s13 =	simm.s32 $0x80;
	s14 =	simm.s32 $0x400;
	s15 =	simm.s32 $0x3  }
0x5: {  	s4 =	sand.u32 $0x1, s1;
	s5 =	sshll.u32 s0, $0x1;
	s1 =	rddreg [dreg:$0x1]  }
0x6: {  	[smem:$0x7FF] =	sst s2;
	s5 =	sor.u32 s4, s5;
	s4 =	ssub.s32 $0x2, s4  }
0x7: {  	s31 =	sshll.u32 s0, $0xE;
	s6 =	smul.u32 $0xA800, s5;
	s7 =	sshrl.u32 s4, $0x1  }
0x8: {  	_ =	strace $0x8000004A;
	s5 =	sshll.u32 s5, $0x4;
	s7 =	ssub.s32 s4, s7  }
0x9: {  	s5 =	sand.u32 $0x70, s5;
	s8 =	sadd.s32 s6, s3;
	s6 =	sand.u32 $0x30000, s31  }
0xa: {  	s6 =	sadd.s32 s6, s3;
	s3 =	sadd.s32 $0x191A00, s8;
	s4 =	sadd.s32 $0x191E00, s8  }
0xb: {  	s5 =	sadd.s32 s5, s6;
	s6 =	smax.u32 s7, $0x1;
	s7 =	sadd.s32 $0x192200, s8  }
0xc: {  	v0 =	vimm.s32 $0x0;
	v1 =	vimm.s32 $0x1;
	s16 =	simm.s32 $0x0;
	s8 =	sadd.s32 $0x192600, s8;
	s5 =	sadd.s32 $0x2E1A00, s5  }
.LBB2_1:
0xd: {  	[tilespmem:s2], [sflag:$0x1] =	stream.linear.gather [hbm4b:s3+s2], $0x2000, $0x38;
	[tilespmem:$0x14000] =	vst v63  }
0xe: {  	s17 =	simm.s32 $0x40;
	s18 =	simm.s32 $0x0  }
0xf: {  	[tilespmem:s9], [sflag:$0x2] =	stream.linear.gather [hbm4b:s4+s2], $0x2000, $0x38;
	[tilespmem:$0x14000] =	vst v63  }
.LBB2_2:
0x10: {  	p0 =	sne.s32 s17, $0x3FFC0;
	[tilespmem:s18+$0x4000] =	vst v0;
	s18 =	smov.u32 s17;
	s17 =	sadd.s32 $0x40, s17  }
.Ltmp0:
0x11: {  	(pc) =	sbr.rel @p0 .LBB2_2-.Ltmp0, $2  }
0x12: {  	_ =	sdelay $0x2  }
0x13: {  	s18 =	sshra.s32 s18, $0x2  }
0x14: {  	[tilespmem:s18+$0x4000] =	vst v0;
	s17 =	simm.s32 $0x0;
	s18 =	simm.s32 $0x0  }
.LBB2_4:
0x15: {  	_ =	swait.ge [sflag:s10], $0x2000;
	s19 =	sand.u32 $0x1800, s17;
	s20 =	sand.u32 $0x400, s17  }
0x16: {  	s21 =	sand.u32 $0x380, s17;
	[sflag:s10] =	ssyncset.done $0x0;
	s19 =	sor.u32 s20, s19  }
0x17: {  	[sflag:s10] =	ssyncadd.s32 $0xFFFFE000;
	s19 =	sor.u32 s21, s19  }
0x18: {  	v2 =	vld [tilespmem:s19+$0x70]  }
0x19: {  	v3 =	vld [tilespmem:s19+$0x0]  }
0x1a: {  	v4 =	vld [tilespmem:s19+$0x10]  }
0x1b: {  	v5 =	vld [tilespmem:s19+$0x20]  }
0x1c: {  	v7 =	vld [tilespmem:s19+$0x30]  }
0x1d: {  	v8 =	vld [tilespmem:s19+$0x40];
	v2 =	vshrl.u32 v2, $0x10  }
0x1e: {  	v9 =	vld [tilespmem:s19+$0x50];
	v3 =	vshrl.u32 v3, $0x10  }
0x1f: {  	v11 =	vld [tilespmem:s19+$0x60];
	v10 =	vshrl.u32 v4, $0x10  }
0x20: {  	v6 =	vshrl.u32 v5, $0x10  }
0x21: {  	v4 =	vshrl.u32 v7, $0x10  }
0x22: {  	v5 =	vshrl.u32 v8, $0x10;
	[tilespmem:v2+s11+$0x0] =	vst.idx.add.s32.msk $0xffff, v1  }
0x23: {  	s22 =	simm.s32 $0x80;
	[tilespmem:v3+s11+$0x0] =	vst.idx.add.s32.msk $0xffff, v1  }
0x24: {  	s20 =	simm.s32 $0x40;
	s21 =	simm.s32 $0x400;
	s19 =	simm.s32 $0x0;
	v2 =	vshrl.u32 v9, $0x10;
	[tilespmem:v10+s11+$0x0] =	vst.idx.add.s32.msk $0xffff, v1;
	v3 =	vshrl.u32 v11, $0x10  }
.LBB2_5:
0x25: {  	s23 =	sand.u32 $0x1800, s22;
	s24 =	sand.u32 $0x400, s21;
	s19 =	sadd.s32 $0x8, s19;
	[tilespmem:v6+s11+$0x0] =	vst.idx.add.s32.msk $0xffff, v1  }
0x26: {  	s25 =	sand.u32 $0x380, s20;
	s23 =	sor.u32 s24, s23;
	p0 =	slt.u32 s19, $0x1F8;
	[tilespmem:v4+s11+$0x0] =	vst.idx.add.s32.msk $0xffff, v1  }
0x27: {  	s23 =	sor.u32 s25, s23;
	[tilespmem:v5+s11+$0x0] =	vst.idx.add.s32.msk $0xffff, v1  }
0x28: {  	v4 =	vld [tilespmem:s23+$0x70]  }
0x29: {  	v5 =	vld [tilespmem:s23+$0x0]  }
0x2a: {  	v6 =	vld [tilespmem:s23+$0x10]  }
0x2b: {  	v7 =	vld [tilespmem:s23+$0x20]  }
0x2c: {  	v8 =	vld [tilespmem:s23+$0x30]  }
0x2d: {  	v9 =	vld [tilespmem:s23+$0x40];
	v10 =	vshrl.u32 v4, $0x10  }
0x2e: {  	v11 =	vshrl.u32 v5, $0x10;
	v12 =	vld [tilespmem:s23+$0x50]  }
0x2f: {  	v13 =	vshrl.u32 v6, $0x10;
	v14 =	vld [tilespmem:s23+$0x60]  }
.Ltmp1:
0x30: {  	v6 =	vshrl.u32 v7, $0x10;
	[tilespmem:v2+s11+$0x0] =	vst.idx.add.s32.msk $0xffff, v1;
	(pc) =	sbr.rel @p0 .LBB2_5-.Ltmp1, $4  }
0x31: {  	v4 =	vshrl.u32 v8, $0x10;
	[tilespmem:v3+s11+$0x0] =	vst.idx.add.s32.msk $0xffff, v1  }
0x32: {  	v5 =	vshrl.u32 v9, $0x10;
	[tilespmem:v10+s11+$0x0] =	vst.idx.add.s32.msk $0xffff, v1  }
0x33: {  	[tilespmem:v11+s11+$0x0] =	vst.idx.add.s32.msk $0xffff, v1;
	v2 =	vshrl.u32 v12, $0x10  }
0x34: {  	s20 =	sadd.s32 $0x40, s20;
	s21 =	sadd.s32 $0x400, s21;
	s22 =	sadd.s32 $0x80, s22;
	[tilespmem:v13+s11+$0x0] =	vst.idx.add.s32.msk $0xffff, v1;
	v3 =	vshrl.u32 v14, $0x10  }
0x35: {  	_ =	sdelay $0x3  }
0x36: {  	[tilespmem:v6+s11+$0x0] =	vst.idx.add.s32.msk $0xffff, v1  }
0x37: {  	[tilespmem:v4+s11+$0x0] =	vst.idx.add.s32.msk $0xffff, v1  }
0x38: {  	[tilespmem:v5+s11+$0x0] =	vst.idx.add.s32.msk $0xffff, v1;
	p0 =	seq.s32 s18, $0x14  }
0x39: {  	[tilespmem:v2+s11+$0x0] =	vst.idx.add.s32.msk $0xffff, v1;
	s19 =	sshll.u32 @!p0 s18, $0xB  }
0x3a: {  	[tilespmem:v3+s11+$0x0] =	vst.idx.add.s32.msk $0xffff, v1;
	s30 =	simm.s32 $0x0;
	s21 =	simm.s32 @!p0 $0x0;
	s20 =	sadd.s32 @!p0 s7, s19  }
0x3b: {  	[tilespmem:s21], [sflag:$0x1] =	stream.linear.gather @!p0 [hbm4b:s20+s21], $0x2000, $0x38;
	[tilespmem:$0x14000] =	vst v63  }
0x3c: {  	s31 =	sand.u32 $0x1800, s30;
	s22 =	sand.u32 $0x400, s30;
	_ =	swait.ge [sflag:s12], $0x2000  }
0x3d: {  	s20 =	sand.u32 $0x380, s30;
	s21 =	sor.u32 s22, s31;
	[sflag:s12] =	ssyncset.done $0x0  }
0x3e: {  	s20 =	sor.u32 s20, s21;
	[sflag:s12] =	ssyncadd.s32 $0xFFFFE000  }
0x3f: {  	v2 =	vld [tilespmem:s20+$0x2070]  }
0x40: {  	v3 =	vld [tilespmem:s20+$0x2000]  }
0x41: {  	v4 =	vld [tilespmem:s20+$0x2010]  }
0x42: {  	v5 =	vld [tilespmem:s20+$0x2020]  }
0x43: {  	v7 =	vld [tilespmem:s20+$0x2030]  }
0x44: {  	v8 =	vld [tilespmem:s20+$0x2040];
	v2 =	vshrl.u32 v2, $0x10  }
0x45: {  	v9 =	vld [tilespmem:s20+$0x2050];
	v3 =	vshrl.u32 v3, $0x10  }
0x46: {  	v11 =	vld [tilespmem:s20+$0x2060];
	v10 =	vshrl.u32 v4, $0x10  }
0x47: {  	v6 =	vshrl.u32 v5, $0x10  }
0x48: {  	v4 =	vshrl.u32 v7, $0x10  }
0x49: {  	v5 =	vshrl.u32 v8, $0x10;
	[tilespmem:v2+s11+$0x0] =	vst.idx.add.s32.msk $0xffff, v1  }
0x4a: {  	s23 =	simm.s32 $0x80;
	s18 =	sadd.s32 $0x1, s18;
	[tilespmem:v3+s11+$0x0] =	vst.idx.add.s32.msk $0xffff, v1  }
0x4b: {  	s22 =	simm.s32 $0x400;
	s21 =	simm.s32 $0x40;
	s20 =	simm.s32 $0x0;
	v2 =	vshrl.u32 v9, $0x10;
	[tilespmem:v10+s11+$0x0] =	vst.idx.add.s32.msk $0xffff, v1;
	v3 =	vshrl.u32 v11, $0x10  }
.LBB2_7:
0x4c: {  	s24 =	sand.u32 $0x1800, s23;
	s25 =	sand.u32 $0x400, s22;
	s20 =	sadd.s32 $0x8, s20;
	[tilespmem:v6+s11+$0x0] =	vst.idx.add.s32.msk $0xffff, v1  }
0x4d: {  	s26 =	sand.u32 $0x380, s21;
	s24 =	sor.u32 s25, s24;
	p1 =	slt.u32 s20, $0x1F8;
	[tilespmem:v4+s11+$0x0] =	vst.idx.add.s32.msk $0xffff, v1  }
0x4e: {  	s24 =	sor.u32 s26, s24;
	[tilespmem:v5+s11+$0x0] =	vst.idx.add.s32.msk $0xffff, v1  }
0x4f: {  	v4 =	vld [tilespmem:s24+$0x2070]  }
0x50: {  	v5 =	vld [tilespmem:s24+$0x2000]  }
0x51: {  	v6 =	vld [tilespmem:s24+$0x2010]  }
0x52: {  	v7 =	vld [tilespmem:s24+$0x2020]  }
0x53: {  	v8 =	vld [tilespmem:s24+$0x2030]  }
0x54: {  	v9 =	vld [tilespmem:s24+$0x2040];
	v10 =	vshrl.u32 v4, $0x10  }
0x55: {  	v11 =	vshrl.u32 v5, $0x10;
	v12 =	vld [tilespmem:s24+$0x2050]  }
0x56: {  	v13 =	vshrl.u32 v6, $0x10;
	v14 =	vld [tilespmem:s24+$0x2060]  }
.Ltmp2:
0x57: {  	v6 =	vshrl.u32 v7, $0x10;
	[tilespmem:v2+s11+$0x0] =	vst.idx.add.s32.msk $0xffff, v1;
	(pc) =	sbr.rel @p1 .LBB2_7-.Ltmp2, $4  }
0x58: {  	v4 =	vshrl.u32 v8, $0x10;
	[tilespmem:v3+s11+$0x0] =	vst.idx.add.s32.msk $0xffff, v1  }
0x59: {  	v5 =	vshrl.u32 v9, $0x10;
	[tilespmem:v10+s11+$0x0] =	vst.idx.add.s32.msk $0xffff, v1  }
0x5a: {  	[tilespmem:v11+s11+$0x0] =	vst.idx.add.s32.msk $0xffff, v1;
	v2 =	vshrl.u32 v12, $0x10  }
0x5b: {  	s21 =	sadd.s32 $0x40, s21;
	s22 =	sadd.s32 $0x400, s22;
	s23 =	sadd.s32 $0x80, s23;
	[tilespmem:v13+s11+$0x0] =	vst.idx.add.s32.msk $0xffff, v1;
	v3 =	vshrl.u32 v14, $0x10  }
0x5c: {  	_ =	sdelay $0x3  }
0x5d: {  	[tilespmem:v6+s11+$0x0] =	vst.idx.add.s32.msk $0xffff, v1  }
0x5e: {  	[tilespmem:v4+s11+$0x0] =	vst.idx.add.s32.msk $0xffff, v1  }
0x5f: {  	[tilespmem:v5+s11+$0x0] =	vst.idx.add.s32.msk $0xffff, v1  }
0x60: {  	[tilespmem:v2+s11+$0x0] =	vst.idx.add.s32.msk $0xffff, v1;
	s19 =	sadd.s32 @!p0 s8, s19  }
0x61: {  	[tilespmem:v3+s11+$0x0] =	vst.idx.add.s32.msk $0xffff, v1;
	s20 =	simm.s32 @!p0 $0x0;
	s21 =	simm.s32 @!p0 $0x2000;
	p1 =	sne.s32 @!p0 s18, $0x15  }
0x62: {  	[tilespmem:s21], [sflag:$0x2] =	stream.linear.gather @!p0 [hbm4b:s19+s20], $0x2000, $0x38;
	[tilespmem:$0x14000] =	vst v63  }
0x63: {  	p0 =	por p0, !p1  }
.Ltmp3:
0x64: {  	_ = 	snop;
	(pc) =	sbr.rel @!p0 .LBB2_4-.Ltmp3, $1  }
0x65: {  	_ =	sdelay $0x3  }
0x66: {  	s16 =	sadd.s32 $0x1, s16  }
0x67: {  	p0 =	sne.s32 s16, s6  }
.Ltmp4:
0x68: {  	_ = 	snop;
	(pc) =	sbr.rel @p0 .LBB2_1-.Ltmp4, $4  }
0x69: {  	[hbm4b:s5+s13] =	stream.strided.scatter [tilespmem:s11], [sflag:$0x3], $0x10000, s14, s13, $0x38;
	[tilespmem:$0x14000] =	vst v63  }
0x6a: {  	_ =	swait.ge [sflag:s15], $0x10000  }
0x6b: {  	[sflag:s15] =	ssyncset.done $0x0  }
0x6c: {  	[sflag:s15] =	ssyncadd.s32 $0xFFFF0000  }
0x6d: {  	_ =	sfence.sel $0x180000  }
0x6e: {  	[bflag:$0x0] =	sbarrier.arrive $0xFFFF  }
0x6f: {  	p0 =	sne.s32 s0, $0x0;
	_ =	strace $0x9000004A  }
0x70: {  	s0 =	sadd.s32 @!p0 $0x100000, s1;
	[bflag:$0x2] =	sbarrier.arrive $0xFFFF  }
0x71: {  	[sflag:s0] =	ssyncadd.tile.s32 @!p0 $0x1;
	_ =	shalt  }
.Lfunc_end2:
_tile_overlayer_lowered:
.L_overlay_start_2:
0x72: {  	(tag) =	ssettag $0x2  }
0x73: {  	s0 =	rddreg [dreg:$0x0];
	s2 =	stileid.u32  }
0x74: {  	s1 =	rddreg [dreg:$0x1];
	p0 =	sne.s32 s2, $0x0  }
0x75: {  	s3 =	rddreg [dreg:$0x2];
	[bflag:$0x3] =	sbarrier.arrive $0xFFFF;
	s2 =	simm.s32 @!p0 $0x1C03  }
0x76: {  	[timem:s3], [sflag:s2] =	dma.local @!p0 [hbm:s0], s1  }
0x77: {  	s0 =	simm.s32 @!p0 $0x3  }
0x78: {  	_ =	swait.ge @!p0 [sflag:s0], s1  }
0x79: {  	s1 =	ssub.s32 @!p0 $0x0, s1;
	[sflag:s0] =	ssyncset.done @!p0 $0x0  }
0x7a: {  	[sflag:s0] =	ssyncadd.s32 @!p0 s1  }
0x7b: {  	[bflag:$0x3] =	sbarrier.arrive $0xFFFF  }
0x7c: {  	_ =	shalt  }

</sc_bundles>
